<compile_context>
chip_gen: v7x
topology: tpu7x:2x2x1
jax: 0.10.2.dev20260603
libtpu: 0.0.44.dev20260713+nightly
codegen_flags: <defaults>
</compile_context>

<pallas_src>
import functools

import jax
import jax.numpy as jnp
from jax import lax
from jax.experimental import pallas as pl
from jax.experimental.pallas import tpu as pltpu
from jax.experimental.pallas import tpu_sc as plsc

N = 50000
CIN = 32
COUT = 32
KV = 27
G = 70
R = 343040
DUMP = 343000
NP = 50176
NPAD = 50008
NQ = NP * KV
NSLAB = 2
NPS = NP // NSLAB
NQS = NPS * KV
NW = 32

BUILD_CHUNK = 1072
Q_CHUNK = 1008
HALF = Q_CHUNK // 2

_mesh = plsc.VectorSubcoreMesh(core_axis_name="c", subcore_axis_name="s")
_sc_params = pltpu.CompilerParams(use_tc_tiling_on_sc=False)


@functools.partial(
    pl.kernel,
    out_type=jax.ShapeDtypeStruct((R, CIN), jnp.bfloat16),
    mesh=_mesh,
    compiler_params=_sc_params,
    scratch_types=[pltpu.SemaphoreType.DMA, pltpu.SemaphoreType.DMA],
)
def _build_table(gridmin_hbm, feats_hbm, table_hbm, sem0, sem1):
    def body(i_vmem, o_vmem):
        d0 = pltpu.async_copy(
            feats_hbm.at[i_vmem.at[0, pl.ds(0, BUILD_CHUNK // 2)]],
            o_vmem.at[pl.ds(0, BUILD_CHUNK // 2)], sem0)
        d1 = pltpu.async_copy(
            feats_hbm.at[i_vmem.at[0, pl.ds(BUILD_CHUNK // 2,
                                            BUILD_CHUNK // 2)]],
            o_vmem.at[pl.ds(BUILD_CHUNK // 2, BUILD_CHUNK // 2)], sem1)
        d0.wait()
        d1.wait()

    pltpu.emit_pipeline(
        body,
        grid=(R // BUILD_CHUNK,),
        in_specs=[pl.BlockSpec((1, BUILD_CHUNK), lambda i: (0, i))],
        out_specs=[pl.BlockSpec((BUILD_CHUNK, CIN), lambda i: (i, 0))],
        core_axis_name=("c", "s"),
        dimension_semantics=(pltpu.PARALLEL,),
    )(gridmin_hbm, table_hbm)


@functools.partial(
    pl.kernel,
    out_type=jax.ShapeDtypeStruct((NQS, CIN), jnp.bfloat16),
    mesh=_mesh,
    compiler_params=_sc_params,
    scratch_types=[pltpu.SemaphoreType.DMA, pltpu.SemaphoreType.DMA],
)
def _gather_rows(q_hbm, table_hbm, out_hbm, sem0, sem1):
    def body(i_vmem, o_vmem):
        d0 = pltpu.async_copy(
            table_hbm.at[i_vmem.at[0, pl.ds(0, HALF)]],
            o_vmem.at[pl.ds(0, HALF)], sem0)
        d1 = pltpu.async_copy(
            table_hbm.at[i_vmem.at[0, pl.ds(HALF, HALF)]],
            o_vmem.at[pl.ds(HALF, HALF)], sem1)
        d0.wait()
        d1.wait()

    pltpu.emit_pipeline(
        body,
        grid=(NQS // Q_CHUNK,),
        in_specs=[pl.BlockSpec((1, Q_CHUNK), lambda i: (0, i))],
        out_specs=[pl.BlockSpec((Q_CHUNK, CIN), lambda i: (i, 0))],
        core_axis_name=("c", "s"),
        dimension_semantics=(pltpu.PARALLEL,),
    )(q_hbm, out_hbm)


BLK = 512


def _mm_body(g_ref, w_ref, o_ref):
    o_ref[...] = jnp.dot(g_ref[...], w_ref[...],
                         preferred_element_type=jnp.float32)


def _matmul(gathered, wflat):
    return pl.pallas_call(
        _mm_body,
        grid=(NPS // BLK,),
        in_specs=[
            pl.BlockSpec((BLK, KV * CIN), lambda i: (i, 0)),
            pl.BlockSpec((KV * CIN, COUT), lambda i: (0, 0)),
        ],
        out_specs=pl.BlockSpec((BLK, COUT), lambda i: (i, 0)),
        out_shape=jax.ShapeDtypeStruct((NPS, COUT), jnp.float32),
    )(gathered, wflat)


_OFFS = [(dx * G + dy) * G + dz
         for dx in range(-1, 2) for dy in range(-1, 2) for dz in range(-1, 2)]


def kernel(feats, coords, kernel):
    w = kernel
    c = coords.astype(jnp.int32) + 1
    keys = (c[:, 0] * G + c[:, 1]) * G + c[:, 2]
    iota = jnp.arange(N, dtype=jnp.int32)
    gridmin = jnp.full((R,), N, jnp.int32).at[keys].min(iota)
    offs = jnp.array(_OFFS, dtype=jnp.int32)
    q = keys[:, None] + offs[None, :]
    q = jnp.concatenate([q, jnp.full((NP - N, KV), DUMP, jnp.int32)], axis=0)
    q = q.reshape(NQ)
    feats_pad = jnp.concatenate(
        [feats.astype(jnp.bfloat16),
         jnp.zeros((NPAD - N, CIN), jnp.bfloat16)], axis=0)
    table = _build_table(gridmin.reshape(1, R), feats_pad)
    wflat = w.reshape(KV * CIN, COUT).astype(jnp.bfloat16)
    outs = []
    for sl in range(NSLAB):
        qs = lax.slice(q, (sl * NQS,), ((sl + 1) * NQS,)).reshape(1, NQS)
        gathered = _gather_rows(qs, table)
        outs.append(_matmul(gathered.reshape(NPS, KV * CIN), wflat))
    out = jnp.concatenate(outs, axis=0)
    return out[:N]

# --- scband reference (transcript-rebuilt; emitter-appended) ---
"""Pipeline reference for scband-conv3d-35802847379859 (READ-ONLY COPY).

The authoritative reference and input builder live on the scoring server;
editing this copy changes nothing except your own understanding.
"""

import jax, jax.numpy as jnp
import numpy as np

OFFS = [(dx, dy, dz) for dx in range(-1, 2) for dy in range(-1, 2) for dz in range(-1, 2)]


def _encode(c, G):
    return (c[:, 0].astype(jnp.int64) * G + c[:, 1].astype(jnp.int64)) * G + c[:, 2].astype(jnp.int64)


def setup_inputs(seed: int = 0) -> dict:
    key = jax.random.key(seed)
    k1, k2, k3 = jax.random.split(key, 3)
    N, Cin, Cout, KV = 50000, 32, 32, 27
    feats = jax.random.normal(k1, (N, Cin), dtype=jnp.float32)
    coords = jax.random.randint(k2, (N, 3), 0, 64).astype(jnp.int32)
    stdv = 1.0 / np.sqrt(Cout * KV)
    kernel = jax.random.uniform(k3, (KV, Cin, Cout), minval=-stdv, maxval=stdv, dtype=jnp.float32)
    return {"feats": feats, "coords": coords, "kernel": kernel}


def reference(feats, coords, kernel):
    # Faithful sparse (submanifold) 3D conv, kernel_size=3, stride=1:
    # out[j] = sum_k gather(feats at coords[j]+offset_k) @ kernel[k]
    # Replicates the mapping_cuda (kmap build) + conv_fwd_cuda gather-GEMM-scatter path.
    N = feats.shape[0]
    G = 70  # grid extent after +1 shift (coords in [0,64) plus +-1 offsets)
    c = coords.astype(jnp.int64) + 1
    keys = _encode(c, G)
    order = jnp.argsort(keys)
    skeys = keys[order]
    out = jnp.zeros((N, kernel.shape[-1]), dtype=jnp.float32)
    for k_idx, (dx, dy, dz) in enumerate(OFFS):
        nc = c + jnp.array([dx, dy, dz], dtype=jnp.int64)
        nk = _encode(nc, G)
        pos = jnp.searchsorted(skeys, nk)
        pos_c = jnp.clip(pos, 0, N - 1)
        valid = skeys[pos_c] == nk
        src = order[pos_c]
        gathered = jnp.where(valid[:, None], jnp.take(feats, src, axis=0), 0.0)
        out = out + gathered @ kernel[k_idx]
    return out

if __name__ == "__main__":
    import jax
    _d = setup_inputs()
    print(jax.jit(kernel)(*tuple(_d.values())))

</pallas_src>

<mosaic_0001>
#map = affine_map<(d0, d1) -> (0, 0)>
module attributes {stable_mosaic.version = 14 : i64} {
  func.func @_gather_rows(%arg0: i32, %arg1: i32, %arg2: memref<1x677376xi32, #tpu.memory_space<hbm>>, %arg3: memref<343040x32xbf16, #tpu.memory_space<hbm>>, %arg4: memref<677376x32xbf16, #tpu.memory_space<hbm>>, %arg5: memref<!tpu.dma_semaphore, #tpu.memory_space<semaphore_mem>>, %arg6: memref<!tpu.dma_semaphore, #tpu.memory_space<semaphore_mem>>) attributes {dimension_semantics = [#tpu.dimension_semantics<core_parallel>, #tpu.dimension_semantics<subcore_parallel>], iteration_bounds = array<i64: 2, 16>, scalar_prefetch = 0 : i64, scratch_operands = 2 : i64, tpu.core_type = #tpu.core_type<sc_vector_subcore>, window_params = [{transform_indices = #map}, {transform_indices = #map}, {transform_indices = #map}]} {
    %mul3A = arith.constant 1 : i32
    %mul3A_0 = arith.muli %arg1, %mul3A : i32
    %add3A = arith.constant 0 : i32
    %add3A_1 = arith.addi %add3A, %mul3A_0 : i32
    %mul3A_2 = arith.constant 16 : i32
    %mul3A_3 = arith.muli %arg0, %mul3A_2 : i32
    %add3A_4 = arith.addi %add3A_1, %mul3A_3 : i32
    %mul3A_5 = arith.constant 21 : i32
    %mul3A_6 = arith.muli %add3A_4, %mul3A_5 : i32
    "tpu.region"() ({
      %run_scoped3A = memref.alloca() : memref<2x1x1008xi32, #tpu.memory_space<vmem>>
      %run_scoped3A_7 = tpu.sem_alloc : memref<2x!tpu.dma_semaphore, #tpu.memory_space<semaphore_mem>>
      %run_scoped3A_8 = memref.alloca() : memref<2x1008x32xbf16, #tpu.memory_space<vmem>>
      %run_scoped3A_9 = tpu.sem_alloc : memref<2x!tpu.dma_semaphore, #tpu.memory_space<semaphore_mem>>
      %add3A_10 = arith.constant 0 : i32
      %add3A_11 = arith.addi %add3A_10, %mul3A_6 : i32
      %select_n3A = arith.constant true
      %select_n3A_12 = arith.constant 0 : i32
      %select_n3A_13 = arith.constant -1 : i32
      %select_n3A_14 = arith.select %select_n3A, %select_n3A_13, %select_n3A_12 : i32
      %eq3A = arith.constant -1 : i32
      %eq3A_15 = arith.cmpi eq, %select_n3A_14, %eq3A : i32
      %select_n3A_16 = arith.constant 20 : i32
      %select_n3A_17 = arith.select %eq3A_15, %select_n3A_16, %select_n3A_14 : i32
      %add3A_18 = arith.addi %select_n3A_17, %mul3A_6 : i32
      %select_n3A_19 = arith.constant true
      %select_n3A_20 = arith.constant 0 : i32
      %select_n3A_21 = arith.constant 1 : i32
      %select_n3A_22 = arith.select %select_n3A_19, %select_n3A_21, %select_n3A_20 : i32
      %eq3A_23 = arith.constant 21 : i32
      %eq3A_24 = arith.cmpi eq, %select_n3A_22, %eq3A_23 : i32
      %select_n3A_25 = arith.constant 0 : i32
      %select_n3A_26 = arith.select %eq3A_24, %select_n3A_25, %select_n3A_22 : i32
      %add3A_27 = arith.addi %select_n3A_26, %mul3A_6 : i32
      %add3A_28 = arith.constant 1 : i32
      %add3A_29 = arith.addi %select_n3A_26, %add3A_28 : i32
      %select_n3A_30 = arith.constant true
      %select_n3A_31 = arith.select %select_n3A_30, %add3A_29, %select_n3A_26 : i32
      %eq3A_32 = arith.constant 21 : i32
      %eq3A_33 = arith.cmpi eq, %select_n3A_31, %eq3A_32 : i32
      %select_n3A_34 = arith.constant 0 : i32
      %select_n3A_35 = arith.select %eq3A_33, %select_n3A_34, %select_n3A_31 : i32
      %add3A_36 = arith.addi %select_n3A_35, %mul3A_6 : i32
      "tpu.trace_start"() <{level = 10 : i32, message = "ep_initialize_0"}> : () -> ()
      %rem3A = arith.constant 0 : i32
      %rem3A_37 = arith.constant 2 : i32
      %rem3A_38 = arith.remui %rem3A, %rem3A_37 : i32
      %mul3A_39 = arith.constant 1008 : i32
      %mul3A_40 = arith.muli %mul3A_39, %add3A_11 : i32
      %dma_start3A = arith.constant 0 : i32
      %dma_start3A_41 = arith.constant 0 : i32
      %dma_start3A_42 = tpu.memref_slice %run_scoped3A[%rem3A_38, %dma_start3A, %dma_start3A_41] : memref<2x1x1008xi32, #tpu.memory_space<vmem>> -> memref<1x1x1008xi32, #tpu.memory_space<vmem>>
      %dma_start3A_43 = tpu.memref_squeeze %dma_start3A_42 : memref<1x1x1008xi32, #tpu.memory_space<vmem>> -> memref<1x1008xi32, #tpu.memory_space<vmem>>
      %dma_start3A_44 = arith.constant 0 : i32
      %dma_start3A_45 = tpu.memref_slice %arg2[%dma_start3A_44, %mul3A_40] : memref<1x677376xi32, #tpu.memory_space<hbm>> -> memref<1x1008xi32, #tpu.memory_space<hbm>>
      %dma_start3A_46 = tpu.memref_slice %run_scoped3A_7[%rem3A_38] : memref<2x!tpu.dma_semaphore, #tpu.memory_space<semaphore_mem>> -> memref<1x!tpu.dma_semaphore, #tpu.memory_space<semaphore_mem>>
      %dma_start3A_47 = tpu.memref_squeeze %dma_start3A_46 : memref<1x!tpu.dma_semaphore, #tpu.memory_space<semaphore_mem>> -> memref<!tpu.dma_semaphore, #tpu.memory_space<semaphore_mem>>
      %dma_start3A_48 = arith.constant 0 : i32
      %dma_start3A_49 = arith.constant 0 : i32
      %dma_start3A_50 = tpu.memref_slice %run_scoped3A[%rem3A_38, %dma_start3A_48, %dma_start3A_49] : memref<2x1x1008xi32, #tpu.memory_space<vmem>> -> memref<1x1x1008xi32, #tpu.memory_space<vmem>>
      %dma_start3A_51 = tpu.memref_squeeze %dma_start3A_50 : memref<1x1x1008xi32, #tpu.memory_space<vmem>> -> memref<1x1008xi32, #tpu.memory_space<vmem>>
      %dma_start3A_52 = arith.constant 0 : i32
      %dma_start3A_53 = tpu.memref_slice %arg2[%dma_start3A_52, %mul3A_40] : memref<1x677376xi32, #tpu.memory_space<hbm>> -> memref<1x1008xi32, #tpu.memory_space<hbm>>
      tpu.enqueue_dma source(%dma_start3A_53 : memref<1x1008xi32, #tpu.memory_space<hbm>>) target(%dma_start3A_51 : memref<1x1008xi32, #tpu.memory_space<vmem>>) target_semaphore(%dma_start3A_47 : memref<!tpu.dma_semaphore, #tpu.memory_space<semaphore_mem>>)
      %add3A_54 = arith.constant 0 : i32
      %add3A_55 = arith.constant 1 : i32
      %add3A_56 = arith.addi %add3A_54, %add3A_55 : i32
      %select_n3A_57 = arith.constant true
      %select_n3A_58 = arith.constant 0 : i32
      %select_n3A_59 = arith.select %select_n3A_57, %add3A_56, %select_n3A_58 : i32
      "tpu.trace_stop"() : () -> ()
      %scan3A = arith.constant 0 : i32
      %scan3A_60 = arith.constant 0 : i32
      %scan3A_61 = arith.constant 0 : i32
      %scan3A_62 = arith.constant 0 : i32
      %scan3A_63 = arith.constant 0 : i32
      %scan3A_64 = arith.constant 21 : i32
      %scan3A_65 = arith.addi %scan3A_63, %scan3A_64 : i32
      %scan3A_66 = arith.constant 1 : i32
      %scan3A_67:5 = scf.for %scan3A_121 = %scan3A_63 to %scan3A_65 step %scan3A_66 iter_args(%scan3A_122 = %select_n3A_59, %scan3A_123 = %scan3A, %scan3A_124 = %scan3A_60, %scan3A_125 = %scan3A_61, %scan3A_126 = %scan3A_62) -> (i32, i32, i32, i32, i32)  : i32 {
        %eq3A_127 = arith.constant 0 : i32
        %eq3A_128 = arith.cmpi eq, %scan3A_121, %eq3A_127 : i32
        %eq3A_129 = arith.constant 20 : i32
        %eq3A_130 = arith.cmpi eq, %scan3A_121, %eq3A_129 : i32
        %add3A_131 = arith.addi %scan3A_126, %mul3A_6 : i32
        %sub3A_132 = arith.constant 1 : i32
        %sub3A_133 = arith.subi %scan3A_126, %sub3A_132 : i32
        %select_n3A_134 = arith.constant true
        %select_n3A_135 = arith.select %select_n3A_134, %sub3A_133, %scan3A_126 : i32
        %eq3A_136 = arith.constant -1 : i32
        %eq3A_137 = arith.cmpi eq, %select_n3A_135, %eq3A_136 : i32
        %select_n3A_138 = arith.constant 20 : i32
        %select_n3A_139 = arith.select %eq3A_137, %select_n3A_138, %select_n3A_135 : i32
        %add3A_140 = arith.addi %select_n3A_139, %mul3A_6 : i32
        %add3A_141 = arith.constant 1 : i32
        %add3A_142 = arith.addi %scan3A_126, %add3A_141 : i32
        %select_n3A_143 = arith.constant true
        %select_n3A_144 = arith.select %select_n3A_143, %add3A_142, %scan3A_126 : i32
        %eq3A_145 = arith.constant 21 : i32
        %eq3A_146 = arith.cmpi eq, %select_n3A_144, %eq3A_145 : i32
        %select_n3A_147 = arith.constant 0 : i32
        %select_n3A_148 = arith.select %eq3A_146, %select_n3A_147, %select_n3A_144 : i32
        %add3A_149 = arith.addi %select_n3A_148, %mul3A_6 : i32
        %add3A_150 = arith.constant 1 : i32
        %add3A_151 = arith.addi %select_n3A_148, %add3A_150 : i32
        %select_n3A_152 = arith.constant true
        %select_n3A_153 = arith.select %select_n3A_152, %add3A_151, %select_n3A_148 : i32
        %eq3A_154 = arith.constant 21 : i32
        %eq3A_155 = arith.cmpi eq, %select_n3A_153, %eq3A_154 : i32
        %select_n3A_156 = arith.constant 0 : i32
        %select_n3A_157 = arith.select %eq3A_155, %select_n3A_156, %select_n3A_153 : i32
        %add3A_158 = arith.addi %select_n3A_157, %mul3A_6 : i32
        %ne3A = arith.cmpi ne, %add3A_131, %add3A_149 : i32
        %or3A = arith.constant false
        %or3A_159 = arith.ori %or3A, %ne3A : i1
        %ge3A = arith.constant 20 : i32
        %ge3A_160 = arith.cmpi sge, %scan3A_121, %ge3A : i32
        %not3A = arith.constant true
        %not3A_161 = arith.xori %ge3A_160, %not3A : i1
        %and3A = arith.andi %or3A_159, %not3A_161 : i1
        %convert_element_type3A = arith.extui %and3A : i1 to i32
        %cond3A = arith.constant 0 : i32
        %cond3A_162 = arith.cmpi ne, %convert_element_type3A, %cond3A : i32
        scf.if %cond3A_162 {
          "tpu.trace_start"() <{level = 10 : i32, message = "ep_copy_in"}> : () -> ()
          %rem3A_335 = arith.constant 2 : i32
          %rem3A_336 = arith.remui %scan3A_122, %rem3A_335 : i32
          %mul3A_337 = arith.constant 1008 : i32
          %mul3A_338 = arith.muli %mul3A_337, %add3A_149 : i32
          %dma_start3A_339 = arith.constant 0 : i32
          %dma_start3A_340 = arith.constant 0 : i32
          %dma_start3A_341 = tpu.memref_slice %run_scoped3A[%rem3A_336, %dma_start3A_339, %dma_start3A_340] : memref<2x1x1008xi32, #tpu.memory_space<vmem>> -> memref<1x1x1008xi32, #tpu.memory_space<vmem>>
          %dma_start3A_342 = tpu.memref_squeeze %dma_start3A_341 : memref<1x1x1008xi32, #tpu.memory_space<vmem>> -> memref<1x1008xi32, #tpu.memory_space<vmem>>
          %dma_start3A_343 = arith.constant 0 : i32
          %dma_start3A_344 = tpu.memref_slice %arg2[%dma_start3A_343, %mul3A_338] : memref<1x677376xi32, #tpu.memory_space<hbm>> -> memref<1x1008xi32, #tpu.memory_space<hbm>>
          %dma_start3A_345 = tpu.memref_slice %run_scoped3A_7[%rem3A_336] : memref<2x!tpu.dma_semaphore, #tpu.memory_space<semaphore_mem>> -> memref<1x!tpu.dma_semaphore, #tpu.memory_space<semaphore_mem>>
          %dma_start3A_346 = tpu.memref_squeeze %dma_start3A_345 : memref<1x!tpu.dma_semaphore, #tpu.memory_space<semaphore_mem>> -> memref<!tpu.dma_semaphore, #tpu.memory_space<semaphore_mem>>
          %dma_start3A_347 = arith.constant 0 : i32
          %dma_start3A_348 = arith.constant 0 : i32
          %dma_start3A_349 = tpu.memref_slice %run_scoped3A[%rem3A_336, %dma_start3A_347, %dma_start3A_348] : memref<2x1x1008xi32, #tpu.memory_space<vmem>> -> memref<1x1x1008xi32, #tpu.memory_space<vmem>>
          %dma_start3A_350 = tpu.memref_squeeze %dma_start3A_349 : memref<1x1x1008xi32, #tpu.memory_space<vmem>> -> memref<1x1008xi32, #tpu.memory_space<vmem>>
          %dma_start3A_351 = arith.constant 0 : i32
          %dma_start3A_352 = tpu.memref_slice %arg2[%dma_start3A_351, %mul3A_338] : memref<1x677376xi32, #tpu.memory_space<hbm>> -> memref<1x1008xi32, #tpu.memory_space<hbm>>
          tpu.enqueue_dma source(%dma_start3A_352 : memref<1x1008xi32, #tpu.memory_space<hbm>>) target(%dma_start3A_350 : memref<1x1008xi32, #tpu.memory_space<vmem>>) target_semaphore(%dma_start3A_346 : memref<!tpu.dma_semaphore, #tpu.memory_space<semaphore_mem>>)
          "tpu.trace_stop"() : () -> ()
        } else {
        }
        %and3A_163 = arith.constant true
        %and3A_164 = arith.andi %and3A, %and3A_163 : i1
        %add3A_165 = arith.constant 1 : i32
        %add3A_166 = arith.addi %scan3A_122, %add3A_165 : i32
        %select_n3A_167 = arith.select %and3A_164, %add3A_166, %scan3A_122 : i32
        %ne3A_168 = arith.cmpi ne, %add3A_131, %add3A_149 : i32
        %or3A_169 = arith.constant false
        %or3A_170 = arith.ori %or3A_169, %ne3A_168 : i1
        %or3A_171 = arith.constant false
        %or3A_172 = arith.ori %or3A_170, %or3A_171 : i1
        %ge3A_173 = arith.constant 20 : i32
        %ge3A_174 = arith.cmpi sge, %scan3A_121, %ge3A_173 : i32
        %not3A_175 = arith.constant true
        %not3A_176 = arith.xori %ge3A_174, %not3A_175 : i1
        %and3A_177 = arith.andi %or3A_172, %not3A_176 : i1
        %ne3A_178 = arith.cmpi ne, %add3A_131, %add3A_140 : i32
        %or3A_179 = arith.constant false
        %or3A_180 = arith.ori %or3A_179, %ne3A_178 : i1
        %or3A_181 = arith.ori %or3A_180, %eq3A_128 : i1
        %convert_element_type3A_182 = arith.extui %or3A_181 : i1 to i32
        %cond3A_183 = arith.constant 0 : i32
        %cond3A_184 = arith.cmpi ne, %convert_element_type3A_182, %cond3A_183 : i32
        scf.if %cond3A_184 {
          "tpu.trace_start"() <{level = 10 : i32, message = "ep_wait_in"}> : () -> ()
          %mul3A_335 = arith.constant 1008 : i32
          %mul3A_336 = arith.muli %mul3A_335, %add3A_131 : i32
          %rem3A_337 = arith.constant 2 : i32
          %rem3A_338 = arith.remui %scan3A_123, %rem3A_337 : i32
          %dma_wait3A_339 = arith.constant 0 : i32
          %dma_wait3A_340 = arith.constant 0 : i32
          %dma_wait3A_341 = tpu.memref_slice %run_scoped3A[%rem3A_338, %dma_wait3A_339, %dma_wait3A_340] : memref<2x1x1008xi32, #tpu.memory_space<vmem>> -> memref<1x1x1008xi32, #tpu.memory_space<vmem>>
          %dma_wait3A_342 = tpu.memref_squeeze %dma_wait3A_341 : memref<1x1x1008xi32, #tpu.memory_space<vmem>> -> memref<1x1008xi32, #tpu.memory_space<vmem>>
          %dma_wait3A_343 = arith.constant 0 : i32
          %dma_wait3A_344 = tpu.memref_slice %arg2[%dma_wait3A_343, %mul3A_336] : memref<1x677376xi32, #tpu.memory_space<hbm>> -> memref<1x1008xi32, #tpu.memory_space<hbm>>
          %dma_wait3A_345 = tpu.memref_slice %run_scoped3A_7[%rem3A_338] : memref<2x!tpu.dma_semaphore, #tpu.memory_space<semaphore_mem>> -> memref<1x!tpu.dma_semaphore, #tpu.memory_space<semaphore_mem>>
          %dma_wait3A_346 = tpu.memref_squeeze %dma_wait3A_345 : memref<1x!tpu.dma_semaphore, #tpu.memory_space<semaphore_mem>> -> memref<!tpu.dma_semaphore, #tpu.memory_space<semaphore_mem>>
          %dma_wait3A_347 = arith.constant 0 : i32
          %dma_wait3A_348 = arith.constant 0 : i32
          %dma_wait3A_349 = tpu.memref_slice %run_scoped3A[%rem3A_338, %dma_wait3A_347, %dma_wait3A_348] : memref<2x1x1008xi32, #tpu.memory_space<vmem>> -> memref<1x1x1008xi32, #tpu.memory_space<vmem>>
          %dma_wait3A_350 = tpu.memref_squeeze %dma_wait3A_349 : memref<1x1x1008xi32, #tpu.memory_space<vmem>> -> memref<1x1008xi32, #tpu.memory_space<vmem>>
          %dma_wait3A_351 = arith.constant 0 : i32
          %dma_wait3A_352 = tpu.memref_slice %arg2[%dma_wait3A_351, %mul3A_336] : memref<1x677376xi32, #tpu.memory_space<hbm>> -> memref<1x1008xi32, #tpu.memory_space<hbm>>
          tpu.wait_dma2 semaphore(%dma_wait3A_346 : memref<!tpu.dma_semaphore, #tpu.memory_space<semaphore_mem>>) src(%dma_wait3A_352 : memref<1x1008xi32, #tpu.memory_space<hbm>>) dst(%dma_wait3A_350 : memref<1x1008xi32, #tpu.memory_space<vmem>>)
          "tpu.trace_stop"() : () -> ()
        } else {
        }
        %ne3A_185 = arith.cmpi ne, %add3A_131, %add3A_140 : i32
        %or3A_186 = arith.constant false
        %or3A_187 = arith.ori %or3A_186, %ne3A_185 : i1
        %or3A_188 = arith.constant false
        %or3A_189 = arith.ori %or3A_187, %or3A_188 : i1
        %or3A_190 = arith.ori %or3A_189, %eq3A_128 : i1
        %convert_element_type3A_191 = arith.extui %or3A_190 : i1 to i32
        %cond3A_192 = arith.constant 0 : i32
        %cond3A_193 = arith.cmpi ne, %convert_element_type3A_191, %cond3A_192 : i32
        scf.if %cond3A_193 {
        } else {
        }
        %rem3A_194 = arith.constant 2 : i32
        %rem3A_195 = arith.remui %scan3A_123, %rem3A_194 : i32
        %rem3A_196 = arith.constant 2 : i32
        %rem3A_197 = arith.remui %scan3A_124, %rem3A_196 : i32
        %dma_start3A_198 = arith.constant 0 : i32
        "tpu.trace_start"() <{level = 10 : i32, message = "ep_run_kernel"}> : () -> ()
        %dma_start3A_199 = arith.constant 0 : i32
        %dma_start3A_200 = arith.constant 0 : i32
        %dma_start3A_201 = tpu.memref_slice %run_scoped3A_8[%rem3A_197, %dma_start3A_199, %dma_start3A_200] : memref<2x1008x32xbf16, #tpu.memory_space<vmem>> -> memref<1x1008x32xbf16, #tpu.memory_space<vmem>>
        %dma_start3A_202 = tpu.memref_squeeze %dma_start3A_201 : memref<1x1008x32xbf16, #tpu.memory_space<vmem>> -> memref<1008x32xbf16, #tpu.memory_space<vmem>>
        %dma_start3A_203 = arith.constant 0 : i32
        %dma_start3A_204 = arith.constant 0 : i32
        %dma_start3A_205 = tpu.memref_slice %dma_start3A_202[%dma_start3A_203, %dma_start3A_204] : memref<1008x32xbf16, #tpu.memory_space<vmem>> -> memref<504x32xbf16, #tpu.memory_space<vmem>>
        %dma_start3A_206 = arith.constant 0 : i32
        %dma_start3A_207 = arith.constant 0 : i32
        %dma_start3A_208 = tpu.memref_slice %run_scoped3A[%rem3A_195, %dma_start3A_206, %dma_start3A_207] : memref<2x1x1008xi32, #tpu.memory_space<vmem>> -> memref<1x1x1008xi32, #tpu.memory_space<vmem>>
        %dma_start3A_209 = tpu.memref_squeeze %dma_start3A_208 : memref<1x1x1008xi32, #tpu.memory_space<vmem>> -> memref<1x1008xi32, #tpu.memory_space<vmem>>
        %dma_start3A_210 = arith.constant 0 : i32
        %dma_start3A_211 = tpu.memref_slice %dma_start3A_209[%dma_start3A_198, %dma_start3A_210] : memref<1x1008xi32, #tpu.memory_space<vmem>> -> memref<1x504xi32, #tpu.memory_space<vmem>>
        %dma_start3A_212 = tpu.memref_squeeze %dma_start3A_211 : memref<1x504xi32, #tpu.memory_space<vmem>> -> memref<504xi32, #tpu.memory_space<vmem>>
        %dma_start3A_213 = arith.constant 0 : i32
        %dma_start3A_214 = arith.constant 0 : i32
        %dma_start3A_215 = tpu.memref_slice %arg3[%dma_start3A_213, %dma_start3A_214] : memref<343040x32xbf16, #tpu.memory_space<hbm>> -> memref<343040x32xbf16, #tpu.memory_space<hbm>>
        tpu.enqueue_indirect_dma source(%dma_start3A_215 : memref<343040x32xbf16, #tpu.memory_space<hbm>>) target(%dma_start3A_205 : memref<504x32xbf16, #tpu.memory_space<vmem>>) offsets(%dma_start3A_212 : memref<504xi32, #tpu.memory_space<vmem>>) semaphore(%arg5 : memref<!tpu.dma_semaphore, #tpu.memory_space<semaphore_mem>>)
        %dma_start3A_216 = arith.constant 0 : i32
        %dma_start3A_217 = arith.constant 0 : i32
        %dma_start3A_218 = arith.constant 0 : i32
        %dma_start3A_219 = tpu.memref_slice %run_scoped3A_8[%rem3A_197, %dma_start3A_217, %dma_start3A_218] : memref<2x1008x32xbf16, #tpu.memory_space<vmem>> -> memref<1x1008x32xbf16, #tpu.memory_space<vmem>>
        %dma_start3A_220 = tpu.memref_squeeze %dma_start3A_219 : memref<1x1008x32xbf16, #tpu.memory_space<vmem>> -> memref<1008x32xbf16, #tpu.memory_space<vmem>>
        %dma_start3A_221 = arith.constant 504 : i32
        %dma_start3A_222 = arith.constant 0 : i32
        %dma_start3A_223 = tpu.memref_slice %dma_start3A_220[%dma_start3A_221, %dma_start3A_222] : memref<1008x32xbf16, #tpu.memory_space<vmem>> -> memref<504x32xbf16, #tpu.memory_space<vmem>>
        %dma_start3A_224 = arith.constant 0 : i32
        %dma_start3A_225 = arith.constant 0 : i32
        %dma_start3A_226 = tpu.memref_slice %run_scoped3A[%rem3A_195, %dma_start3A_224, %dma_start3A_225] : memref<2x1x1008xi32, #tpu.memory_space<vmem>> -> memref<1x1x1008xi32, #tpu.memory_space<vmem>>
        %dma_start3A_227 = tpu.memref_squeeze %dma_start3A_226 : memref<1x1x1008xi32, #tpu.memory_space<vmem>> -> memref<1x1008xi32, #tpu.memory_space<vmem>>
        %dma_start3A_228 = arith.constant 504 : i32
        %dma_start3A_229 = tpu.memref_slice %dma_start3A_227[%dma_start3A_216, %dma_start3A_228] : memref<1x1008xi32, #tpu.memory_space<vmem>> -> memref<1x504xi32, #tpu.memory_space<vmem>>
        %dma_start3A_230 = tpu.memref_squeeze %dma_start3A_229 : memref<1x504xi32, #tpu.memory_space<vmem>> -> memref<504xi32, #tpu.memory_space<vmem>>
        %dma_start3A_231 = arith.constant 0 : i32
        %dma_start3A_232 = arith.constant 0 : i32
        %dma_start3A_233 = tpu.memref_slice %arg3[%dma_start3A_231, %dma_start3A_232] : memref<343040x32xbf16, #tpu.memory_space<hbm>> -> memref<343040x32xbf16, #tpu.memory_space<hbm>>
        tpu.enqueue_indirect_dma source(%dma_start3A_233 : memref<343040x32xbf16, #tpu.memory_space<hbm>>) target(%dma_start3A_223 : memref<504x32xbf16, #tpu.memory_space<vmem>>) offsets(%dma_start3A_230 : memref<504xi32, #tpu.memory_space<vmem>>) semaphore(%arg6 : memref<!tpu.dma_semaphore, #tpu.memory_space<semaphore_mem>>)
        %dma_wait3A_234 = arith.constant 0 : i32
        %dma_wait3A_235 = arith.constant 0 : i32
        %dma_wait3A_236 = arith.constant 0 : i32
        %dma_wait3A_237 = tpu.memref_slice %run_scoped3A_8[%rem3A_197, %dma_wait3A_235, %dma_wait3A_236] : memref<2x1008x32xbf16, #tpu.memory_space<vmem>> -> memref<1x1008x32xbf16, #tpu.memory_space<vmem>>
        %dma_wait3A_238 = tpu.memref_squeeze %dma_wait3A_237 : memref<1x1008x32xbf16, #tpu.memory_space<vmem>> -> memref<1008x32xbf16, #tpu.memory_space<vmem>>
        %dma_wait3A_239 = arith.constant 0 : i32
        %dma_wait3A_240 = arith.constant 0 : i32
        %dma_wait3A_241 = tpu.memref_slice %dma_wait3A_238[%dma_wait3A_239, %dma_wait3A_240] : memref<1008x32xbf16, #tpu.memory_space<vmem>> -> memref<504x32xbf16, #tpu.memory_space<vmem>>
        %dma_wait3A_242 = arith.constant 0 : i32
        %dma_wait3A_243 = arith.constant 0 : i32
        %dma_wait3A_244 = tpu.memref_slice %run_scoped3A[%rem3A_195, %dma_wait3A_242, %dma_wait3A_243] : memref<2x1x1008xi32, #tpu.memory_space<vmem>> -> memref<1x1x1008xi32, #tpu.memory_space<vmem>>
        %dma_wait3A_245 = tpu.memref_squeeze %dma_wait3A_244 : memref<1x1x1008xi32, #tpu.memory_space<vmem>> -> memref<1x1008xi32, #tpu.memory_space<vmem>>
        %dma_wait3A_246 = arith.constant 0 : i32
        %dma_wait3A_247 = tpu.memref_slice %dma_wait3A_245[%dma_wait3A_234, %dma_wait3A_246] : memref<1x1008xi32, #tpu.memory_space<vmem>> -> memref<1x504xi32, #tpu.memory_space<vmem>>
        %dma_wait3A_248 = tpu.memref_squeeze %dma_wait3A_247 : memref<1x504xi32, #tpu.memory_space<vmem>> -> memref<504xi32, #tpu.memory_space<vmem>>
        %dma_wait3A_249 = arith.constant 0 : i32
        %dma_wait3A_250 = arith.constant 0 : i32
        %dma_wait3A_251 = tpu.memref_slice %arg3[%dma_wait3A_249, %dma_wait3A_250] : memref<343040x32xbf16, #tpu.memory_space<hbm>> -> memref<343040x32xbf16, #tpu.memory_space<hbm>>
        tpu.wait_indirect_dma semaphore(%arg5 : memref<!tpu.dma_semaphore, #tpu.memory_space<semaphore_mem>>) src(%dma_wait3A_251 : memref<343040x32xbf16, #tpu.memory_space<hbm>>) dst(%dma_wait3A_241 : memref<504x32xbf16, #tpu.memory_space<vmem>>)
        %dma_wait3A_252 = arith.constant 0 : i32
        %dma_wait3A_253 = arith.constant 0 : i32
        %dma_wait3A_254 = arith.constant 0 : i32
        %dma_wait3A_255 = tpu.memref_slice %run_scoped3A_8[%rem3A_197, %dma_wait3A_253, %dma_wait3A_254] : memref<2x1008x32xbf16, #tpu.memory_space<vmem>> -> memref<1x1008x32xbf16, #tpu.memory_space<vmem>>
        %dma_wait3A_256 = tpu.memref_squeeze %dma_wait3A_255 : memref<1x1008x32xbf16, #tpu.memory_space<vmem>> -> memref<1008x32xbf16, #tpu.memory_space<vmem>>
        %dma_wait3A_257 = arith.constant 504 : i32
        %dma_wait3A_258 = arith.constant 0 : i32
        %dma_wait3A_259 = tpu.memref_slice %dma_wait3A_256[%dma_wait3A_257, %dma_wait3A_258] : memref<1008x32xbf16, #tpu.memory_space<vmem>> -> memref<504x32xbf16, #tpu.memory_space<vmem>>
        %dma_wait3A_260 = arith.constant 0 : i32
        %dma_wait3A_261 = arith.constant 0 : i32
        %dma_wait3A_262 = tpu.memref_slice %run_scoped3A[%rem3A_195, %dma_wait3A_260, %dma_wait3A_261] : memref<2x1x1008xi32, #tpu.memory_space<vmem>> -> memref<1x1x1008xi32, #tpu.memory_space<vmem>>
        %dma_wait3A_263 = tpu.memref_squeeze %dma_wait3A_262 : memref<1x1x1008xi32, #tpu.memory_space<vmem>> -> memref<1x1008xi32, #tpu.memory_space<vmem>>
        %dma_wait3A_264 = arith.constant 504 : i32
        %dma_wait3A_265 = tpu.memref_slice %dma_wait3A_263[%dma_wait3A_252, %dma_wait3A_264] : memref<1x1008xi32, #tpu.memory_space<vmem>> -> memref<1x504xi32, #tpu.memory_space<vmem>>
        %dma_wait3A_266 = tpu.memref_squeeze %dma_wait3A_265 : memref<1x504xi32, #tpu.memory_space<vmem>> -> memref<504xi32, #tpu.memory_space<vmem>>
        %dma_wait3A_267 = arith.constant 0 : i32
        %dma_wait3A_268 = arith.constant 0 : i32
        %dma_wait3A_269 = tpu.memref_slice %arg3[%dma_wait3A_267, %dma_wait3A_268] : memref<343040x32xbf16, #tpu.memory_space<hbm>> -> memref<343040x32xbf16, #tpu.memory_space<hbm>>
        tpu.wait_indirect_dma semaphore(%arg6 : memref<!tpu.dma_semaphore, #tpu.memory_space<semaphore_mem>>) src(%dma_wait3A_269 : memref<343040x32xbf16, #tpu.memory_space<hbm>>) dst(%dma_wait3A_259 : memref<504x32xbf16, #tpu.memory_space<vmem>>)
        "tpu.trace_stop"() : () -> ()
        %ne3A_270 = arith.cmpi ne, %add3A_131, %add3A_149 : i32
        %or3A_271 = arith.constant false
        %or3A_272 = arith.ori %or3A_271, %ne3A_270 : i1
        %or3A_273 = arith.ori %or3A_272, %eq3A_130 : i1
        %convert_element_type3A_274 = arith.extui %or3A_273 : i1 to i32
        %cond3A_275 = arith.constant 0 : i32
        %cond3A_276 = arith.cmpi ne, %convert_element_type3A_274, %cond3A_275 : i32
        scf.if %cond3A_276 {
        } else {
        }
        %and3A_277 = arith.constant false
        %and3A_278 = arith.andi %or3A_273, %and3A_277 : i1
        %ne3A_279 = arith.cmpi ne, %add3A_131, %add3A_149 : i32
        %or3A_280 = arith.constant false
        %or3A_281 = arith.ori %or3A_280, %ne3A_279 : i1
        %or3A_282 = arith.constant false
        %or3A_283 = arith.ori %or3A_281, %or3A_282 : i1
        %or3A_284 = arith.ori %or3A_283, %eq3A_130 : i1
        %convert_element_type3A_285 = arith.extui %or3A_284 : i1 to i32
        %cond3A_286 = arith.constant 0 : i32
        %cond3A_287 = arith.cmpi ne, %convert_element_type3A_285, %cond3A_286 : i32
        scf.if %cond3A_287 {
          "tpu.trace_start"() <{level = 10 : i32, message = "ep_copy_out"}> : () -> ()
          %rem3A_335 = arith.constant 2 : i32
          %rem3A_336 = arith.remui %scan3A_124, %rem3A_335 : i32
          %mul3A_337 = arith.constant 1008 : i32
          %mul3A_338 = arith.muli %mul3A_337, %add3A_131 : i32
          %dma_start3A_339 = arith.constant 0 : i32
          %dma_start3A_340 = arith.constant 0 : i32
          %dma_start3A_341 = tpu.memref_slice %run_scoped3A_8[%rem3A_336, %dma_start3A_339, %dma_start3A_340] : memref<2x1008x32xbf16, #tpu.memory_space<vmem>> -> memref<1x1008x32xbf16, #tpu.memory_space<vmem>>
          %dma_start3A_342 = tpu.memref_squeeze %dma_start3A_341 : memref<1x1008x32xbf16, #tpu.memory_space<vmem>> -> memref<1008x32xbf16, #tpu.memory_space<vmem>>
          %dma_start3A_343 = arith.constant 0 : i32
          %dma_start3A_344 = tpu.memref_slice %arg4[%mul3A_338, %dma_start3A_343] : memref<677376x32xbf16, #tpu.memory_space<hbm>> -> memref<1008x32xbf16, #tpu.memory_space<hbm>>
          %dma_start3A_345 = tpu.memref_slice %run_scoped3A_9[%rem3A_336] : memref<2x!tpu.dma_semaphore, #tpu.memory_space<semaphore_mem>> -> memref<1x!tpu.dma_semaphore, #tpu.memory_space<semaphore_mem>>
          %dma_start3A_346 = tpu.memref_squeeze %dma_start3A_345 : memref<1x!tpu.dma_semaphore, #tpu.memory_space<semaphore_mem>> -> memref<!tpu.dma_semaphore, #tpu.memory_space<semaphore_mem>>
          %dma_start3A_347 = arith.constant 0 : i32
          %dma_start3A_348 = tpu.memref_slice %arg4[%mul3A_338, %dma_start3A_347] : memref<677376x32xbf16, #tpu.memory_space<hbm>> -> memref<1008x32xbf16, #tpu.memory_space<hbm>>
          %dma_start3A_349 = arith.constant 0 : i32
          %dma_start3A_350 = arith.constant 0 : i32
          %dma_start3A_351 = tpu.memref_slice %run_scoped3A_8[%rem3A_336, %dma_start3A_349, %dma_start3A_350] : memref<2x1008x32xbf16, #tpu.memory_space<vmem>> -> memref<1x1008x32xbf16, #tpu.memory_space<vmem>>
          %dma_start3A_352 = tpu.memref_squeeze %dma_start3A_351 : memref<1x1008x32xbf16, #tpu.memory_space<vmem>> -> memref<1008x32xbf16, #tpu.memory_space<vmem>>
          tpu.enqueue_dma source(%dma_start3A_352 : memref<1008x32xbf16, #tpu.memory_space<vmem>>) target(%dma_start3A_348 : memref<1008x32xbf16, #tpu.memory_space<hbm>>) target_semaphore(%dma_start3A_346 : memref<!tpu.dma_semaphore, #tpu.memory_space<semaphore_mem>>)
          "tpu.trace_stop"() : () -> ()
        } else {
        }
        %and3A_288 = arith.constant true
        %and3A_289 = arith.andi %or3A_284, %and3A_288 : i1
        %add3A_290 = arith.constant 1 : i32
        %add3A_291 = arith.addi %scan3A_124, %add3A_290 : i32
        %select_n3A_292 = arith.select %and3A_289, %add3A_291, %scan3A_124 : i32
        %ne3A_293 = arith.cmpi ne, %add3A_131, %add3A_140 : i32
        %or3A_294 = arith.constant false
        %or3A_295 = arith.ori %or3A_294, %ne3A_293 : i1
        %not3A_296 = arith.constant true
        %not3A_297 = arith.xori %eq3A_128, %not3A_296 : i1
        %and3A_298 = arith.andi %or3A_295, %not3A_297 : i1
        %convert_element_type3A_299 = arith.extui %and3A_298 : i1 to i32
        %cond3A_300 = arith.constant 0 : i32
        %cond3A_301 = arith.cmpi ne, %convert_element_type3A_299, %cond3A_300 : i32
        scf.if %cond3A_301 {
        } else {
        }
        %and3A_302 = arith.constant false
        %and3A_303 = arith.andi %and3A_298, %and3A_302 : i1
        %ne3A_304 = arith.cmpi ne, %add3A_131, %add3A_140 : i32
        %or3A_305 = arith.constant false
        %or3A_306 = arith.ori %or3A_305, %ne3A_304 : i1
        %or3A_307 = arith.constant false
        %or3A_308 = arith.ori %or3A_306, %or3A_307 : i1
        %not3A_309 = arith.constant true
        %not3A_310 = arith.xori %eq3A_128, %not3A_309 : i1
        %and3A_311 = arith.andi %or3A_308, %not3A_310 : i1
        %convert_element_type3A_312 = arith.extui %and3A_311 : i1 to i32
        %cond3A_313 = arith.constant 0 : i32
        %cond3A_314 = arith.cmpi ne, %convert_element_type3A_312, %cond3A_313 : i32
        scf.if %cond3A_314 {
          "tpu.trace_start"() <{level = 10 : i32, message = "ep_wait_out"}> : () -> ()
          %rem3A_335 = arith.constant 2 : i32
          %rem3A_336 = arith.remui %scan3A_125, %rem3A_335 : i32
          %mul3A_337 = arith.constant 1008 : i32
          %mul3A_338 = arith.muli %mul3A_337, %add3A_140 : i32
          %dma_wait3A_339 = arith.constant 0 : i32
          %dma_wait3A_340 = arith.constant 0 : i32
          %dma_wait3A_341 = tpu.memref_slice %run_scoped3A_8[%rem3A_336, %dma_wait3A_339, %dma_wait3A_340] : memref<2x1008x32xbf16, #tpu.memory_space<vmem>> -> memref<1x1008x32xbf16, #tpu.memory_space<vmem>>
          %dma_wait3A_342 = tpu.memref_squeeze %dma_wait3A_341 : memref<1x1008x32xbf16, #tpu.memory_space<vmem>> -> memref<1008x32xbf16, #tpu.memory_space<vmem>>
          %dma_wait3A_343 = arith.constant 0 : i32
          %dma_wait3A_344 = tpu.memref_slice %arg4[%mul3A_338, %dma_wait3A_343] : memref<677376x32xbf16, #tpu.memory_space<hbm>> -> memref<1008x32xbf16, #tpu.memory_space<hbm>>
          %dma_wait3A_345 = tpu.memref_slice %run_scoped3A_9[%rem3A_336] : memref<2x!tpu.dma_semaphore, #tpu.memory_space<semaphore_mem>> -> memref<1x!tpu.dma_semaphore, #tpu.memory_space<semaphore_mem>>
          %dma_wait3A_346 = tpu.memref_squeeze %dma_wait3A_345 : memref<1x!tpu.dma_semaphore, #tpu.memory_space<semaphore_mem>> -> memref<!tpu.dma_semaphore, #tpu.memory_space<semaphore_mem>>
          %dma_wait3A_347 = arith.constant 0 : i32
          %dma_wait3A_348 = tpu.memref_slice %arg4[%mul3A_338, %dma_wait3A_347] : memref<677376x32xbf16, #tpu.memory_space<hbm>> -> memref<1008x32xbf16, #tpu.memory_space<hbm>>
          %dma_wait3A_349 = arith.constant 0 : i32
          %dma_wait3A_350 = arith.constant 0 : i32
          %dma_wait3A_351 = tpu.memref_slice %run_scoped3A_8[%rem3A_336, %dma_wait3A_349, %dma_wait3A_350] : memref<2x1008x32xbf16, #tpu.memory_space<vmem>> -> memref<1x1008x32xbf16, #tpu.memory_space<vmem>>
          %dma_wait3A_352 = tpu.memref_squeeze %dma_wait3A_351 : memref<1x1008x32xbf16, #tpu.memory_space<vmem>> -> memref<1008x32xbf16, #tpu.memory_space<vmem>>
          tpu.wait_dma2 semaphore(%dma_wait3A_346 : memref<!tpu.dma_semaphore, #tpu.memory_space<semaphore_mem>>) src(%dma_wait3A_352 : memref<1008x32xbf16, #tpu.memory_space<vmem>>) dst(%dma_wait3A_348 : memref<1008x32xbf16, #tpu.memory_space<hbm>>)
          "tpu.trace_stop"() : () -> ()
        } else {
        }
        %and3A_315 = arith.constant true
        %and3A_316 = arith.andi %and3A_311, %and3A_315 : i1
        %add3A_317 = arith.constant 1 : i32
        %add3A_318 = arith.addi %scan3A_125, %add3A_317 : i32
        %select_n3A_319 = arith.select %and3A_316, %add3A_318, %scan3A_125 : i32
        %ne3A_320 = arith.cmpi ne, %add3A_131, %add3A_149 : i32
        %or3A_321 = arith.constant false
        %or3A_322 = arith.ori %or3A_321, %ne3A_320 : i1
        %or3A_323 = arith.ori %or3A_322, %eq3A_130 : i1
        %add3A_324 = arith.constant 1 : i32
        %add3A_325 = arith.addi %scan3A_123, %add3A_324 : i32
        %select_n3A_326 = arith.select %or3A_323, %add3A_325, %scan3A_123 : i32
        %add3A_327 = arith.constant 1 : i32
        %add3A_328 = arith.addi %scan3A_126, %add3A_327 : i32
        %select_n3A_329 = arith.constant true
        %select_n3A_330 = arith.select %select_n3A_329, %add3A_328, %scan3A_126 : i32
        %eq3A_331 = arith.constant 21 : i32
        %eq3A_332 = arith.cmpi eq, %select_n3A_330, %eq3A_331 : i32
        %select_n3A_333 = arith.constant 0 : i32
        %select_n3A_334 = arith.select %eq3A_332, %select_n3A_333, %select_n3A_330 : i32
        scf.yield %select_n3A_167, %select_n3A_326, %select_n3A_292, %select_n3A_319, %select_n3A_334 : i32, i32, i32, i32, i32
      }
      %scan3A_68 = arith.constant 21 : i32
      %sub3A = arith.constant 1 : i32
      %sub3A_69 = arith.subi %scan3A_67#4, %sub3A : i32
      %select_n3A_70 = arith.constant true
      %select_n3A_71 = arith.select %select_n3A_70, %sub3A_69, %scan3A_67#4 : i32
      %eq3A_72 = arith.constant -1 : i32
      %eq3A_73 = arith.cmpi eq, %select_n3A_71, %eq3A_72 : i32
      %select_n3A_74 = arith.constant 20 : i32
      %select_n3A_75 = arith.select %eq3A_73, %select_n3A_74, %select_n3A_71 : i32
      %add3A_76 = arith.addi %select_n3A_75, %mul3A_6 : i32
      %sub3A_77 = arith.constant 1 : i32
      %sub3A_78 = arith.subi %select_n3A_75, %sub3A_77 : i32
      %select_n3A_79 = arith.constant true
      %select_n3A_80 = arith.select %select_n3A_79, %sub3A_78, %select_n3A_75 : i32
      %eq3A_81 = arith.constant -1 : i32
      %eq3A_82 = arith.cmpi eq, %select_n3A_80, %eq3A_81 : i32
      %select_n3A_83 = arith.constant 20 : i32
      %select_n3A_84 = arith.select %eq3A_82, %select_n3A_83, %select_n3A_80 : i32
      %add3A_85 = arith.addi %select_n3A_84, %mul3A_6 : i32
      %add3A_86 = arith.constant 1 : i32
      %add3A_87 = arith.addi %select_n3A_75, %add3A_86 : i32
      %select_n3A_88 = arith.constant true
      %select_n3A_89 = arith.select %select_n3A_88, %add3A_87, %select_n3A_75 : i32
      %eq3A_90 = arith.constant 21 : i32
      %eq3A_91 = arith.cmpi eq, %select_n3A_89, %eq3A_90 : i32
      %select_n3A_92 = arith.constant 0 : i32
      %select_n3A_93 = arith.select %eq3A_91, %select_n3A_92, %select_n3A_89 : i32
      %add3A_94 = arith.addi %select_n3A_93, %mul3A_6 : i32
      %add3A_95 = arith.constant 1 : i32
      %add3A_96 = arith.addi %select_n3A_93, %add3A_95 : i32
      %select_n3A_97 = arith.constant true
      %select_n3A_98 = arith.select %select_n3A_97, %add3A_96, %select_n3A_93 : i32
      %eq3A_99 = arith.constant 21 : i32
      %eq3A_100 = arith.cmpi eq, %select_n3A_98, %eq3A_99 : i32
      %select_n3A_101 = arith.constant 0 : i32
      %select_n3A_102 = arith.select %eq3A_100, %select_n3A_101, %select_n3A_98 : i32
      %add3A_103 = arith.addi %select_n3A_102, %mul3A_6 : i32
      "tpu.trace_start"() <{level = 10 : i32, message = "ep_finalize"}> : () -> ()
      %rem3A_104 = arith.constant 2 : i32
      %rem3A_105 = arith.remui %scan3A_67#3, %rem3A_104 : i32
      %mul3A_106 = arith.constant 1008 : i32
      %mul3A_107 = arith.muli %mul3A_106, %add3A_76 : i32
      %dma_wait3A = arith.constant 0 : i32
      %dma_wait3A_108 = arith.constant 0 : i32
      %dma_wait3A_109 = tpu.memref_slice %run_scoped3A_8[%rem3A_105, %dma_wait3A, %dma_wait3A_108] : memref<2x1008x32xbf16, #tpu.memory_space<vmem>> -> memref<1x1008x32xbf16, #tpu.memory_space<vmem>>
      %dma_wait3A_110 = tpu.memref_squeeze %dma_wait3A_109 : memref<1x1008x32xbf16, #tpu.memory_space<vmem>> -> memref<1008x32xbf16, #tpu.memory_space<vmem>>
      %dma_wait3A_111 = arith.constant 0 : i32
      %dma_wait3A_112 = tpu.memref_slice %arg4[%mul3A_107, %dma_wait3A_111] : memref<677376x32xbf16, #tpu.memory_space<hbm>> -> memref<1008x32xbf16, #tpu.memory_space<hbm>>
      %dma_wait3A_113 = tpu.memref_slice %run_scoped3A_9[%rem3A_105] : memref<2x!tpu.dma_semaphore, #tpu.memory_space<semaphore_mem>> -> memref<1x!tpu.dma_semaphore, #tpu.memory_space<semaphore_mem>>
      %dma_wait3A_114 = tpu.memref_squeeze %dma_wait3A_113 : memref<1x!tpu.dma_semaphore, #tpu.memory_space<semaphore_mem>> -> memref<!tpu.dma_semaphore, #tpu.memory_space<semaphore_mem>>
      %dma_wait3A_115 = arith.constant 0 : i32
      %dma_wait3A_116 = tpu.memref_slice %arg4[%mul3A_107, %dma_wait3A_115] : memref<677376x32xbf16, #tpu.memory_space<hbm>> -> memref<1008x32xbf16, #tpu.memory_space<hbm>>
      %dma_wait3A_117 = arith.constant 0 : i32
      %dma_wait3A_118 = arith.constant 0 : i32
      %dma_wait3A_119 = tpu.memref_slice %run_scoped3A_8[%rem3A_105, %dma_wait3A_117, %dma_wait3A_118] : memref<2x1008x32xbf16, #tpu.memory_space<vmem>> -> memref<1x1008x32xbf16, #tpu.memory_space<vmem>>
      %dma_wait3A_120 = tpu.memref_squeeze %dma_wait3A_119 : memref<1x1008x32xbf16, #tpu.memory_space<vmem>> -> memref<1008x32xbf16, #tpu.memory_space<vmem>>
      tpu.wait_dma2 semaphore(%dma_wait3A_114 : memref<!tpu.dma_semaphore, #tpu.memory_space<semaphore_mem>>) src(%dma_wait3A_120 : memref<1008x32xbf16, #tpu.memory_space<vmem>>) dst(%dma_wait3A_116 : memref<1008x32xbf16, #tpu.memory_space<hbm>>)
      "tpu.trace_stop"() : () -> ()
      tpu.yield
    }) : () -> ()
    return
  }
}

#map = affine_map<(d0, d1) -> (0, 0)>
module attributes {stable_mosaic.version = 14 : i64} {
  func.func @_build_table(%arg0: i32, %arg1: i32, %arg2: memref<1x343040xi32, #tpu.memory_space<hbm>>, %arg3: memref<50008x32xbf16, #tpu.memory_space<hbm>>, %arg4: memref<343040x32xbf16, #tpu.memory_space<hbm>>, %arg5: memref<!tpu.dma_semaphore, #tpu.memory_space<semaphore_mem>>, %arg6: memref<!tpu.dma_semaphore, #tpu.memory_space<semaphore_mem>>) attributes {dimension_semantics = [#tpu.dimension_semantics<core_parallel>, #tpu.dimension_semantics<subcore_parallel>], iteration_bounds = array<i64: 2, 16>, scalar_prefetch = 0 : i64, scratch_operands = 2 : i64, tpu.core_type = #tpu.core_type<sc_vector_subcore>, window_params = [{transform_indices = #map}, {transform_indices = #map}, {transform_indices = #map}]} {
    %mul3A = arith.constant 1 : i32
    %mul3A_0 = arith.muli %arg1, %mul3A : i32
    %add3A = arith.constant 0 : i32
    %add3A_1 = arith.addi %add3A, %mul3A_0 : i32
    %mul3A_2 = arith.constant 16 : i32
    %mul3A_3 = arith.muli %arg0, %mul3A_2 : i32
    %add3A_4 = arith.addi %add3A_1, %mul3A_3 : i32
    %mul3A_5 = arith.constant 10 : i32
    %mul3A_6 = arith.muli %add3A_4, %mul3A_5 : i32
    "tpu.region"() ({
      %run_scoped3A = memref.alloca() : memref<2x1x1072xi32, #tpu.memory_space<vmem>>
      %run_scoped3A_7 = tpu.sem_alloc : memref<2x!tpu.dma_semaphore, #tpu.memory_space<semaphore_mem>>
      %run_scoped3A_8 = memref.alloca() : memref<2x1072x32xbf16, #tpu.memory_space<vmem>>
      %run_scoped3A_9 = tpu.sem_alloc : memref<2x!tpu.dma_semaphore, #tpu.memory_space<semaphore_mem>>
      %add3A_10 = arith.constant 0 : i32
      %add3A_11 = arith.addi %add3A_10, %mul3A_6 : i32
      %select_n3A = arith.constant true
      %select_n3A_12 = arith.constant 0 : i32
      %select_n3A_13 = arith.constant -1 : i32
      %select_n3A_14 = arith.select %select_n3A, %select_n3A_13, %select_n3A_12 : i32
      %eq3A = arith.constant -1 : i32
      %eq3A_15 = arith.cmpi eq, %select_n3A_14, %eq3A : i32
      %select_n3A_16 = arith.constant 9 : i32
      %select_n3A_17 = arith.select %eq3A_15, %select_n3A_16, %select_n3A_14 : i32
      %add3A_18 = arith.addi %select_n3A_17, %mul3A_6 : i32
      %select_n3A_19 = arith.constant true
      %select_n3A_20 = arith.constant 0 : i32
      %select_n3A_21 = arith.constant 1 : i32
      %select_n3A_22 = arith.select %select_n3A_19, %select_n3A_21, %select_n3A_20 : i32
      %eq3A_23 = arith.constant 10 : i32
      %eq3A_24 = arith.cmpi eq, %select_n3A_22, %eq3A_23 : i32
      %select_n3A_25 = arith.constant 0 : i32
      %select_n3A_26 = arith.select %eq3A_24, %select_n3A_25, %select_n3A_22 : i32
      %add3A_27 = arith.addi %select_n3A_26, %mul3A_6 : i32
      %add3A_28 = arith.constant 1 : i32
      %add3A_29 = arith.addi %select_n3A_26, %add3A_28 : i32
      %select_n3A_30 = arith.constant true
      %select_n3A_31 = arith.select %select_n3A_30, %add3A_29, %select_n3A_26 : i32
      %eq3A_32 = arith.constant 10 : i32
      %eq3A_33 = arith.cmpi eq, %select_n3A_31, %eq3A_32 : i32
      %select_n3A_34 = arith.constant 0 : i32
      %select_n3A_35 = arith.select %eq3A_33, %select_n3A_34, %select_n3A_31 : i32
      %add3A_36 = arith.addi %select_n3A_35, %mul3A_6 : i32
      "tpu.trace_start"() <{level = 10 : i32, message = "ep_initialize_0"}> : () -> ()
      %rem3A = arith.constant 0 : i32
      %rem3A_37 = arith.constant 2 : i32
      %rem3A_38 = arith.remui %rem3A, %rem3A_37 : i32
      %mul3A_39 = arith.constant 1072 : i32
      %mul3A_40 = arith.muli %mul3A_39, %add3A_11 : i32
      %dma_start3A = arith.constant 0 : i32
      %dma_start3A_41 = arith.constant 0 : i32
      %dma_start3A_42 = tpu.memref_slice %run_scoped3A[%rem3A_38, %dma_start3A, %dma_start3A_41] : memref<2x1x1072xi32, #tpu.memory_space<vmem>> -> memref<1x1x1072xi32, #tpu.memory_space<vmem>>
      %dma_start3A_43 = tpu.memref_squeeze %dma_start3A_42 : memref<1x1x1072xi32, #tpu.memory_space<vmem>> -> memref<1x1072xi32, #tpu.memory_space<vmem>>
      %dma_start3A_44 = arith.constant 0 : i32
      %dma_start3A_45 = tpu.memref_slice %arg2[%dma_start3A_44, %mul3A_40] : memref<1x343040xi32, #tpu.memory_space<hbm>> -> memref<1x1072xi32, #tpu.memory_space<hbm>>
      %dma_start3A_46 = tpu.memref_slice %run_scoped3A_7[%rem3A_38] : memref<2x!tpu.dma_semaphore, #tpu.memory_space<semaphore_mem>> -> memref<1x!tpu.dma_semaphore, #tpu.memory_space<semaphore_mem>>
      %dma_start3A_47 = tpu.memref_squeeze %dma_start3A_46 : memref<1x!tpu.dma_semaphore, #tpu.memory_space<semaphore_mem>> -> memref<!tpu.dma_semaphore, #tpu.memory_space<semaphore_mem>>
      %dma_start3A_48 = arith.constant 0 : i32
      %dma_start3A_49 = arith.constant 0 : i32
      %dma_start3A_50 = tpu.memref_slice %run_scoped3A[%rem3A_38, %dma_start3A_48, %dma_start3A_49] : memref<2x1x1072xi32, #tpu.memory_space<vmem>> -> memref<1x1x1072xi32, #tpu.memory_space<vmem>>
      %dma_start3A_51 = tpu.memref_squeeze %dma_start3A_50 : memref<1x1x1072xi32, #tpu.memory_space<vmem>> -> memref<1x1072xi32, #tpu.memory_space<vmem>>
      %dma_start3A_52 = arith.constant 0 : i32
      %dma_start3A_53 = tpu.memref_slice %arg2[%dma_start3A_52, %mul3A_40] : memref<1x343040xi32, #tpu.memory_space<hbm>> -> memref<1x1072xi32, #tpu.memory_space<hbm>>
      tpu.enqueue_dma source(%dma_start3A_53 : memref<1x1072xi32, #tpu.memory_space<hbm>>) target(%dma_start3A_51 : memref<1x1072xi32, #tpu.memory_space<vmem>>) target_semaphore(%dma_start3A_47 : memref<!tpu.dma_semaphore, #tpu.memory_space<semaphore_mem>>)
      %add3A_54 = arith.constant 0 : i32
      %add3A_55 = arith.constant 1 : i32
      %add3A_56 = arith.addi %add3A_54, %add3A_55 : i32
      %select_n3A_57 = arith.constant true
      %select_n3A_58 = arith.constant 0 : i32
      %select_n3A_59 = arith.select %select_n3A_57, %add3A_56, %select_n3A_58 : i32
      "tpu.trace_stop"() : () -> ()
      %scan3A = arith.constant 0 : i32
      %scan3A_60 = arith.constant 0 : i32
      %scan3A_61 = arith.constant 0 : i32
      %scan3A_62 = arith.constant 0 : i32
      %scan3A_63 = arith.constant 0 : i32
      %scan3A_64 = arith.constant 10 : i32
      %scan3A_65 = arith.addi %scan3A_63, %scan3A_64 : i32
      %scan3A_66 = arith.constant 1 : i32
      %scan3A_67:5 = scf.for %scan3A_121 = %scan3A_63 to %scan3A_65 step %scan3A_66 iter_args(%scan3A_122 = %select_n3A_59, %scan3A_123 = %scan3A, %scan3A_124 = %scan3A_60, %scan3A_125 = %scan3A_61, %scan3A_126 = %scan3A_62) -> (i32, i32, i32, i32, i32)  : i32 {
        %eq3A_127 = arith.constant 0 : i32
        %eq3A_128 = arith.cmpi eq, %scan3A_121, %eq3A_127 : i32
        %eq3A_129 = arith.constant 9 : i32
        %eq3A_130 = arith.cmpi eq, %scan3A_121, %eq3A_129 : i32
        %add3A_131 = arith.addi %scan3A_126, %mul3A_6 : i32
        %sub3A_132 = arith.constant 1 : i32
        %sub3A_133 = arith.subi %scan3A_126, %sub3A_132 : i32
        %select_n3A_134 = arith.constant true
        %select_n3A_135 = arith.select %select_n3A_134, %sub3A_133, %scan3A_126 : i32
        %eq3A_136 = arith.constant -1 : i32
        %eq3A_137 = arith.cmpi eq, %select_n3A_135, %eq3A_136 : i32
        %select_n3A_138 = arith.constant 9 : i32
        %select_n3A_139 = arith.select %eq3A_137, %select_n3A_138, %select_n3A_135 : i32
        %add3A_140 = arith.addi %select_n3A_139, %mul3A_6 : i32
        %add3A_141 = arith.constant 1 : i32
        %add3A_142 = arith.addi %scan3A_126, %add3A_141 : i32
        %select_n3A_143 = arith.constant true
        %select_n3A_144 = arith.select %select_n3A_143, %add3A_142, %scan3A_126 : i32
        %eq3A_145 = arith.constant 10 : i32
        %eq3A_146 = arith.cmpi eq, %select_n3A_144, %eq3A_145 : i32
        %select_n3A_147 = arith.constant 0 : i32
        %select_n3A_148 = arith.select %eq3A_146, %select_n3A_147, %select_n3A_144 : i32
        %add3A_149 = arith.addi %select_n3A_148, %mul3A_6 : i32
        %add3A_150 = arith.constant 1 : i32
        %add3A_151 = arith.addi %select_n3A_148, %add3A_150 : i32
        %select_n3A_152 = arith.constant true
        %select_n3A_153 = arith.select %select_n3A_152, %add3A_151, %select_n3A_148 : i32
        %eq3A_154 = arith.constant 10 : i32
        %eq3A_155 = arith.cmpi eq, %select_n3A_153, %eq3A_154 : i32
        %select_n3A_156 = arith.constant 0 : i32
        %select_n3A_157 = arith.select %eq3A_155, %select_n3A_156, %select_n3A_153 : i32
        %add3A_158 = arith.addi %select_n3A_157, %mul3A_6 : i32
        %ne3A = arith.cmpi ne, %add3A_131, %add3A_149 : i32
        %or3A = arith.constant false
        %or3A_159 = arith.ori %or3A, %ne3A : i1
        %ge3A = arith.constant 9 : i32
        %ge3A_160 = arith.cmpi sge, %scan3A_121, %ge3A : i32
        %not3A = arith.constant true
        %not3A_161 = arith.xori %ge3A_160, %not3A : i1
        %and3A = arith.andi %or3A_159, %not3A_161 : i1
        %convert_element_type3A = arith.extui %and3A : i1 to i32
        %cond3A = arith.constant 0 : i32
        %cond3A_162 = arith.cmpi ne, %convert_element_type3A, %cond3A : i32
        scf.if %cond3A_162 {
          "tpu.trace_start"() <{level = 10 : i32, message = "ep_copy_in"}> : () -> ()
          %rem3A_335 = arith.constant 2 : i32
          %rem3A_336 = arith.remui %scan3A_122, %rem3A_335 : i32
          %mul3A_337 = arith.constant 1072 : i32
          %mul3A_338 = arith.muli %mul3A_337, %add3A_149 : i32
          %dma_start3A_339 = arith.constant 0 : i32
          %dma_start3A_340 = arith.constant 0 : i32
          %dma_start3A_341 = tpu.memref_slice %run_scoped3A[%rem3A_336, %dma_start3A_339, %dma_start3A_340] : memref<2x1x1072xi32, #tpu.memory_space<vmem>> -> memref<1x1x1072xi32, #tpu.memory_space<vmem>>
          %dma_start3A_342 = tpu.memref_squeeze %dma_start3A_341 : memref<1x1x1072xi32, #tpu.memory_space<vmem>> -> memref<1x1072xi32, #tpu.memory_space<vmem>>
          %dma_start3A_343 = arith.constant 0 : i32
          %dma_start3A_344 = tpu.memref_slice %arg2[%dma_start3A_343, %mul3A_338] : memref<1x343040xi32, #tpu.memory_space<hbm>> -> memref<1x1072xi32, #tpu.memory_space<hbm>>
          %dma_start3A_345 = tpu.memref_slice %run_scoped3A_7[%rem3A_336] : memref<2x!tpu.dma_semaphore, #tpu.memory_space<semaphore_mem>> -> memref<1x!tpu.dma_semaphore, #tpu.memory_space<semaphore_mem>>
          %dma_start3A_346 = tpu.memref_squeeze %dma_start3A_345 : memref<1x!tpu.dma_semaphore, #tpu.memory_space<semaphore_mem>> -> memref<!tpu.dma_semaphore, #tpu.memory_space<semaphore_mem>>
          %dma_start3A_347 = arith.constant 0 : i32
          %dma_start3A_348 = arith.constant 0 : i32
          %dma_start3A_349 = tpu.memref_slice %run_scoped3A[%rem3A_336, %dma_start3A_347, %dma_start3A_348] : memref<2x1x1072xi32, #tpu.memory_space<vmem>> -> memref<1x1x1072xi32, #tpu.memory_space<vmem>>
          %dma_start3A_350 = tpu.memref_squeeze %dma_start3A_349 : memref<1x1x1072xi32, #tpu.memory_space<vmem>> -> memref<1x1072xi32, #tpu.memory_space<vmem>>
          %dma_start3A_351 = arith.constant 0 : i32
          %dma_start3A_352 = tpu.memref_slice %arg2[%dma_start3A_351, %mul3A_338] : memref<1x343040xi32, #tpu.memory_space<hbm>> -> memref<1x1072xi32, #tpu.memory_space<hbm>>
          tpu.enqueue_dma source(%dma_start3A_352 : memref<1x1072xi32, #tpu.memory_space<hbm>>) target(%dma_start3A_350 : memref<1x1072xi32, #tpu.memory_space<vmem>>) target_semaphore(%dma_start3A_346 : memref<!tpu.dma_semaphore, #tpu.memory_space<semaphore_mem>>)
          "tpu.trace_stop"() : () -> ()
        } else {
        }
        %and3A_163 = arith.constant true
        %and3A_164 = arith.andi %and3A, %and3A_163 : i1
        %add3A_165 = arith.constant 1 : i32
        %add3A_166 = arith.addi %scan3A_122, %add3A_165 : i32
        %select_n3A_167 = arith.select %and3A_164, %add3A_166, %scan3A_122 : i32
        %ne3A_168 = arith.cmpi ne, %add3A_131, %add3A_149 : i32
        %or3A_169 = arith.constant false
        %or3A_170 = arith.ori %or3A_169, %ne3A_168 : i1
        %or3A_171 = arith.constant false
        %or3A_172 = arith.ori %or3A_170, %or3A_171 : i1
        %ge3A_173 = arith.constant 9 : i32
        %ge3A_174 = arith.cmpi sge, %scan3A_121, %ge3A_173 : i32
        %not3A_175 = arith.constant true
        %not3A_176 = arith.xori %ge3A_174, %not3A_175 : i1
        %and3A_177 = arith.andi %or3A_172, %not3A_176 : i1
        %ne3A_178 = arith.cmpi ne, %add3A_131, %add3A_140 : i32
        %or3A_179 = arith.constant false
        %or3A_180 = arith.ori %or3A_179, %ne3A_178 : i1
        %or3A_181 = arith.ori %or3A_180, %eq3A_128 : i1
        %convert_element_type3A_182 = arith.extui %or3A_181 : i1 to i32
        %cond3A_183 = arith.constant 0 : i32
        %cond3A_184 = arith.cmpi ne, %convert_element_type3A_182, %cond3A_183 : i32
        scf.if %cond3A_184 {
          "tpu.trace_start"() <{level = 10 : i32, message = "ep_wait_in"}> : () -> ()
          %mul3A_335 = arith.constant 1072 : i32
          %mul3A_336 = arith.muli %mul3A_335, %add3A_131 : i32
          %rem3A_337 = arith.constant 2 : i32
          %rem3A_338 = arith.remui %scan3A_123, %rem3A_337 : i32
          %dma_wait3A_339 = arith.constant 0 : i32
          %dma_wait3A_340 = arith.constant 0 : i32
          %dma_wait3A_341 = tpu.memref_slice %run_scoped3A[%rem3A_338, %dma_wait3A_339, %dma_wait3A_340] : memref<2x1x1072xi32, #tpu.memory_space<vmem>> -> memref<1x1x1072xi32, #tpu.memory_space<vmem>>
          %dma_wait3A_342 = tpu.memref_squeeze %dma_wait3A_341 : memref<1x1x1072xi32, #tpu.memory_space<vmem>> -> memref<1x1072xi32, #tpu.memory_space<vmem>>
          %dma_wait3A_343 = arith.constant 0 : i32
          %dma_wait3A_344 = tpu.memref_slice %arg2[%dma_wait3A_343, %mul3A_336] : memref<1x343040xi32, #tpu.memory_space<hbm>> -> memref<1x1072xi32, #tpu.memory_space<hbm>>
          %dma_wait3A_345 = tpu.memref_slice %run_scoped3A_7[%rem3A_338] : memref<2x!tpu.dma_semaphore, #tpu.memory_space<semaphore_mem>> -> memref<1x!tpu.dma_semaphore, #tpu.memory_space<semaphore_mem>>
          %dma_wait3A_346 = tpu.memref_squeeze %dma_wait3A_345 : memref<1x!tpu.dma_semaphore, #tpu.memory_space<semaphore_mem>> -> memref<!tpu.dma_semaphore, #tpu.memory_space<semaphore_mem>>
          %dma_wait3A_347 = arith.constant 0 : i32
          %dma_wait3A_348 = arith.constant 0 : i32
          %dma_wait3A_349 = tpu.memref_slice %run_scoped3A[%rem3A_338, %dma_wait3A_347, %dma_wait3A_348] : memref<2x1x1072xi32, #tpu.memory_space<vmem>> -> memref<1x1x1072xi32, #tpu.memory_space<vmem>>
          %dma_wait3A_350 = tpu.memref_squeeze %dma_wait3A_349 : memref<1x1x1072xi32, #tpu.memory_space<vmem>> -> memref<1x1072xi32, #tpu.memory_space<vmem>>
          %dma_wait3A_351 = arith.constant 0 : i32
          %dma_wait3A_352 = tpu.memref_slice %arg2[%dma_wait3A_351, %mul3A_336] : memref<1x343040xi32, #tpu.memory_space<hbm>> -> memref<1x1072xi32, #tpu.memory_space<hbm>>
          tpu.wait_dma2 semaphore(%dma_wait3A_346 : memref<!tpu.dma_semaphore, #tpu.memory_space<semaphore_mem>>) src(%dma_wait3A_352 : memref<1x1072xi32, #tpu.memory_space<hbm>>) dst(%dma_wait3A_350 : memref<1x1072xi32, #tpu.memory_space<vmem>>)
          "tpu.trace_stop"() : () -> ()
        } else {
        }
        %ne3A_185 = arith.cmpi ne, %add3A_131, %add3A_140 : i32
        %or3A_186 = arith.constant false
        %or3A_187 = arith.ori %or3A_186, %ne3A_185 : i1
        %or3A_188 = arith.constant false
        %or3A_189 = arith.ori %or3A_187, %or3A_188 : i1
        %or3A_190 = arith.ori %or3A_189, %eq3A_128 : i1
        %convert_element_type3A_191 = arith.extui %or3A_190 : i1 to i32
        %cond3A_192 = arith.constant 0 : i32
        %cond3A_193 = arith.cmpi ne, %convert_element_type3A_191, %cond3A_192 : i32
        scf.if %cond3A_193 {
        } else {
        }
        %rem3A_194 = arith.constant 2 : i32
        %rem3A_195 = arith.remui %scan3A_123, %rem3A_194 : i32
        %rem3A_196 = arith.constant 2 : i32
        %rem3A_197 = arith.remui %scan3A_124, %rem3A_196 : i32
        %dma_start3A_198 = arith.constant 0 : i32
        "tpu.trace_start"() <{level = 10 : i32, message = "ep_run_kernel"}> : () -> ()
        %dma_start3A_199 = arith.constant 0 : i32
        %dma_start3A_200 = arith.constant 0 : i32
        %dma_start3A_201 = tpu.memref_slice %run_scoped3A_8[%rem3A_197, %dma_start3A_199, %dma_start3A_200] : memref<2x1072x32xbf16, #tpu.memory_space<vmem>> -> memref<1x1072x32xbf16, #tpu.memory_space<vmem>>
        %dma_start3A_202 = tpu.memref_squeeze %dma_start3A_201 : memref<1x1072x32xbf16, #tpu.memory_space<vmem>> -> memref<1072x32xbf16, #tpu.memory_space<vmem>>
        %dma_start3A_203 = arith.constant 0 : i32
        %dma_start3A_204 = arith.constant 0 : i32
        %dma_start3A_205 = tpu.memref_slice %dma_start3A_202[%dma_start3A_203, %dma_start3A_204] : memref<1072x32xbf16, #tpu.memory_space<vmem>> -> memref<536x32xbf16, #tpu.memory_space<vmem>>
        %dma_start3A_206 = arith.constant 0 : i32
        %dma_start3A_207 = arith.constant 0 : i32
        %dma_start3A_208 = tpu.memref_slice %run_scoped3A[%rem3A_195, %dma_start3A_206, %dma_start3A_207] : memref<2x1x1072xi32, #tpu.memory_space<vmem>> -> memref<1x1x1072xi32, #tpu.memory_space<vmem>>
        %dma_start3A_209 = tpu.memref_squeeze %dma_start3A_208 : memref<1x1x1072xi32, #tpu.memory_space<vmem>> -> memref<1x1072xi32, #tpu.memory_space<vmem>>
        %dma_start3A_210 = arith.constant 0 : i32
        %dma_start3A_211 = tpu.memref_slice %dma_start3A_209[%dma_start3A_198, %dma_start3A_210] : memref<1x1072xi32, #tpu.memory_space<vmem>> -> memref<1x536xi32, #tpu.memory_space<vmem>>
        %dma_start3A_212 = tpu.memref_squeeze %dma_start3A_211 : memref<1x536xi32, #tpu.memory_space<vmem>> -> memref<536xi32, #tpu.memory_space<vmem>>
        %dma_start3A_213 = arith.constant 0 : i32
        %dma_start3A_214 = arith.constant 0 : i32
        %dma_start3A_215 = tpu.memref_slice %arg3[%dma_start3A_213, %dma_start3A_214] : memref<50008x32xbf16, #tpu.memory_space<hbm>> -> memref<50008x32xbf16, #tpu.memory_space<hbm>>
        tpu.enqueue_indirect_dma source(%dma_start3A_215 : memref<50008x32xbf16, #tpu.memory_space<hbm>>) target(%dma_start3A_205 : memref<536x32xbf16, #tpu.memory_space<vmem>>) offsets(%dma_start3A_212 : memref<536xi32, #tpu.memory_space<vmem>>) semaphore(%arg5 : memref<!tpu.dma_semaphore, #tpu.memory_space<semaphore_mem>>)
        %dma_start3A_216 = arith.constant 0 : i32
        %dma_start3A_217 = arith.constant 0 : i32
        %dma_start3A_218 = arith.constant 0 : i32
        %dma_start3A_219 = tpu.memref_slice %run_scoped3A_8[%rem3A_197, %dma_start3A_217, %dma_start3A_218] : memref<2x1072x32xbf16, #tpu.memory_space<vmem>> -> memref<1x1072x32xbf16, #tpu.memory_space<vmem>>
        %dma_start3A_220 = tpu.memref_squeeze %dma_start3A_219 : memref<1x1072x32xbf16, #tpu.memory_space<vmem>> -> memref<1072x32xbf16, #tpu.memory_space<vmem>>
        %dma_start3A_221 = arith.constant 536 : i32
        %dma_start3A_222 = arith.constant 0 : i32
        %dma_start3A_223 = tpu.memref_slice %dma_start3A_220[%dma_start3A_221, %dma_start3A_222] : memref<1072x32xbf16, #tpu.memory_space<vmem>> -> memref<536x32xbf16, #tpu.memory_space<vmem>>
        %dma_start3A_224 = arith.constant 0 : i32
        %dma_start3A_225 = arith.constant 0 : i32
        %dma_start3A_226 = tpu.memref_slice %run_scoped3A[%rem3A_195, %dma_start3A_224, %dma_start3A_225] : memref<2x1x1072xi32, #tpu.memory_space<vmem>> -> memref<1x1x1072xi32, #tpu.memory_space<vmem>>
        %dma_start3A_227 = tpu.memref_squeeze %dma_start3A_226 : memref<1x1x1072xi32, #tpu.memory_space<vmem>> -> memref<1x1072xi32, #tpu.memory_space<vmem>>
        %dma_start3A_228 = arith.constant 536 : i32
        %dma_start3A_229 = tpu.memref_slice %dma_start3A_227[%dma_start3A_216, %dma_start3A_228] : memref<1x1072xi32, #tpu.memory_space<vmem>> -> memref<1x536xi32, #tpu.memory_space<vmem>>
        %dma_start3A_230 = tpu.memref_squeeze %dma_start3A_229 : memref<1x536xi32, #tpu.memory_space<vmem>> -> memref<536xi32, #tpu.memory_space<vmem>>
        %dma_start3A_231 = arith.constant 0 : i32
        %dma_start3A_232 = arith.constant 0 : i32
        %dma_start3A_233 = tpu.memref_slice %arg3[%dma_start3A_231, %dma_start3A_232] : memref<50008x32xbf16, #tpu.memory_space<hbm>> -> memref<50008x32xbf16, #tpu.memory_space<hbm>>
        tpu.enqueue_indirect_dma source(%dma_start3A_233 : memref<50008x32xbf16, #tpu.memory_space<hbm>>) target(%dma_start3A_223 : memref<536x32xbf16, #tpu.memory_space<vmem>>) offsets(%dma_start3A_230 : memref<536xi32, #tpu.memory_space<vmem>>) semaphore(%arg6 : memref<!tpu.dma_semaphore, #tpu.memory_space<semaphore_mem>>)
        %dma_wait3A_234 = arith.constant 0 : i32
        %dma_wait3A_235 = arith.constant 0 : i32
        %dma_wait3A_236 = arith.constant 0 : i32
        %dma_wait3A_237 = tpu.memref_slice %run_scoped3A_8[%rem3A_197, %dma_wait3A_235, %dma_wait3A_236] : memref<2x1072x32xbf16, #tpu.memory_space<vmem>> -> memref<1x1072x32xbf16, #tpu.memory_space<vmem>>
        %dma_wait3A_238 = tpu.memref_squeeze %dma_wait3A_237 : memref<1x1072x32xbf16, #tpu.memory_space<vmem>> -> memref<1072x32xbf16, #tpu.memory_space<vmem>>
        %dma_wait3A_239 = arith.constant 0 : i32
        %dma_wait3A_240 = arith.constant 0 : i32
        %dma_wait3A_241 = tpu.memref_slice %dma_wait3A_238[%dma_wait3A_239, %dma_wait3A_240] : memref<1072x32xbf16, #tpu.memory_space<vmem>> -> memref<536x32xbf16, #tpu.memory_space<vmem>>
        %dma_wait3A_242 = arith.constant 0 : i32
        %dma_wait3A_243 = arith.constant 0 : i32
        %dma_wait3A_244 = tpu.memref_slice %run_scoped3A[%rem3A_195, %dma_wait3A_242, %dma_wait3A_243] : memref<2x1x1072xi32, #tpu.memory_space<vmem>> -> memref<1x1x1072xi32, #tpu.memory_space<vmem>>
        %dma_wait3A_245 = tpu.memref_squeeze %dma_wait3A_244 : memref<1x1x1072xi32, #tpu.memory_space<vmem>> -> memref<1x1072xi32, #tpu.memory_space<vmem>>
        %dma_wait3A_246 = arith.constant 0 : i32
        %dma_wait3A_247 = tpu.memref_slice %dma_wait3A_245[%dma_wait3A_234, %dma_wait3A_246] : memref<1x1072xi32, #tpu.memory_space<vmem>> -> memref<1x536xi32, #tpu.memory_space<vmem>>
        %dma_wait3A_248 = tpu.memref_squeeze %dma_wait3A_247 : memref<1x536xi32, #tpu.memory_space<vmem>> -> memref<536xi32, #tpu.memory_space<vmem>>
        %dma_wait3A_249 = arith.constant 0 : i32
        %dma_wait3A_250 = arith.constant 0 : i32
        %dma_wait3A_251 = tpu.memref_slice %arg3[%dma_wait3A_249, %dma_wait3A_250] : memref<50008x32xbf16, #tpu.memory_space<hbm>> -> memref<50008x32xbf16, #tpu.memory_space<hbm>>
        tpu.wait_indirect_dma semaphore(%arg5 : memref<!tpu.dma_semaphore, #tpu.memory_space<semaphore_mem>>) src(%dma_wait3A_251 : memref<50008x32xbf16, #tpu.memory_space<hbm>>) dst(%dma_wait3A_241 : memref<536x32xbf16, #tpu.memory_space<vmem>>)
        %dma_wait3A_252 = arith.constant 0 : i32
        %dma_wait3A_253 = arith.constant 0 : i32
        %dma_wait3A_254 = arith.constant 0 : i32
        %dma_wait3A_255 = tpu.memref_slice %run_scoped3A_8[%rem3A_197, %dma_wait3A_253, %dma_wait3A_254] : memref<2x1072x32xbf16, #tpu.memory_space<vmem>> -> memref<1x1072x32xbf16, #tpu.memory_space<vmem>>
        %dma_wait3A_256 = tpu.memref_squeeze %dma_wait3A_255 : memref<1x1072x32xbf16, #tpu.memory_space<vmem>> -> memref<1072x32xbf16, #tpu.memory_space<vmem>>
        %dma_wait3A_257 = arith.constant 536 : i32
        %dma_wait3A_258 = arith.constant 0 : i32
        %dma_wait3A_259 = tpu.memref_slice %dma_wait3A_256[%dma_wait3A_257, %dma_wait3A_258] : memref<1072x32xbf16, #tpu.memory_space<vmem>> -> memref<536x32xbf16, #tpu.memory_space<vmem>>
        %dma_wait3A_260 = arith.constant 0 : i32
        %dma_wait3A_261 = arith.constant 0 : i32
        %dma_wait3A_262 = tpu.memref_slice %run_scoped3A[%rem3A_195, %dma_wait3A_260, %dma_wait3A_261] : memref<2x1x1072xi32, #tpu.memory_space<vmem>> -> memref<1x1x1072xi32, #tpu.memory_space<vmem>>
        %dma_wait3A_263 = tpu.memref_squeeze %dma_wait3A_262 : memref<1x1x1072xi32, #tpu.memory_space<vmem>> -> memref<1x1072xi32, #tpu.memory_space<vmem>>
        %dma_wait3A_264 = arith.constant 536 : i32
        %dma_wait3A_265 = tpu.memref_slice %dma_wait3A_263[%dma_wait3A_252, %dma_wait3A_264] : memref<1x1072xi32, #tpu.memory_space<vmem>> -> memref<1x536xi32, #tpu.memory_space<vmem>>
        %dma_wait3A_266 = tpu.memref_squeeze %dma_wait3A_265 : memref<1x536xi32, #tpu.memory_space<vmem>> -> memref<536xi32, #tpu.memory_space<vmem>>
        %dma_wait3A_267 = arith.constant 0 : i32
        %dma_wait3A_268 = arith.constant 0 : i32
        %dma_wait3A_269 = tpu.memref_slice %arg3[%dma_wait3A_267, %dma_wait3A_268] : memref<50008x32xbf16, #tpu.memory_space<hbm>> -> memref<50008x32xbf16, #tpu.memory_space<hbm>>
        tpu.wait_indirect_dma semaphore(%arg6 : memref<!tpu.dma_semaphore, #tpu.memory_space<semaphore_mem>>) src(%dma_wait3A_269 : memref<50008x32xbf16, #tpu.memory_space<hbm>>) dst(%dma_wait3A_259 : memref<536x32xbf16, #tpu.memory_space<vmem>>)
        "tpu.trace_stop"() : () -> ()
        %ne3A_270 = arith.cmpi ne, %add3A_131, %add3A_149 : i32
        %or3A_271 = arith.constant false
        %or3A_272 = arith.ori %or3A_271, %ne3A_270 : i1
        %or3A_273 = arith.ori %or3A_272, %eq3A_130 : i1
        %convert_element_type3A_274 = arith.extui %or3A_273 : i1 to i32
        %cond3A_275 = arith.constant 0 : i32
        %cond3A_276 = arith.cmpi ne, %convert_element_type3A_274, %cond3A_275 : i32
        scf.if %cond3A_276 {
        } else {
        }
        %and3A_277 = arith.constant false
        %and3A_278 = arith.andi %or3A_273, %and3A_277 : i1
        %ne3A_279 = arith.cmpi ne, %add3A_131, %add3A_149 : i32
        %or3A_280 = arith.constant false
        %or3A_281 = arith.ori %or3A_280, %ne3A_279 : i1
        %or3A_282 = arith.constant false
        %or3A_283 = arith.ori %or3A_281, %or3A_282 : i1
        %or3A_284 = arith.ori %or3A_283, %eq3A_130 : i1
        %convert_element_type3A_285 = arith.extui %or3A_284 : i1 to i32
        %cond3A_286 = arith.constant 0 : i32
        %cond3A_287 = arith.cmpi ne, %convert_element_type3A_285, %cond3A_286 : i32
        scf.if %cond3A_287 {
          "tpu.trace_start"() <{level = 10 : i32, message = "ep_copy_out"}> : () -> ()
          %rem3A_335 = arith.constant 2 : i32
          %rem3A_336 = arith.remui %scan3A_124, %rem3A_335 : i32
          %mul3A_337 = arith.constant 1072 : i32
          %mul3A_338 = arith.muli %mul3A_337, %add3A_131 : i32
          %dma_start3A_339 = arith.constant 0 : i32
          %dma_start3A_340 = arith.constant 0 : i32
          %dma_start3A_341 = tpu.memref_slice %run_scoped3A_8[%rem3A_336, %dma_start3A_339, %dma_start3A_340] : memref<2x1072x32xbf16, #tpu.memory_space<vmem>> -> memref<1x1072x32xbf16, #tpu.memory_space<vmem>>
          %dma_start3A_342 = tpu.memref_squeeze %dma_start3A_341 : memref<1x1072x32xbf16, #tpu.memory_space<vmem>> -> memref<1072x32xbf16, #tpu.memory_space<vmem>>
          %dma_start3A_343 = arith.constant 0 : i32
          %dma_start3A_344 = tpu.memref_slice %arg4[%mul3A_338, %dma_start3A_343] : memref<343040x32xbf16, #tpu.memory_space<hbm>> -> memref<1072x32xbf16, #tpu.memory_space<hbm>>
          %dma_start3A_345 = tpu.memref_slice %run_scoped3A_9[%rem3A_336] : memref<2x!tpu.dma_semaphore, #tpu.memory_space<semaphore_mem>> -> memref<1x!tpu.dma_semaphore, #tpu.memory_space<semaphore_mem>>
          %dma_start3A_346 = tpu.memref_squeeze %dma_start3A_345 : memref<1x!tpu.dma_semaphore, #tpu.memory_space<semaphore_mem>> -> memref<!tpu.dma_semaphore, #tpu.memory_space<semaphore_mem>>
          %dma_start3A_347 = arith.constant 0 : i32
          %dma_start3A_348 = tpu.memref_slice %arg4[%mul3A_338, %dma_start3A_347] : memref<343040x32xbf16, #tpu.memory_space<hbm>> -> memref<1072x32xbf16, #tpu.memory_space<hbm>>
          %dma_start3A_349 = arith.constant 0 : i32
          %dma_start3A_350 = arith.constant 0 : i32
          %dma_start3A_351 = tpu.memref_slice %run_scoped3A_8[%rem3A_336, %dma_start3A_349, %dma_start3A_350] : memref<2x1072x32xbf16, #tpu.memory_space<vmem>> -> memref<1x1072x32xbf16, #tpu.memory_space<vmem>>
          %dma_start3A_352 = tpu.memref_squeeze %dma_start3A_351 : memref<1x1072x32xbf16, #tpu.memory_space<vmem>> -> memref<1072x32xbf16, #tpu.memory_space<vmem>>
          tpu.enqueue_dma source(%dma_start3A_352 : memref<1072x32xbf16, #tpu.memory_space<vmem>>) target(%dma_start3A_348 : memref<1072x32xbf16, #tpu.memory_space<hbm>>) target_semaphore(%dma_start3A_346 : memref<!tpu.dma_semaphore, #tpu.memory_space<semaphore_mem>>)
          "tpu.trace_stop"() : () -> ()
        } else {
        }
        %and3A_288 = arith.constant true
        %and3A_289 = arith.andi %or3A_284, %and3A_288 : i1
        %add3A_290 = arith.constant 1 : i32
        %add3A_291 = arith.addi %scan3A_124, %add3A_290 : i32
        %select_n3A_292 = arith.select %and3A_289, %add3A_291, %scan3A_124 : i32
        %ne3A_293 = arith.cmpi ne, %add3A_131, %add3A_140 : i32
        %or3A_294 = arith.constant false
        %or3A_295 = arith.ori %or3A_294, %ne3A_293 : i1
        %not3A_296 = arith.constant true
        %not3A_297 = arith.xori %eq3A_128, %not3A_296 : i1
        %and3A_298 = arith.andi %or3A_295, %not3A_297 : i1
        %convert_element_type3A_299 = arith.extui %and3A_298 : i1 to i32
        %cond3A_300 = arith.constant 0 : i32
        %cond3A_301 = arith.cmpi ne, %convert_element_type3A_299, %cond3A_300 : i32
        scf.if %cond3A_301 {
        } else {
        }
        %and3A_302 = arith.constant false
        %and3A_303 = arith.andi %and3A_298, %and3A_302 : i1
        %ne3A_304 = arith.cmpi ne, %add3A_131, %add3A_140 : i32
        %or3A_305 = arith.constant false
        %or3A_306 = arith.ori %or3A_305, %ne3A_304 : i1
        %or3A_307 = arith.constant false
        %or3A_308 = arith.ori %or3A_306, %or3A_307 : i1
        %not3A_309 = arith.constant true
        %not3A_310 = arith.xori %eq3A_128, %not3A_309 : i1
        %and3A_311 = arith.andi %or3A_308, %not3A_310 : i1
        %convert_element_type3A_312 = arith.extui %and3A_311 : i1 to i32
        %cond3A_313 = arith.constant 0 : i32
        %cond3A_314 = arith.cmpi ne, %convert_element_type3A_312, %cond3A_313 : i32
        scf.if %cond3A_314 {
          "tpu.trace_start"() <{level = 10 : i32, message = "ep_wait_out"}> : () -> ()
          %rem3A_335 = arith.constant 2 : i32
          %rem3A_336 = arith.remui %scan3A_125, %rem3A_335 : i32
          %mul3A_337 = arith.constant 1072 : i32
          %mul3A_338 = arith.muli %mul3A_337, %add3A_140 : i32
          %dma_wait3A_339 = arith.constant 0 : i32
          %dma_wait3A_340 = arith.constant 0 : i32
          %dma_wait3A_341 = tpu.memref_slice %run_scoped3A_8[%rem3A_336, %dma_wait3A_339, %dma_wait3A_340] : memref<2x1072x32xbf16, #tpu.memory_space<vmem>> -> memref<1x1072x32xbf16, #tpu.memory_space<vmem>>
          %dma_wait3A_342 = tpu.memref_squeeze %dma_wait3A_341 : memref<1x1072x32xbf16, #tpu.memory_space<vmem>> -> memref<1072x32xbf16, #tpu.memory_space<vmem>>
          %dma_wait3A_343 = arith.constant 0 : i32
          %dma_wait3A_344 = tpu.memref_slice %arg4[%mul3A_338, %dma_wait3A_343] : memref<343040x32xbf16, #tpu.memory_space<hbm>> -> memref<1072x32xbf16, #tpu.memory_space<hbm>>
          %dma_wait3A_345 = tpu.memref_slice %run_scoped3A_9[%rem3A_336] : memref<2x!tpu.dma_semaphore, #tpu.memory_space<semaphore_mem>> -> memref<1x!tpu.dma_semaphore, #tpu.memory_space<semaphore_mem>>
          %dma_wait3A_346 = tpu.memref_squeeze %dma_wait3A_345 : memref<1x!tpu.dma_semaphore, #tpu.memory_space<semaphore_mem>> -> memref<!tpu.dma_semaphore, #tpu.memory_space<semaphore_mem>>
          %dma_wait3A_347 = arith.constant 0 : i32
          %dma_wait3A_348 = tpu.memref_slice %arg4[%mul3A_338, %dma_wait3A_347] : memref<343040x32xbf16, #tpu.memory_space<hbm>> -> memref<1072x32xbf16, #tpu.memory_space<hbm>>
          %dma_wait3A_349 = arith.constant 0 : i32
          %dma_wait3A_350 = arith.constant 0 : i32
          %dma_wait3A_351 = tpu.memref_slice %run_scoped3A_8[%rem3A_336, %dma_wait3A_349, %dma_wait3A_350] : memref<2x1072x32xbf16, #tpu.memory_space<vmem>> -> memref<1x1072x32xbf16, #tpu.memory_space<vmem>>
          %dma_wait3A_352 = tpu.memref_squeeze %dma_wait3A_351 : memref<1x1072x32xbf16, #tpu.memory_space<vmem>> -> memref<1072x32xbf16, #tpu.memory_space<vmem>>
          tpu.wait_dma2 semaphore(%dma_wait3A_346 : memref<!tpu.dma_semaphore, #tpu.memory_space<semaphore_mem>>) src(%dma_wait3A_352 : memref<1072x32xbf16, #tpu.memory_space<vmem>>) dst(%dma_wait3A_348 : memref<1072x32xbf16, #tpu.memory_space<hbm>>)
          "tpu.trace_stop"() : () -> ()
        } else {
        }
        %and3A_315 = arith.constant true
        %and3A_316 = arith.andi %and3A_311, %and3A_315 : i1
        %add3A_317 = arith.constant 1 : i32
        %add3A_318 = arith.addi %scan3A_125, %add3A_317 : i32
        %select_n3A_319 = arith.select %and3A_316, %add3A_318, %scan3A_125 : i32
        %ne3A_320 = arith.cmpi ne, %add3A_131, %add3A_149 : i32
        %or3A_321 = arith.constant false
        %or3A_322 = arith.ori %or3A_321, %ne3A_320 : i1
        %or3A_323 = arith.ori %or3A_322, %eq3A_130 : i1
        %add3A_324 = arith.constant 1 : i32
        %add3A_325 = arith.addi %scan3A_123, %add3A_324 : i32
        %select_n3A_326 = arith.select %or3A_323, %add3A_325, %scan3A_123 : i32
        %add3A_327 = arith.constant 1 : i32
        %add3A_328 = arith.addi %scan3A_126, %add3A_327 : i32
        %select_n3A_329 = arith.constant true
        %select_n3A_330 = arith.select %select_n3A_329, %add3A_328, %scan3A_126 : i32
        %eq3A_331 = arith.constant 10 : i32
        %eq3A_332 = arith.cmpi eq, %select_n3A_330, %eq3A_331 : i32
        %select_n3A_333 = arith.constant 0 : i32
        %select_n3A_334 = arith.select %eq3A_332, %select_n3A_333, %select_n3A_330 : i32
        scf.yield %select_n3A_167, %select_n3A_326, %select_n3A_292, %select_n3A_319, %select_n3A_334 : i32, i32, i32, i32, i32
      }
      %scan3A_68 = arith.constant 10 : i32
      %sub3A = arith.constant 1 : i32
      %sub3A_69 = arith.subi %scan3A_67#4, %sub3A : i32
      %select_n3A_70 = arith.constant true
      %select_n3A_71 = arith.select %select_n3A_70, %sub3A_69, %scan3A_67#4 : i32
      %eq3A_72 = arith.constant -1 : i32
      %eq3A_73 = arith.cmpi eq, %select_n3A_71, %eq3A_72 : i32
      %select_n3A_74 = arith.constant 9 : i32
      %select_n3A_75 = arith.select %eq3A_73, %select_n3A_74, %select_n3A_71 : i32
      %add3A_76 = arith.addi %select_n3A_75, %mul3A_6 : i32
      %sub3A_77 = arith.constant 1 : i32
      %sub3A_78 = arith.subi %select_n3A_75, %sub3A_77 : i32
      %select_n3A_79 = arith.constant true
      %select_n3A_80 = arith.select %select_n3A_79, %sub3A_78, %select_n3A_75 : i32
      %eq3A_81 = arith.constant -1 : i32
      %eq3A_82 = arith.cmpi eq, %select_n3A_80, %eq3A_81 : i32
      %select_n3A_83 = arith.constant 9 : i32
      %select_n3A_84 = arith.select %eq3A_82, %select_n3A_83, %select_n3A_80 : i32
      %add3A_85 = arith.addi %select_n3A_84, %mul3A_6 : i32
      %add3A_86 = arith.constant 1 : i32
      %add3A_87 = arith.addi %select_n3A_75, %add3A_86 : i32
      %select_n3A_88 = arith.constant true
      %select_n3A_89 = arith.select %select_n3A_88, %add3A_87, %select_n3A_75 : i32
      %eq3A_90 = arith.constant 10 : i32
      %eq3A_91 = arith.cmpi eq, %select_n3A_89, %eq3A_90 : i32
      %select_n3A_92 = arith.constant 0 : i32
      %select_n3A_93 = arith.select %eq3A_91, %select_n3A_92, %select_n3A_89 : i32
      %add3A_94 = arith.addi %select_n3A_93, %mul3A_6 : i32
      %add3A_95 = arith.constant 1 : i32
      %add3A_96 = arith.addi %select_n3A_93, %add3A_95 : i32
      %select_n3A_97 = arith.constant true
      %select_n3A_98 = arith.select %select_n3A_97, %add3A_96, %select_n3A_93 : i32
      %eq3A_99 = arith.constant 10 : i32
      %eq3A_100 = arith.cmpi eq, %select_n3A_98, %eq3A_99 : i32
      %select_n3A_101 = arith.constant 0 : i32
      %select_n3A_102 = arith.select %eq3A_100, %select_n3A_101, %select_n3A_98 : i32
      %add3A_103 = arith.addi %select_n3A_102, %mul3A_6 : i32
      "tpu.trace_start"() <{level = 10 : i32, message = "ep_finalize"}> : () -> ()
      %rem3A_104 = arith.constant 2 : i32
      %rem3A_105 = arith.remui %scan3A_67#3, %rem3A_104 : i32
      %mul3A_106 = arith.constant 1072 : i32
      %mul3A_107 = arith.muli %mul3A_106, %add3A_76 : i32
      %dma_wait3A = arith.constant 0 : i32
      %dma_wait3A_108 = arith.constant 0 : i32
      %dma_wait3A_109 = tpu.memref_slice %run_scoped3A_8[%rem3A_105, %dma_wait3A, %dma_wait3A_108] : memref<2x1072x32xbf16, #tpu.memory_space<vmem>> -> memref<1x1072x32xbf16, #tpu.memory_space<vmem>>
      %dma_wait3A_110 = tpu.memref_squeeze %dma_wait3A_109 : memref<1x1072x32xbf16, #tpu.memory_space<vmem>> -> memref<1072x32xbf16, #tpu.memory_space<vmem>>
      %dma_wait3A_111 = arith.constant 0 : i32
      %dma_wait3A_112 = tpu.memref_slice %arg4[%mul3A_107, %dma_wait3A_111] : memref<343040x32xbf16, #tpu.memory_space<hbm>> -> memref<1072x32xbf16, #tpu.memory_space<hbm>>
      %dma_wait3A_113 = tpu.memref_slice %run_scoped3A_9[%rem3A_105] : memref<2x!tpu.dma_semaphore, #tpu.memory_space<semaphore_mem>> -> memref<1x!tpu.dma_semaphore, #tpu.memory_space<semaphore_mem>>
      %dma_wait3A_114 = tpu.memref_squeeze %dma_wait3A_113 : memref<1x!tpu.dma_semaphore, #tpu.memory_space<semaphore_mem>> -> memref<!tpu.dma_semaphore, #tpu.memory_space<semaphore_mem>>
      %dma_wait3A_115 = arith.constant 0 : i32
      %dma_wait3A_116 = tpu.memref_slice %arg4[%mul3A_107, %dma_wait3A_115] : memref<343040x32xbf16, #tpu.memory_space<hbm>> -> memref<1072x32xbf16, #tpu.memory_space<hbm>>
      %dma_wait3A_117 = arith.constant 0 : i32
      %dma_wait3A_118 = arith.constant 0 : i32
      %dma_wait3A_119 = tpu.memref_slice %run_scoped3A_8[%rem3A_105, %dma_wait3A_117, %dma_wait3A_118] : memref<2x1072x32xbf16, #tpu.memory_space<vmem>> -> memref<1x1072x32xbf16, #tpu.memory_space<vmem>>
      %dma_wait3A_120 = tpu.memref_squeeze %dma_wait3A_119 : memref<1x1072x32xbf16, #tpu.memory_space<vmem>> -> memref<1072x32xbf16, #tpu.memory_space<vmem>>
      tpu.wait_dma2 semaphore(%dma_wait3A_114 : memref<!tpu.dma_semaphore, #tpu.memory_space<semaphore_mem>>) src(%dma_wait3A_120 : memref<1072x32xbf16, #tpu.memory_space<vmem>>) dst(%dma_wait3A_116 : memref<1072x32xbf16, #tpu.memory_space<hbm>>)
      "tpu.trace_stop"() : () -> ()
      tpu.yield
    }) : () -> ()
    return
  }
}

#map = affine_map<(d0, d1) -> (0, 0)>
module attributes {stable_mosaic.version = 14 : i64} {
  func.func @_gather_rows(%arg0: i32, %arg1: i32, %arg2: memref<1x677376xi32, #tpu.memory_space<hbm>>, %arg3: memref<343040x32xbf16, #tpu.memory_space<hbm>>, %arg4: memref<677376x32xbf16, #tpu.memory_space<hbm>>, %arg5: memref<!tpu.dma_semaphore, #tpu.memory_space<semaphore_mem>>, %arg6: memref<!tpu.dma_semaphore, #tpu.memory_space<semaphore_mem>>) attributes {dimension_semantics = [#tpu.dimension_semantics<core_parallel>, #tpu.dimension_semantics<subcore_parallel>], iteration_bounds = array<i64: 2, 16>, scalar_prefetch = 0 : i64, scratch_operands = 2 : i64, tpu.core_type = #tpu.core_type<sc_vector_subcore>, window_params = [{transform_indices = #map}, {transform_indices = #map}, {transform_indices = #map}]} {
    %mul3A = arith.constant 1 : i32
    %mul3A_0 = arith.muli %arg1, %mul3A : i32
    %add3A = arith.constant 0 : i32
    %add3A_1 = arith.addi %add3A, %mul3A_0 : i32
    %mul3A_2 = arith.constant 16 : i32
    %mul3A_3 = arith.muli %arg0, %mul3A_2 : i32
    %add3A_4 = arith.addi %add3A_1, %mul3A_3 : i32
    %mul3A_5 = arith.constant 21 : i32
    %mul3A_6 = arith.muli %add3A_4, %mul3A_5 : i32
    "tpu.region"() ({
      %run_scoped3A = memref.alloca() : memref<2x1x1008xi32, #tpu.memory_space<vmem>>
      %run_scoped3A_7 = tpu.sem_alloc : memref<2x!tpu.dma_semaphore, #tpu.memory_space<semaphore_mem>>
      %run_scoped3A_8 = memref.alloca() : memref<2x1008x32xbf16, #tpu.memory_space<vmem>>
      %run_scoped3A_9 = tpu.sem_alloc : memref<2x!tpu.dma_semaphore, #tpu.memory_space<semaphore_mem>>
      %add3A_10 = arith.constant 0 : i32
      %add3A_11 = arith.addi %add3A_10, %mul3A_6 : i32
      %select_n3A = arith.constant true
      %select_n3A_12 = arith.constant 0 : i32
      %select_n3A_13 = arith.constant -1 : i32
      %select_n3A_14 = arith.select %select_n3A, %select_n3A_13, %select_n3A_12 : i32
      %eq3A = arith.constant -1 : i32
      %eq3A_15 = arith.cmpi eq, %select_n3A_14, %eq3A : i32
      %select_n3A_16 = arith.constant 20 : i32
      %select_n3A_17 = arith.select %eq3A_15, %select_n3A_16, %select_n3A_14 : i32
      %add3A_18 = arith.addi %select_n3A_17, %mul3A_6 : i32
      %select_n3A_19 = arith.constant true
      %select_n3A_20 = arith.constant 0 : i32
      %select_n3A_21 = arith.constant 1 : i32
      %select_n3A_22 = arith.select %select_n3A_19, %select_n3A_21, %select_n3A_20 : i32
      %eq3A_23 = arith.constant 21 : i32
      %eq3A_24 = arith.cmpi eq, %select_n3A_22, %eq3A_23 : i32
      %select_n3A_25 = arith.constant 0 : i32
      %select_n3A_26 = arith.select %eq3A_24, %select_n3A_25, %select_n3A_22 : i32
      %add3A_27 = arith.addi %select_n3A_26, %mul3A_6 : i32
      %add3A_28 = arith.constant 1 : i32
      %add3A_29 = arith.addi %select_n3A_26, %add3A_28 : i32
      %select_n3A_30 = arith.constant true
      %select_n3A_31 = arith.select %select_n3A_30, %add3A_29, %select_n3A_26 : i32
      %eq3A_32 = arith.constant 21 : i32
      %eq3A_33 = arith.cmpi eq, %select_n3A_31, %eq3A_32 : i32
      %select_n3A_34 = arith.constant 0 : i32
      %select_n3A_35 = arith.select %eq3A_33, %select_n3A_34, %select_n3A_31 : i32
      %add3A_36 = arith.addi %select_n3A_35, %mul3A_6 : i32
      "tpu.trace_start"() <{level = 10 : i32, message = "ep_initialize_0"}> : () -> ()
      %rem3A = arith.constant 0 : i32
      %rem3A_37 = arith.constant 2 : i32
      %rem3A_38 = arith.remui %rem3A, %rem3A_37 : i32
      %mul3A_39 = arith.constant 1008 : i32
      %mul3A_40 = arith.muli %mul3A_39, %add3A_11 : i32
      %dma_start3A = arith.constant 0 : i32
      %dma_start3A_41 = arith.constant 0 : i32
      %dma_start3A_42 = tpu.memref_slice %run_scoped3A[%rem3A_38, %dma_start3A, %dma_start3A_41] : memref<2x1x1008xi32, #tpu.memory_space<vmem>> -> memref<1x1x1008xi32, #tpu.memory_space<vmem>>
      %dma_start3A_43 = tpu.memref_squeeze %dma_start3A_42 : memref<1x1x1008xi32, #tpu.memory_space<vmem>> -> memref<1x1008xi32, #tpu.memory_space<vmem>>
      %dma_start3A_44 = arith.constant 0 : i32
      %dma_start3A_45 = tpu.memref_slice %arg2[%dma_start3A_44, %mul3A_40] : memref<1x677376xi32, #tpu.memory_space<hbm>> -> memref<1x1008xi32, #tpu.memory_space<hbm>>
      %dma_start3A_46 = tpu.memref_slice %run_scoped3A_7[%rem3A_38] : memref<2x!tpu.dma_semaphore, #tpu.memory_space<semaphore_mem>> -> memref<1x!tpu.dma_semaphore, #tpu.memory_space<semaphore_mem>>
      %dma_start3A_47 = tpu.memref_squeeze %dma_start3A_46 : memref<1x!tpu.dma_semaphore, #tpu.memory_space<semaphore_mem>> -> memref<!tpu.dma_semaphore, #tpu.memory_space<semaphore_mem>>
      %dma_start3A_48 = arith.constant 0 : i32
      %dma_start3A_49 = arith.constant 0 : i32
      %dma_start3A_50 = tpu.memref_slice %run_scoped3A[%rem3A_38, %dma_start3A_48, %dma_start3A_49] : memref<2x1x1008xi32, #tpu.memory_space<vmem>> -> memref<1x1x1008xi32, #tpu.memory_space<vmem>>
      %dma_start3A_51 = tpu.memref_squeeze %dma_start3A_50 : memref<1x1x1008xi32, #tpu.memory_space<vmem>> -> memref<1x1008xi32, #tpu.memory_space<vmem>>
      %dma_start3A_52 = arith.constant 0 : i32
      %dma_start3A_53 = tpu.memref_slice %arg2[%dma_start3A_52, %mul3A_40] : memref<1x677376xi32, #tpu.memory_space<hbm>> -> memref<1x1008xi32, #tpu.memory_space<hbm>>
      tpu.enqueue_dma source(%dma_start3A_53 : memref<1x1008xi32, #tpu.memory_space<hbm>>) target(%dma_start3A_51 : memref<1x1008xi32, #tpu.memory_space<vmem>>) target_semaphore(%dma_start3A_47 : memref<!tpu.dma_semaphore, #tpu.memory_space<semaphore_mem>>)
      %add3A_54 = arith.constant 0 : i32
      %add3A_55 = arith.constant 1 : i32
      %add3A_56 = arith.addi %add3A_54, %add3A_55 : i32
      %select_n3A_57 = arith.constant true
      %select_n3A_58 = arith.constant 0 : i32
      %select_n3A_59 = arith.select %select_n3A_57, %add3A_56, %select_n3A_58 : i32
      "tpu.trace_stop"() : () -> ()
      %scan3A = arith.constant 0 : i32
      %scan3A_60 = arith.constant 0 : i32
      %scan3A_61 = arith.constant 0 : i32
      %scan3A_62 = arith.constant 0 : i32
      %scan3A_63 = arith.constant 0 : i32
      %scan3A_64 = arith.constant 21 : i32
      %scan3A_65 = arith.addi %scan3A_63, %scan3A_64 : i32
      %scan3A_66 = arith.constant 1 : i32
      %scan3A_67:5 = scf.for %scan3A_121 = %scan3A_63 to %scan3A_65 step %scan3A_66 iter_args(%scan3A_122 = %select_n3A_59, %scan3A_123 = %scan3A, %scan3A_124 = %scan3A_60, %scan3A_125 = %scan3A_61, %scan3A_126 = %scan3A_62) -> (i32, i32, i32, i32, i32)  : i32 {
        %eq3A_127 = arith.constant 0 : i32
        %eq3A_128 = arith.cmpi eq, %scan3A_121, %eq3A_127 : i32
        %eq3A_129 = arith.constant 20 : i32
        %eq3A_130 = arith.cmpi eq, %scan3A_121, %eq3A_129 : i32
        %add3A_131 = arith.addi %scan3A_126, %mul3A_6 : i32
        %sub3A_132 = arith.constant 1 : i32
        %sub3A_133 = arith.subi %scan3A_126, %sub3A_132 : i32
        %select_n3A_134 = arith.constant true
        %select_n3A_135 = arith.select %select_n3A_134, %sub3A_133, %scan3A_126 : i32
        %eq3A_136 = arith.constant -1 : i32
        %eq3A_137 = arith.cmpi eq, %select_n3A_135, %eq3A_136 : i32
        %select_n3A_138 = arith.constant 20 : i32
        %select_n3A_139 = arith.select %eq3A_137, %select_n3A_138, %select_n3A_135 : i32
        %add3A_140 = arith.addi %select_n3A_139, %mul3A_6 : i32
        %add3A_141 = arith.constant 1 : i32
        %add3A_142 = arith.addi %scan3A_126, %add3A_141 : i32
        %select_n3A_143 = arith.constant true
        %select_n3A_144 = arith.select %select_n3A_143, %add3A_142, %scan3A_126 : i32
        %eq3A_145 = arith.constant 21 : i32
        %eq3A_146 = arith.cmpi eq, %select_n3A_144, %eq3A_145 : i32
        %select_n3A_147 = arith.constant 0 : i32
        %select_n3A_148 = arith.select %eq3A_146, %select_n3A_147, %select_n3A_144 : i32
        %add3A_149 = arith.addi %select_n3A_148, %mul3A_6 : i32
        %add3A_150 = arith.constant 1 : i32
        %add3A_151 = arith.addi %select_n3A_148, %add3A_150 : i32
        %select_n3A_152 = arith.constant true
        %select_n3A_153 = arith.select %select_n3A_152, %add3A_151, %select_n3A_148 : i32
        %eq3A_154 = arith.constant 21 : i32
        %eq3A_155 = arith.cmpi eq, %select_n3A_153, %eq3A_154 : i32
        %select_n3A_156 = arith.constant 0 : i32
        %select_n3A_157 = arith.select %eq3A_155, %select_n3A_156, %select_n3A_153 : i32
        %add3A_158 = arith.addi %select_n3A_157, %mul3A_6 : i32
        %ne3A = arith.cmpi ne, %add3A_131, %add3A_149 : i32
        %or3A = arith.constant false
        %or3A_159 = arith.ori %or3A, %ne3A : i1
        %ge3A = arith.constant 20 : i32
        %ge3A_160 = arith.cmpi sge, %scan3A_121, %ge3A : i32
        %not3A = arith.constant true
        %not3A_161 = arith.xori %ge3A_160, %not3A : i1
        %and3A = arith.andi %or3A_159, %not3A_161 : i1
        %convert_element_type3A = arith.extui %and3A : i1 to i32
        %cond3A = arith.constant 0 : i32
        %cond3A_162 = arith.cmpi ne, %convert_element_type3A, %cond3A : i32
        scf.if %cond3A_162 {
          "tpu.trace_start"() <{level = 10 : i32, message = "ep_copy_in"}> : () -> ()
          %rem3A_335 = arith.constant 2 : i32
          %rem3A_336 = arith.remui %scan3A_122, %rem3A_335 : i32
          %mul3A_337 = arith.constant 1008 : i32
          %mul3A_338 = arith.muli %mul3A_337, %add3A_149 : i32
          %dma_start3A_339 = arith.constant 0 : i32
          %dma_start3A_340 = arith.constant 0 : i32
          %dma_start3A_341 = tpu.memref_slice %run_scoped3A[%rem3A_336, %dma_start3A_339, %dma_start3A_340] : memref<2x1x1008xi32, #tpu.memory_space<vmem>> -> memref<1x1x1008xi32, #tpu.memory_space<vmem>>
          %dma_start3A_342 = tpu.memref_squeeze %dma_start3A_341 : memref<1x1x1008xi32, #tpu.memory_space<vmem>> -> memref<1x1008xi32, #tpu.memory_space<vmem>>
          %dma_start3A_343 = arith.constant 0 : i32
          %dma_start3A_344 = tpu.memref_slice %arg2[%dma_start3A_343, %mul3A_338] : memref<1x677376xi32, #tpu.memory_space<hbm>> -> memref<1x1008xi32, #tpu.memory_space<hbm>>
          %dma_start3A_345 = tpu.memref_slice %run_scoped3A_7[%rem3A_336] : memref<2x!tpu.dma_semaphore, #tpu.memory_space<semaphore_mem>> -> memref<1x!tpu.dma_semaphore, #tpu.memory_space<semaphore_mem>>
          %dma_start3A_346 = tpu.memref_squeeze %dma_start3A_345 : memref<1x!tpu.dma_semaphore, #tpu.memory_space<semaphore_mem>> -> memref<!tpu.dma_semaphore, #tpu.memory_space<semaphore_mem>>
          %dma_start3A_347 = arith.constant 0 : i32
          %dma_start3A_348 = arith.constant 0 : i32
          %dma_start3A_349 = tpu.memref_slice %run_scoped3A[%rem3A_336, %dma_start3A_347, %dma_start3A_348] : memref<2x1x1008xi32, #tpu.memory_space<vmem>> -> memref<1x1x1008xi32, #tpu.memory_space<vmem>>
          %dma_start3A_350 = tpu.memref_squeeze %dma_start3A_349 : memref<1x1x1008xi32, #tpu.memory_space<vmem>> -> memref<1x1008xi32, #tpu.memory_space<vmem>>
          %dma_start3A_351 = arith.constant 0 : i32
          %dma_start3A_352 = tpu.memref_slice %arg2[%dma_start3A_351, %mul3A_338] : memref<1x677376xi32, #tpu.memory_space<hbm>> -> memref<1x1008xi32, #tpu.memory_space<hbm>>
          tpu.enqueue_dma source(%dma_start3A_352 : memref<1x1008xi32, #tpu.memory_space<hbm>>) target(%dma_start3A_350 : memref<1x1008xi32, #tpu.memory_space<vmem>>) target_semaphore(%dma_start3A_346 : memref<!tpu.dma_semaphore, #tpu.memory_space<semaphore_mem>>)
          "tpu.trace_stop"() : () -> ()
        } else {
        }
        %and3A_163 = arith.constant true
        %and3A_164 = arith.andi %and3A, %and3A_163 : i1
        %add3A_165 = arith.constant 1 : i32
        %add3A_166 = arith.addi %scan3A_122, %add3A_165 : i32
        %select_n3A_167 = arith.select %and3A_164, %add3A_166, %scan3A_122 : i32
        %ne3A_168 = arith.cmpi ne, %add3A_131, %add3A_149 : i32
        %or3A_169 = arith.constant false
        %or3A_170 = arith.ori %or3A_169, %ne3A_168 : i1
        %or3A_171 = arith.constant false
        %or3A_172 = arith.ori %or3A_170, %or3A_171 : i1
        %ge3A_173 = arith.constant 20 : i32
        %ge3A_174 = arith.cmpi sge, %scan3A_121, %ge3A_173 : i32
        %not3A_175 = arith.constant true
        %not3A_176 = arith.xori %ge3A_174, %not3A_175 : i1
        %and3A_177 = arith.andi %or3A_172, %not3A_176 : i1
        %ne3A_178 = arith.cmpi ne, %add3A_131, %add3A_140 : i32
        %or3A_179 = arith.constant false
        %or3A_180 = arith.ori %or3A_179, %ne3A_178 : i1
        %or3A_181 = arith.ori %or3A_180, %eq3A_128 : i1
        %convert_element_type3A_182 = arith.extui %or3A_181 : i1 to i32
        %cond3A_183 = arith.constant 0 : i32
        %cond3A_184 = arith.cmpi ne, %convert_element_type3A_182, %cond3A_183 : i32
        scf.if %cond3A_184 {
          "tpu.trace_start"() <{level = 10 : i32, message = "ep_wait_in"}> : () -> ()
          %mul3A_335 = arith.constant 1008 : i32
          %mul3A_336 = arith.muli %mul3A_335, %add3A_131 : i32
          %rem3A_337 = arith.constant 2 : i32
          %rem3A_338 = arith.remui %scan3A_123, %rem3A_337 : i32
          %dma_wait3A_339 = arith.constant 0 : i32
          %dma_wait3A_340 = arith.constant 0 : i32
          %dma_wait3A_341 = tpu.memref_slice %run_scoped3A[%rem3A_338, %dma_wait3A_339, %dma_wait3A_340] : memref<2x1x1008xi32, #tpu.memory_space<vmem>> -> memref<1x1x1008xi32, #tpu.memory_space<vmem>>
          %dma_wait3A_342 = tpu.memref_squeeze %dma_wait3A_341 : memref<1x1x1008xi32, #tpu.memory_space<vmem>> -> memref<1x1008xi32, #tpu.memory_space<vmem>>
          %dma_wait3A_343 = arith.constant 0 : i32
          %dma_wait3A_344 = tpu.memref_slice %arg2[%dma_wait3A_343, %mul3A_336] : memref<1x677376xi32, #tpu.memory_space<hbm>> -> memref<1x1008xi32, #tpu.memory_space<hbm>>
          %dma_wait3A_345 = tpu.memref_slice %run_scoped3A_7[%rem3A_338] : memref<2x!tpu.dma_semaphore, #tpu.memory_space<semaphore_mem>> -> memref<1x!tpu.dma_semaphore, #tpu.memory_space<semaphore_mem>>
          %dma_wait3A_346 = tpu.memref_squeeze %dma_wait3A_345 : memref<1x!tpu.dma_semaphore, #tpu.memory_space<semaphore_mem>> -> memref<!tpu.dma_semaphore, #tpu.memory_space<semaphore_mem>>
          %dma_wait3A_347 = arith.constant 0 : i32
          %dma_wait3A_348 = arith.constant 0 : i32
          %dma_wait3A_349 = tpu.memref_slice %run_scoped3A[%rem3A_338, %dma_wait3A_347, %dma_wait3A_348] : memref<2x1x1008xi32, #tpu.memory_space<vmem>> -> memref<1x1x1008xi32, #tpu.memory_space<vmem>>
          %dma_wait3A_350 = tpu.memref_squeeze %dma_wait3A_349 : memref<1x1x1008xi32, #tpu.memory_space<vmem>> -> memref<1x1008xi32, #tpu.memory_space<vmem>>
          %dma_wait3A_351 = arith.constant 0 : i32
          %dma_wait3A_352 = tpu.memref_slice %arg2[%dma_wait3A_351, %mul3A_336] : memref<1x677376xi32, #tpu.memory_space<hbm>> -> memref<1x1008xi32, #tpu.memory_space<hbm>>
          tpu.wait_dma2 semaphore(%dma_wait3A_346 : memref<!tpu.dma_semaphore, #tpu.memory_space<semaphore_mem>>) src(%dma_wait3A_352 : memref<1x1008xi32, #tpu.memory_space<hbm>>) dst(%dma_wait3A_350 : memref<1x1008xi32, #tpu.memory_space<vmem>>)
          "tpu.trace_stop"() : () -> ()
        } else {
        }
        %ne3A_185 = arith.cmpi ne, %add3A_131, %add3A_140 : i32
        %or3A_186 = arith.constant false
        %or3A_187 = arith.ori %or3A_186, %ne3A_185 : i1
        %or3A_188 = arith.constant false
        %or3A_189 = arith.ori %or3A_187, %or3A_188 : i1
        %or3A_190 = arith.ori %or3A_189, %eq3A_128 : i1
        %convert_element_type3A_191 = arith.extui %or3A_190 : i1 to i32
        %cond3A_192 = arith.constant 0 : i32
        %cond3A_193 = arith.cmpi ne, %convert_element_type3A_191, %cond3A_192 : i32
        scf.if %cond3A_193 {
        } else {
        }
        %rem3A_194 = arith.constant 2 : i32
        %rem3A_195 = arith.remui %scan3A_123, %rem3A_194 : i32
        %rem3A_196 = arith.constant 2 : i32
        %rem3A_197 = arith.remui %scan3A_124, %rem3A_196 : i32
        %dma_start3A_198 = arith.constant 0 : i32
        "tpu.trace_start"() <{level = 10 : i32, message = "ep_run_kernel"}> : () -> ()
        %dma_start3A_199 = arith.constant 0 : i32
        %dma_start3A_200 = arith.constant 0 : i32
        %dma_start3A_201 = tpu.memref_slice %run_scoped3A_8[%rem3A_197, %dma_start3A_199, %dma_start3A_200] : memref<2x1008x32xbf16, #tpu.memory_space<vmem>> -> memref<1x1008x32xbf16, #tpu.memory_space<vmem>>
        %dma_start3A_202 = tpu.memref_squeeze %dma_start3A_201 : memref<1x1008x32xbf16, #tpu.memory_space<vmem>> -> memref<1008x32xbf16, #tpu.memory_space<vmem>>
        %dma_start3A_203 = arith.constant 0 : i32
        %dma_start3A_204 = arith.constant 0 : i32
        %dma_start3A_205 = tpu.memref_slice %dma_start3A_202[%dma_start3A_203, %dma_start3A_204] : memref<1008x32xbf16, #tpu.memory_space<vmem>> -> memref<504x32xbf16, #tpu.memory_space<vmem>>
        %dma_start3A_206 = arith.constant 0 : i32
        %dma_start3A_207 = arith.constant 0 : i32
        %dma_start3A_208 = tpu.memref_slice %run_scoped3A[%rem3A_195, %dma_start3A_206, %dma_start3A_207] : memref<2x1x1008xi32, #tpu.memory_space<vmem>> -> memref<1x1x1008xi32, #tpu.memory_space<vmem>>
        %dma_start3A_209 = tpu.memref_squeeze %dma_start3A_208 : memref<1x1x1008xi32, #tpu.memory_space<vmem>> -> memref<1x1008xi32, #tpu.memory_space<vmem>>
        %dma_start3A_210 = arith.constant 0 : i32
        %dma_start3A_211 = tpu.memref_slice %dma_start3A_209[%dma_start3A_198, %dma_start3A_210] : memref<1x1008xi32, #tpu.memory_space<vmem>> -> memref<1x504xi32, #tpu.memory_space<vmem>>
        %dma_start3A_212 = tpu.memref_squeeze %dma_start3A_211 : memref<1x504xi32, #tpu.memory_space<vmem>> -> memref<504xi32, #tpu.memory_space<vmem>>
        %dma_start3A_213 = arith.constant 0 : i32
        %dma_start3A_214 = arith.constant 0 : i32
        %dma_start3A_215 = tpu.memref_slice %arg3[%dma_start3A_213, %dma_start3A_214] : memref<343040x32xbf16, #tpu.memory_space<hbm>> -> memref<343040x32xbf16, #tpu.memory_space<hbm>>
        tpu.enqueue_indirect_dma source(%dma_start3A_215 : memref<343040x32xbf16, #tpu.memory_space<hbm>>) target(%dma_start3A_205 : memref<504x32xbf16, #tpu.memory_space<vmem>>) offsets(%dma_start3A_212 : memref<504xi32, #tpu.memory_space<vmem>>) semaphore(%arg5 : memref<!tpu.dma_semaphore, #tpu.memory_space<semaphore_mem>>)
        %dma_start3A_216 = arith.constant 0 : i32
        %dma_start3A_217 = arith.constant 0 : i32
        %dma_start3A_218 = arith.constant 0 : i32
        %dma_start3A_219 = tpu.memref_slice %run_scoped3A_8[%rem3A_197, %dma_start3A_217, %dma_start3A_218] : memref<2x1008x32xbf16, #tpu.memory_space<vmem>> -> memref<1x1008x32xbf16, #tpu.memory_space<vmem>>
        %dma_start3A_220 = tpu.memref_squeeze %dma_start3A_219 : memref<1x1008x32xbf16, #tpu.memory_space<vmem>> -> memref<1008x32xbf16, #tpu.memory_space<vmem>>
        %dma_start3A_221 = arith.constant 504 : i32
        %dma_start3A_222 = arith.constant 0 : i32
        %dma_start3A_223 = tpu.memref_slice %dma_start3A_220[%dma_start3A_221, %dma_start3A_222] : memref<1008x32xbf16, #tpu.memory_space<vmem>> -> memref<504x32xbf16, #tpu.memory_space<vmem>>
        %dma_start3A_224 = arith.constant 0 : i32
        %dma_start3A_225 = arith.constant 0 : i32
        %dma_start3A_226 = tpu.memref_slice %run_scoped3A[%rem3A_195, %dma_start3A_224, %dma_start3A_225] : memref<2x1x1008xi32, #tpu.memory_space<vmem>> -> memref<1x1x1008xi32, #tpu.memory_space<vmem>>
        %dma_start3A_227 = tpu.memref_squeeze %dma_start3A_226 : memref<1x1x1008xi32, #tpu.memory_space<vmem>> -> memref<1x1008xi32, #tpu.memory_space<vmem>>
        %dma_start3A_228 = arith.constant 504 : i32
        %dma_start3A_229 = tpu.memref_slice %dma_start3A_227[%dma_start3A_216, %dma_start3A_228] : memref<1x1008xi32, #tpu.memory_space<vmem>> -> memref<1x504xi32, #tpu.memory_space<vmem>>
        %dma_start3A_230 = tpu.memref_squeeze %dma_start3A_229 : memref<1x504xi32, #tpu.memory_space<vmem>> -> memref<504xi32, #tpu.memory_space<vmem>>
        %dma_start3A_231 = arith.constant 0 : i32
        %dma_start3A_232 = arith.constant 0 : i32
        %dma_start3A_233 = tpu.memref_slice %arg3[%dma_start3A_231, %dma_start3A_232] : memref<343040x32xbf16, #tpu.memory_space<hbm>> -> memref<343040x32xbf16, #tpu.memory_space<hbm>>
        tpu.enqueue_indirect_dma source(%dma_start3A_233 : memref<343040x32xbf16, #tpu.memory_space<hbm>>) target(%dma_start3A_223 : memref<504x32xbf16, #tpu.memory_space<vmem>>) offsets(%dma_start3A_230 : memref<504xi32, #tpu.memory_space<vmem>>) semaphore(%arg6 : memref<!tpu.dma_semaphore, #tpu.memory_space<semaphore_mem>>)
        %dma_wait3A_234 = arith.constant 0 : i32
        %dma_wait3A_235 = arith.constant 0 : i32
        %dma_wait3A_236 = arith.constant 0 : i32
        %dma_wait3A_237 = tpu.memref_slice %run_scoped3A_8[%rem3A_197, %dma_wait3A_235, %dma_wait3A_236] : memref<2x1008x32xbf16, #tpu.memory_space<vmem>> -> memref<1x1008x32xbf16, #tpu.memory_space<vmem>>
        %dma_wait3A_238 = tpu.memref_squeeze %dma_wait3A_237 : memref<1x1008x32xbf16, #tpu.memory_space<vmem>> -> memref<1008x32xbf16, #tpu.memory_space<vmem>>
        %dma_wait3A_239 = arith.constant 0 : i32
        %dma_wait3A_240 = arith.constant 0 : i32
        %dma_wait3A_241 = tpu.memref_slice %dma_wait3A_238[%dma_wait3A_239, %dma_wait3A_240] : memref<1008x32xbf16, #tpu.memory_space<vmem>> -> memref<504x32xbf16, #tpu.memory_space<vmem>>
        %dma_wait3A_242 = arith.constant 0 : i32
        %dma_wait3A_243 = arith.constant 0 : i32
        %dma_wait3A_244 = tpu.memref_slice %run_scoped3A[%rem3A_195, %dma_wait3A_242, %dma_wait3A_243] : memref<2x1x1008xi32, #tpu.memory_space<vmem>> -> memref<1x1x1008xi32, #tpu.memory_space<vmem>>
        %dma_wait3A_245 = tpu.memref_squeeze %dma_wait3A_244 : memref<1x1x1008xi32, #tpu.memory_space<vmem>> -> memref<1x1008xi32, #tpu.memory_space<vmem>>
        %dma_wait3A_246 = arith.constant 0 : i32
        %dma_wait3A_247 = tpu.memref_slice %dma_wait3A_245[%dma_wait3A_234, %dma_wait3A_246] : memref<1x1008xi32, #tpu.memory_space<vmem>> -> memref<1x504xi32, #tpu.memory_space<vmem>>
        %dma_wait3A_248 = tpu.memref_squeeze %dma_wait3A_247 : memref<1x504xi32, #tpu.memory_space<vmem>> -> memref<504xi32, #tpu.memory_space<vmem>>
        %dma_wait3A_249 = arith.constant 0 : i32
        %dma_wait3A_250 = arith.constant 0 : i32
        %dma_wait3A_251 = tpu.memref_slice %arg3[%dma_wait3A_249, %dma_wait3A_250] : memref<343040x32xbf16, #tpu.memory_space<hbm>> -> memref<343040x32xbf16, #tpu.memory_space<hbm>>
        tpu.wait_indirect_dma semaphore(%arg5 : memref<!tpu.dma_semaphore, #tpu.memory_space<semaphore_mem>>) src(%dma_wait3A_251 : memref<343040x32xbf16, #tpu.memory_space<hbm>>) dst(%dma_wait3A_241 : memref<504x32xbf16, #tpu.memory_space<vmem>>)
        %dma_wait3A_252 = arith.constant 0 : i32
        %dma_wait3A_253 = arith.constant 0 : i32
        %dma_wait3A_254 = arith.constant 0 : i32
        %dma_wait3A_255 = tpu.memref_slice %run_scoped3A_8[%rem3A_197, %dma_wait3A_253, %dma_wait3A_254] : memref<2x1008x32xbf16, #tpu.memory_space<vmem>> -> memref<1x1008x32xbf16, #tpu.memory_space<vmem>>
        %dma_wait3A_256 = tpu.memref_squeeze %dma_wait3A_255 : memref<1x1008x32xbf16, #tpu.memory_space<vmem>> -> memref<1008x32xbf16, #tpu.memory_space<vmem>>
        %dma_wait3A_257 = arith.constant 504 : i32
        %dma_wait3A_258 = arith.constant 0 : i32
        %dma_wait3A_259 = tpu.memref_slice %dma_wait3A_256[%dma_wait3A_257, %dma_wait3A_258] : memref<1008x32xbf16, #tpu.memory_space<vmem>> -> memref<504x32xbf16, #tpu.memory_space<vmem>>
        %dma_wait3A_260 = arith.constant 0 : i32
        %dma_wait3A_261 = arith.constant 0 : i32
        %dma_wait3A_262 = tpu.memref_slice %run_scoped3A[%rem3A_195, %dma_wait3A_260, %dma_wait3A_261] : memref<2x1x1008xi32, #tpu.memory_space<vmem>> -> memref<1x1x1008xi32, #tpu.memory_space<vmem>>
        %dma_wait3A_263 = tpu.memref_squeeze %dma_wait3A_262 : memref<1x1x1008xi32, #tpu.memory_space<vmem>> -> memref<1x1008xi32, #tpu.memory_space<vmem>>
        %dma_wait3A_264 = arith.constant 504 : i32
        %dma_wait3A_265 = tpu.memref_slice %dma_wait3A_263[%dma_wait3A_252, %dma_wait3A_264] : memref<1x1008xi32, #tpu.memory_space<vmem>> -> memref<1x504xi32, #tpu.memory_space<vmem>>
        %dma_wait3A_266 = tpu.memref_squeeze %dma_wait3A_265 : memref<1x504xi32, #tpu.memory_space<vmem>> -> memref<504xi32, #tpu.memory_space<vmem>>
        %dma_wait3A_267 = arith.constant 0 : i32
        %dma_wait3A_268 = arith.constant 0 : i32
        %dma_wait3A_269 = tpu.memref_slice %arg3[%dma_wait3A_267, %dma_wait3A_268] : memref<343040x32xbf16, #tpu.memory_space<hbm>> -> memref<343040x32xbf16, #tpu.memory_space<hbm>>
        tpu.wait_indirect_dma semaphore(%arg6 : memref<!tpu.dma_semaphore, #tpu.memory_space<semaphore_mem>>) src(%dma_wait3A_269 : memref<343040x32xbf16, #tpu.memory_space<hbm>>) dst(%dma_wait3A_259 : memref<504x32xbf16, #tpu.memory_space<vmem>>)
        "tpu.trace_stop"() : () -> ()
        %ne3A_270 = arith.cmpi ne, %add3A_131, %add3A_149 : i32
        %or3A_271 = arith.constant false
        %or3A_272 = arith.ori %or3A_271, %ne3A_270 : i1
        %or3A_273 = arith.ori %or3A_272, %eq3A_130 : i1
        %convert_element_type3A_274 = arith.extui %or3A_273 : i1 to i32
        %cond3A_275 = arith.constant 0 : i32
        %cond3A_276 = arith.cmpi ne, %convert_element_type3A_274, %cond3A_275 : i32
        scf.if %cond3A_276 {
        } else {
        }
        %and3A_277 = arith.constant false
        %and3A_278 = arith.andi %or3A_273, %and3A_277 : i1
        %ne3A_279 = arith.cmpi ne, %add3A_131, %add3A_149 : i32
        %or3A_280 = arith.constant false
        %or3A_281 = arith.ori %or3A_280, %ne3A_279 : i1
        %or3A_282 = arith.constant false
        %or3A_283 = arith.ori %or3A_281, %or3A_282 : i1
        %or3A_284 = arith.ori %or3A_283, %eq3A_130 : i1
        %convert_element_type3A_285 = arith.extui %or3A_284 : i1 to i32
        %cond3A_286 = arith.constant 0 : i32
        %cond3A_287 = arith.cmpi ne, %convert_element_type3A_285, %cond3A_286 : i32
        scf.if %cond3A_287 {
          "tpu.trace_start"() <{level = 10 : i32, message = "ep_copy_out"}> : () -> ()
          %rem3A_335 = arith.constant 2 : i32
          %rem3A_336 = arith.remui %scan3A_124, %rem3A_335 : i32
          %mul3A_337 = arith.constant 1008 : i32
          %mul3A_338 = arith.muli %mul3A_337, %add3A_131 : i32
          %dma_start3A_339 = arith.constant 0 : i32
          %dma_start3A_340 = arith.constant 0 : i32
          %dma_start3A_341 = tpu.memref_slice %run_scoped3A_8[%rem3A_336, %dma_start3A_339, %dma_start3A_340] : memref<2x1008x32xbf16, #tpu.memory_space<vmem>> -> memref<1x1008x32xbf16, #tpu.memory_space<vmem>>
          %dma_start3A_342 = tpu.memref_squeeze %dma_start3A_341 : memref<1x1008x32xbf16, #tpu.memory_space<vmem>> -> memref<1008x32xbf16, #tpu.memory_space<vmem>>
          %dma_start3A_343 = arith.constant 0 : i32
          %dma_start3A_344 = tpu.memref_slice %arg4[%mul3A_338, %dma_start3A_343] : memref<677376x32xbf16, #tpu.memory_space<hbm>> -> memref<1008x32xbf16, #tpu.memory_space<hbm>>
          %dma_start3A_345 = tpu.memref_slice %run_scoped3A_9[%rem3A_336] : memref<2x!tpu.dma_semaphore, #tpu.memory_space<semaphore_mem>> -> memref<1x!tpu.dma_semaphore, #tpu.memory_space<semaphore_mem>>
          %dma_start3A_346 = tpu.memref_squeeze %dma_start3A_345 : memref<1x!tpu.dma_semaphore, #tpu.memory_space<semaphore_mem>> -> memref<!tpu.dma_semaphore, #tpu.memory_space<semaphore_mem>>
          %dma_start3A_347 = arith.constant 0 : i32
          %dma_start3A_348 = tpu.memref_slice %arg4[%mul3A_338, %dma_start3A_347] : memref<677376x32xbf16, #tpu.memory_space<hbm>> -> memref<1008x32xbf16, #tpu.memory_space<hbm>>
          %dma_start3A_349 = arith.constant 0 : i32
          %dma_start3A_350 = arith.constant 0 : i32
          %dma_start3A_351 = tpu.memref_slice %run_scoped3A_8[%rem3A_336, %dma_start3A_349, %dma_start3A_350] : memref<2x1008x32xbf16, #tpu.memory_space<vmem>> -> memref<1x1008x32xbf16, #tpu.memory_space<vmem>>
          %dma_start3A_352 = tpu.memref_squeeze %dma_start3A_351 : memref<1x1008x32xbf16, #tpu.memory_space<vmem>> -> memref<1008x32xbf16, #tpu.memory_space<vmem>>
          tpu.enqueue_dma source(%dma_start3A_352 : memref<1008x32xbf16, #tpu.memory_space<vmem>>) target(%dma_start3A_348 : memref<1008x32xbf16, #tpu.memory_space<hbm>>) target_semaphore(%dma_start3A_346 : memref<!tpu.dma_semaphore, #tpu.memory_space<semaphore_mem>>)
          "tpu.trace_stop"() : () -> ()
        } else {
        }
        %and3A_288 = arith.constant true
        %and3A_289 = arith.andi %or3A_284, %and3A_288 : i1
        %add3A_290 = arith.constant 1 : i32
        %add3A_291 = arith.addi %scan3A_124, %add3A_290 : i32
        %select_n3A_292 = arith.select %and3A_289, %add3A_291, %scan3A_124 : i32
        %ne3A_293 = arith.cmpi ne, %add3A_131, %add3A_140 : i32
        %or3A_294 = arith.constant false
        %or3A_295 = arith.ori %or3A_294, %ne3A_293 : i1
        %not3A_296 = arith.constant true
        %not3A_297 = arith.xori %eq3A_128, %not3A_296 : i1
        %and3A_298 = arith.andi %or3A_295, %not3A_297 : i1
        %convert_element_type3A_299 = arith.extui %and3A_298 : i1 to i32
        %cond3A_300 = arith.constant 0 : i32
        %cond3A_301 = arith.cmpi ne, %convert_element_type3A_299, %cond3A_300 : i32
        scf.if %cond3A_301 {
        } else {
        }
        %and3A_302 = arith.constant false
        %and3A_303 = arith.andi %and3A_298, %and3A_302 : i1
        %ne3A_304 = arith.cmpi ne, %add3A_131, %add3A_140 : i32
        %or3A_305 = arith.constant false
        %or3A_306 = arith.ori %or3A_305, %ne3A_304 : i1
        %or3A_307 = arith.constant false
        %or3A_308 = arith.ori %or3A_306, %or3A_307 : i1
        %not3A_309 = arith.constant true
        %not3A_310 = arith.xori %eq3A_128, %not3A_309 : i1
        %and3A_311 = arith.andi %or3A_308, %not3A_310 : i1
        %convert_element_type3A_312 = arith.extui %and3A_311 : i1 to i32
        %cond3A_313 = arith.constant 0 : i32
        %cond3A_314 = arith.cmpi ne, %convert_element_type3A_312, %cond3A_313 : i32
        scf.if %cond3A_314 {
          "tpu.trace_start"() <{level = 10 : i32, message = "ep_wait_out"}> : () -> ()
          %rem3A_335 = arith.constant 2 : i32
          %rem3A_336 = arith.remui %scan3A_125, %rem3A_335 : i32
          %mul3A_337 = arith.constant 1008 : i32
          %mul3A_338 = arith.muli %mul3A_337, %add3A_140 : i32
          %dma_wait3A_339 = arith.constant 0 : i32
          %dma_wait3A_340 = arith.constant 0 : i32
          %dma_wait3A_341 = tpu.memref_slice %run_scoped3A_8[%rem3A_336, %dma_wait3A_339, %dma_wait3A_340] : memref<2x1008x32xbf16, #tpu.memory_space<vmem>> -> memref<1x1008x32xbf16, #tpu.memory_space<vmem>>
          %dma_wait3A_342 = tpu.memref_squeeze %dma_wait3A_341 : memref<1x1008x32xbf16, #tpu.memory_space<vmem>> -> memref<1008x32xbf16, #tpu.memory_space<vmem>>
          %dma_wait3A_343 = arith.constant 0 : i32
          %dma_wait3A_344 = tpu.memref_slice %arg4[%mul3A_338, %dma_wait3A_343] : memref<677376x32xbf16, #tpu.memory_space<hbm>> -> memref<1008x32xbf16, #tpu.memory_space<hbm>>
          %dma_wait3A_345 = tpu.memref_slice %run_scoped3A_9[%rem3A_336] : memref<2x!tpu.dma_semaphore, #tpu.memory_space<semaphore_mem>> -> memref<1x!tpu.dma_semaphore, #tpu.memory_space<semaphore_mem>>
          %dma_wait3A_346 = tpu.memref_squeeze %dma_wait3A_345 : memref<1x!tpu.dma_semaphore, #tpu.memory_space<semaphore_mem>> -> memref<!tpu.dma_semaphore, #tpu.memory_space<semaphore_mem>>
          %dma_wait3A_347 = arith.constant 0 : i32
          %dma_wait3A_348 = tpu.memref_slice %arg4[%mul3A_338, %dma_wait3A_347] : memref<677376x32xbf16, #tpu.memory_space<hbm>> -> memref<1008x32xbf16, #tpu.memory_space<hbm>>
          %dma_wait3A_349 = arith.constant 0 : i32
          %dma_wait3A_350 = arith.constant 0 : i32
          %dma_wait3A_351 = tpu.memref_slice %run_scoped3A_8[%rem3A_336, %dma_wait3A_349, %dma_wait3A_350] : memref<2x1008x32xbf16, #tpu.memory_space<vmem>> -> memref<1x1008x32xbf16, #tpu.memory_space<vmem>>
          %dma_wait3A_352 = tpu.memref_squeeze %dma_wait3A_351 : memref<1x1008x32xbf16, #tpu.memory_space<vmem>> -> memref<1008x32xbf16, #tpu.memory_space<vmem>>
          tpu.wait_dma2 semaphore(%dma_wait3A_346 : memref<!tpu.dma_semaphore, #tpu.memory_space<semaphore_mem>>) src(%dma_wait3A_352 : memref<1008x32xbf16, #tpu.memory_space<vmem>>) dst(%dma_wait3A_348 : memref<1008x32xbf16, #tpu.memory_space<hbm>>)
          "tpu.trace_stop"() : () -> ()
        } else {
        }
        %and3A_315 = arith.constant true
        %and3A_316 = arith.andi %and3A_311, %and3A_315 : i1
        %add3A_317 = arith.constant 1 : i32
        %add3A_318 = arith.addi %scan3A_125, %add3A_317 : i32
        %select_n3A_319 = arith.select %and3A_316, %add3A_318, %scan3A_125 : i32
        %ne3A_320 = arith.cmpi ne, %add3A_131, %add3A_149 : i32
        %or3A_321 = arith.constant false
        %or3A_322 = arith.ori %or3A_321, %ne3A_320 : i1
        %or3A_323 = arith.ori %or3A_322, %eq3A_130 : i1
        %add3A_324 = arith.constant 1 : i32
        %add3A_325 = arith.addi %scan3A_123, %add3A_324 : i32
        %select_n3A_326 = arith.select %or3A_323, %add3A_325, %scan3A_123 : i32
        %add3A_327 = arith.constant 1 : i32
        %add3A_328 = arith.addi %scan3A_126, %add3A_327 : i32
        %select_n3A_329 = arith.constant true
        %select_n3A_330 = arith.select %select_n3A_329, %add3A_328, %scan3A_126 : i32
        %eq3A_331 = arith.constant 21 : i32
        %eq3A_332 = arith.cmpi eq, %select_n3A_330, %eq3A_331 : i32
        %select_n3A_333 = arith.constant 0 : i32
        %select_n3A_334 = arith.select %eq3A_332, %select_n3A_333, %select_n3A_330 : i32
        scf.yield %select_n3A_167, %select_n3A_326, %select_n3A_292, %select_n3A_319, %select_n3A_334 : i32, i32, i32, i32, i32
      }
      %scan3A_68 = arith.constant 21 : i32
      %sub3A = arith.constant 1 : i32
      %sub3A_69 = arith.subi %scan3A_67#4, %sub3A : i32
      %select_n3A_70 = arith.constant true
      %select_n3A_71 = arith.select %select_n3A_70, %sub3A_69, %scan3A_67#4 : i32
      %eq3A_72 = arith.constant -1 : i32
      %eq3A_73 = arith.cmpi eq, %select_n3A_71, %eq3A_72 : i32
      %select_n3A_74 = arith.constant 20 : i32
      %select_n3A_75 = arith.select %eq3A_73, %select_n3A_74, %select_n3A_71 : i32
      %add3A_76 = arith.addi %select_n3A_75, %mul3A_6 : i32
      %sub3A_77 = arith.constant 1 : i32
      %sub3A_78 = arith.subi %select_n3A_75, %sub3A_77 : i32
      %select_n3A_79 = arith.constant true
      %select_n3A_80 = arith.select %select_n3A_79, %sub3A_78, %select_n3A_75 : i32
      %eq3A_81 = arith.constant -1 : i32
      %eq3A_82 = arith.cmpi eq, %select_n3A_80, %eq3A_81 : i32
      %select_n3A_83 = arith.constant 20 : i32
      %select_n3A_84 = arith.select %eq3A_82, %select_n3A_83, %select_n3A_80 : i32
      %add3A_85 = arith.addi %select_n3A_84, %mul3A_6 : i32
      %add3A_86 = arith.constant 1 : i32
      %add3A_87 = arith.addi %select_n3A_75, %add3A_86 : i32
      %select_n3A_88 = arith.constant true
      %select_n3A_89 = arith.select %select_n3A_88, %add3A_87, %select_n3A_75 : i32
      %eq3A_90 = arith.constant 21 : i32
      %eq3A_91 = arith.cmpi eq, %select_n3A_89, %eq3A_90 : i32
      %select_n3A_92 = arith.constant 0 : i32
      %select_n3A_93 = arith.select %eq3A_91, %select_n3A_92, %select_n3A_89 : i32
      %add3A_94 = arith.addi %select_n3A_93, %mul3A_6 : i32
      %add3A_95 = arith.constant 1 : i32
      %add3A_96 = arith.addi %select_n3A_93, %add3A_95 : i32
      %select_n3A_97 = arith.constant true
      %select_n3A_98 = arith.select %select_n3A_97, %add3A_96, %select_n3A_93 : i32
      %eq3A_99 = arith.constant 21 : i32
      %eq3A_100 = arith.cmpi eq, %select_n3A_98, %eq3A_99 : i32
      %select_n3A_101 = arith.constant 0 : i32
      %select_n3A_102 = arith.select %eq3A_100, %select_n3A_101, %select_n3A_98 : i32
      %add3A_103 = arith.addi %select_n3A_102, %mul3A_6 : i32
      "tpu.trace_start"() <{level = 10 : i32, message = "ep_finalize"}> : () -> ()
      %rem3A_104 = arith.constant 2 : i32
      %rem3A_105 = arith.remui %scan3A_67#3, %rem3A_104 : i32
      %mul3A_106 = arith.constant 1008 : i32
      %mul3A_107 = arith.muli %mul3A_106, %add3A_76 : i32
      %dma_wait3A = arith.constant 0 : i32
      %dma_wait3A_108 = arith.constant 0 : i32
      %dma_wait3A_109 = tpu.memref_slice %run_scoped3A_8[%rem3A_105, %dma_wait3A, %dma_wait3A_108] : memref<2x1008x32xbf16, #tpu.memory_space<vmem>> -> memref<1x1008x32xbf16, #tpu.memory_space<vmem>>
      %dma_wait3A_110 = tpu.memref_squeeze %dma_wait3A_109 : memref<1x1008x32xbf16, #tpu.memory_space<vmem>> -> memref<1008x32xbf16, #tpu.memory_space<vmem>>
      %dma_wait3A_111 = arith.constant 0 : i32
      %dma_wait3A_112 = tpu.memref_slice %arg4[%mul3A_107, %dma_wait3A_111] : memref<677376x32xbf16, #tpu.memory_space<hbm>> -> memref<1008x32xbf16, #tpu.memory_space<hbm>>
      %dma_wait3A_113 = tpu.memref_slice %run_scoped3A_9[%rem3A_105] : memref<2x!tpu.dma_semaphore, #tpu.memory_space<semaphore_mem>> -> memref<1x!tpu.dma_semaphore, #tpu.memory_space<semaphore_mem>>
      %dma_wait3A_114 = tpu.memref_squeeze %dma_wait3A_113 : memref<1x!tpu.dma_semaphore, #tpu.memory_space<semaphore_mem>> -> memref<!tpu.dma_semaphore, #tpu.memory_space<semaphore_mem>>
      %dma_wait3A_115 = arith.constant 0 : i32
      %dma_wait3A_116 = tpu.memref_slice %arg4[%mul3A_107, %dma_wait3A_115] : memref<677376x32xbf16, #tpu.memory_space<hbm>> -> memref<1008x32xbf16, #tpu.memory_space<hbm>>
      %dma_wait3A_117 = arith.constant 0 : i32
      %dma_wait3A_118 = arith.constant 0 : i32
      %dma_wait3A_119 = tpu.memref_slice %run_scoped3A_8[%rem3A_105, %dma_wait3A_117, %dma_wait3A_118] : memref<2x1008x32xbf16, #tpu.memory_space<vmem>> -> memref<1x1008x32xbf16, #tpu.memory_space<vmem>>
      %dma_wait3A_120 = tpu.memref_squeeze %dma_wait3A_119 : memref<1x1008x32xbf16, #tpu.memory_space<vmem>> -> memref<1008x32xbf16, #tpu.memory_space<vmem>>
      tpu.wait_dma2 semaphore(%dma_wait3A_114 : memref<!tpu.dma_semaphore, #tpu.memory_space<semaphore_mem>>) src(%dma_wait3A_120 : memref<1008x32xbf16, #tpu.memory_space<vmem>>) dst(%dma_wait3A_116 : memref<1008x32xbf16, #tpu.memory_space<hbm>>)
      "tpu.trace_stop"() : () -> ()
      tpu.yield
    }) : () -> ()
    return
  }
}

module attributes {stable_mosaic.version = 14 : i64} {
  func.func @_mm_body(%arg0: i32, %arg1: memref<512x864xbf16, #tpu.memory_space<vmem>>, %arg2: memref<864x32xbf16, #tpu.memory_space<vmem>>, %arg3: memref<512x32xf32, #tpu.memory_space<vmem>>) attributes {dimension_semantics = [#tpu.dimension_semantics<arbitrary>], iteration_bounds = array<i64: 49>, scalar_prefetch = 0 : i64, scratch_operands = 0 : i64, tpu.core_type = #tpu.core_type<tc>, window_params = [{transform_indices = @transform_0, window_bounds = array<i64: 512, 864>}, {pipeline_mode = #tpu.pipeline_mode<synchronous>, transform_indices = @transform_1, window_bounds = array<i64: 864, 32>}, {transform_indices = @transform_2, window_bounds = array<i64: 512, 32>}]} {
    %get3A = arith.constant 0 : index
    %get3A_0 = arith.constant 0 : index
    %get3A_1 = vector.load %arg1[%get3A, %get3A_0] : memref<512x864xbf16, #tpu.memory_space<vmem>>, vector<512x864xbf16>
    %get3A_2 = arith.constant 0 : index
    %get3A_3 = arith.constant 0 : index
    %get3A_4 = vector.load %arg2[%get3A_2, %get3A_3] : memref<864x32xbf16, #tpu.memory_space<vmem>>, vector<864x32xbf16>
    %dot_general3A = arith.constant dense<0.000000e+00> : vector<512x32xf32>
    %dot_general3A_5 = tpu.matmul %get3A_1, %get3A_4, %dot_general3A {dimension_numbers = #tpu.dot_dimension_numbers<[1], [0], [0], [1], [0, 0, 1, 1], [], []>, transpose_lhs_hint = false} : vector<512x864xbf16>, vector<864x32xbf16>, vector<512x32xf32> -> vector<512x32xf32>
    %swap3A = arith.constant 0 : index
    %swap3A_6 = arith.constant 0 : index
    %swap3A_7 = vector.load %arg3[%swap3A, %swap3A_6] : memref<512x32xf32, #tpu.memory_space<vmem>>, vector<512x32xf32>
    tpu.vector_store %arg3[%swap3A, %swap3A_6], %dot_general3A_5 {strides = array<i32>} : memref<512x32xf32, #tpu.memory_space<vmem>>, vector<512x32xf32>,
    return
  }
  func.func @transform_0(%arg0: i32) -> (i32, i32) {
    %c0_i32 = arith.constant 0 : i32
    %c0_i32_0 = arith.constant 0 : i32
    return %arg0, %c0_i32 : i32, i32
  }
  func.func @transform_1(%arg0: i32) -> (i32, i32) {
    %c0_i32 = arith.constant 0 : i32
    %c0_i32_0 = arith.constant 0 : i32
    %c0_i32_1 = arith.constant 0 : i32
    return %c0_i32, %c0_i32_0 : i32, i32
  }
  func.func @transform_2(%arg0: i32) -> (i32, i32) {
    %c0_i32 = arith.constant 0 : i32
    %c0_i32_0 = arith.constant 0 : i32
    return %arg0, %c0_i32 : i32, i32
  }
}

</mosaic_0001>

<sc_bundles>
// kernel: kernel.11.cloned.1.call-start
scs
__scs_entry_jumppad:
0x0: {  	(pc) =	sbr.rel $0x88, $3  }
0x1: {  	(tag) =	ssettag $0x0;
	lr =	simm.s32 $0x1  }
0x2: {  	[smem:$0x3F9E] =	sst lr;
	_ =	strace $0xD0000000  }
0x3: {  	_ = 	snop  }
0x4: {  	_ = 	snop  }
0x5: {  	_ = 	snop  }
0x6: {  	_ = 	snop  }
0x7: {  	_ = 	snop  }
__scs_overlays_trampoline_lowered:
0x8: {  	[smem:$0x3FAD] =	sst s0  }
0x9: {  	[smem:$0x3FAE] =	sst s1  }
0xa: {  	[smem:$0x3FAF] =	sst s2  }
0xb: {  	[smem:$0x3FB0] =	sst s3  }
0xc: {  	[smem:$0x3FB1] =	sst s4  }
0xd: {  	[smem:$0x3FB2] =	sst s5  }
0xe: {  	[smem:$0x3FB3] =	sst s6  }
0xf: {  	[smem:$0x3FB4] =	sst s7  }
0x10: {  	[smem:$0x3FB5] =	sst s8  }
0x11: {  	[smem:$0x3FB6] =	sst s9;
	s0 =	simm.s32 @!p0 $0x0  }
0x12: {  	s1 =	sld [smem:$0x3F9C];
	s0 =	simm.s32 @p0 $0x1  }
0x13: {  	[smem:$0x3FB7] =	sst s0;
	s0 =	simm.s32 @!p1 $0x0  }
0x14: {  	s2 =	sld [smem:$0x3F9B];
	s0 =	simm.s32 @p1 $0x1  }
0x15: {  	[smem:$0x3FB8] =	sst s0;
	s0 =	simm.s32 @!p2 $0x0  }
0x16: {  	s3 =	sld [smem:$0x3FDB];
	s0 =	simm.s32 @p2 $0x1  }
0x17: {  	s4 =	simm.s32 $0x1BF5;
	[smem:$0x3FBA] =	sst s0  }
0x18: {  	s0 =	sld [smem:$0x3F9D];
	_ =	swait.ge [sflag:s4], $0x0  }
0x19: {  	s7 =	sld [smem:$0x3F9E]  }
0x1a: {  	s8 =	sadd.s32 $0xFFFFE003, lr  }
0x1b: {  	s9 =	sadd.s32 $0xFFFFFEF7, lr;
	s5 =	simm.s32 $0xFFFFFFFF;
	p2 =	slt.u32 s8, $0xFFFFF086  }
0x1c: {  	p1 =	slt.u32 s9, $0xF7A;
	s5 =	simm.s32 @!p2 $0x0  }
0x1d: {  	s5 =	simm.s32 @p1 $0x1;
	p0 =	seq.s32 s7, s2  }
0x1e: {  	s7 =	smul.u32 @!p0 $0xF7A, s2;
	p2 =	seq.s32 @!p0 s5, $0x0  }
0x1f: {  	s9 =	smul.u32 $0xF7A, s1;
	s8 =	simm.s32 @!p0 $0x1BF5;
	p2 =	por !p2, p0  }
0x20: {  	[sflag:s8] =	ssyncset.s32 @!p0 $0xFFFFF086;
	s6 =	sadd.s32 @!p0 s3, s7;
	s7 =	simm.s32 @!p0 $0x108  }
0x21: {  	s3 =	sadd.s32 s3, s9;
	s6 =	sadd.s32 @!p0 $0x88, s6;
	s7 =	simm.s32 @p2 $0x1082  }
0x22: {  	[simem:s7], [sflag:s8] =	dma.local @!p0 [hbm:s6], $0xF7A  }
0x23: {  	s9 =	sor.u32 $0xD0000000, s2;
	s6 =	simm.s32 $0x108;
	_ =	swait.ge @!p0 [sflag:s8], $0x0  }
0x24: {  	s3 =	sadd.s32 $0x88, s3;
	s6 =	simm.s32 @!p1 $0x1082;
	[sflag:s4] =	ssyncset.s32 $0xFFFFF086  }
0x25: {  	[simem:s6], [sflag:s4] =	dma.local [hbm:s3], $0xF7A  }
0x26: {  	[smem:$0x3F9E] =	sst s1;
	(tag) =	ssettag s2;
	_ =	strace s9  }
0x27: {  	s1 =	sld [smem:$0x3FAE]  }
0x28: {  	s2 =	sld [smem:$0x3FAF]  }
0x29: {  	s4 =	sld [smem:$0x3FB1]  }
0x2a: {  	p0 =	seq.s32 s5, $0x0;
	s5 =	sld [smem:$0x3FB2]  }
0x2b: {  	s6 =	sld [smem:$0x3FB3]  }
0x2c: {  	s7 =	sld [smem:$0x3FB4]  }
0x2d: {  	s3 =	simm.s32 $0x108;
	s8 =	sld [smem:$0x3FB5]  }
0x2e: {  	s3 =	simm.s32 @!p0 $0x1082;
	s9 =	sld [smem:$0x3FB6]  }
0x2f: {  	lr =	sadd.s32 s0, s3;
	s0 =	sld [smem:$0x3FAD]  }
0x30: {  	s3 =	sld [smem:$0x3FB0]  }
0x31: {  	[smem:$0x3FB9] =	sst s10  }
0x32: {  	s10 =	sld [smem:$0x3FB7];
	_ =	sdelay $0x3  }
0x33: {  	p0 =	seq.s32 s10, $0x1;
	s10 =	sld [smem:$0x3FB9];
	_ =	sdelay $0x3  }
0x34: {  	[smem:$0x3FB9] =	sst s10  }
0x35: {  	s10 =	sld [smem:$0x3FB8];
	_ =	sdelay $0x3  }
0x36: {  	p1 =	seq.s32 s10, $0x1;
	s10 =	sld [smem:$0x3FB9];
	_ =	sdelay $0x3  }
0x37: {  	[smem:$0x3FB9] =	sst s10  }
0x38: {  	s10 =	sld [smem:$0x3FBA]  }
0x39: {  	_ = 	snop;
	(pc) =	sbr.ind lr, $3  }
0x3a: {  	_ = 	snop  }
0x3b: {  	_ = 	snop  }
0x3c: {  	p2 =	seq.s32 s10, $0x1;
	s10 =	sld [smem:$0x3FB9]  }
0x3d: {  	_ =	shalt  }
0x3e: {  	_ =	shalt  }
0x3f: {  	_ =	shalt  }
0x40: {  	_ =	shalt  }
0x41: {  	_ =	shalt  }
0x42: {  	_ =	shalt  }
0x43: {  	_ =	shalt  }
0x44: {  	_ =	shalt  }
0x45: {  	_ =	shalt  }
0x46: {  	_ =	shalt  }
0x47: {  	_ =	shalt  }
0x48: {  	_ =	shalt  }
0x49: {  	_ =	shalt  }
0x4a: {  	_ =	shalt  }
0x4b: {  	_ =	shalt  }
0x4c: {  	_ =	shalt  }
0x4d: {  	_ =	shalt  }
0x4e: {  	_ =	shalt  }
0x4f: {  	_ =	shalt  }
0x50: {  	_ =	shalt  }
0x51: {  	_ =	shalt  }
0x52: {  	_ =	shalt  }
0x53: {  	_ =	shalt  }
0x54: {  	_ =	shalt  }
0x55: {  	_ =	shalt  }
0x56: {  	_ =	shalt  }
0x57: {  	_ =	shalt  }
0x58: {  	_ =	shalt  }
0x59: {  	_ =	shalt  }
0x5a: {  	_ =	shalt  }
0x5b: {  	_ =	shalt  }
0x5c: {  	_ =	shalt  }
0x5d: {  	_ =	shalt  }
0x5e: {  	_ =	shalt  }
0x5f: {  	_ =	shalt  }
0x60: {  	_ =	shalt  }
0x61: {  	_ =	shalt  }
0x62: {  	_ =	shalt  }
0x63: {  	_ =	shalt  }
0x64: {  	_ =	shalt  }
0x65: {  	_ =	shalt  }
0x66: {  	_ =	shalt  }
0x67: {  	_ =	shalt  }
0x68: {  	_ =	shalt  }
0x69: {  	_ =	shalt  }
0x6a: {  	_ =	shalt  }
0x6b: {  	_ =	shalt  }
0x6c: {  	_ =	shalt  }
0x6d: {  	_ =	shalt  }
0x6e: {  	_ =	shalt  }
0x6f: {  	_ =	shalt  }
0x70: {  	_ =	shalt  }
0x71: {  	_ =	shalt  }
0x72: {  	_ =	shalt  }
0x73: {  	_ =	shalt  }
0x74: {  	_ =	shalt  }
0x75: {  	_ =	shalt  }
0x76: {  	_ =	shalt  }
0x77: {  	_ =	shalt  }
0x78: {  	_ =	shalt  }
0x79: {  	_ =	shalt  }
0x7a: {  	_ =	shalt  }
0x7b: {  	_ =	shalt  }
0x7c: {  	_ =	shalt  }
0x7d: {  	_ =	shalt  }
0x7e: {  	_ =	shalt  }
0x7f: {  	_ =	shalt  }
0x80: {  	_ =	shalt  }
0x81: {  	_ =	shalt  }
0x82: {  	_ =	shalt  }
0x83: {  	_ =	shalt  }
0x84: {  	_ =	shalt  }
0x85: {  	_ =	shalt  }
0x86: {  	_ =	shalt  }
0x87: {  	_ =	shalt  }
.Lfunc_end0:
.L_simem_size_0:
called_computation.2_lowered:
.L_overlay_start_0:
0x88: {  	s2 =	sld [smem:$0x3FD9]  }
0x89: {  	s3 =	sld [smem:$0x3FFE];
	_ =	sdelay $0x1  }
0x8a: {  	s1 =	srdreg.scid  }
0x8b: {  	s0 =	sand.u32 $0x1, s1  }
0x8c: {  	s17 =	sshll.u32 s0, $0xA;
	s2 =	sadd.s32 s3, s2  }
0x8d: {  	s2 =	sadd.s32 s2, s17  }
0x8e: {  	[smem:$0x3FC5] =	sst s2  }
0x8f: {  	_ = 	snop  }
0x90: {  	s18 =	sld [smem:$0x3FD0];
	(tm) =	ssettm $0x1  }
0x91: {  	s19 =	sld [smem:$0x3FFB];
	_ =	sdelay $0x3  }
0x92: {  	_ =	strace s19  }
0x93: {  	s2 =	sld [smem:$0x3FFC];
	_ =	sdelay $0x3  }
0x94: {  	_ =	strace s2  }
0x95: {  	s2 =	sld [smem:$0x3FFD];
	_ =	sdelay $0x3  }
0x96: {  	_ =	strace s2  }
0x97: {  	_ =	strace $0x8FFFFFFF  }
0x98: {  	s20 =	sld [smem:$0x3FDB];
	_ =	sdelay $0x1  }
0x99: {  	s4 =	simm.s32 $_scs_section_size  }
0x9a: {  	s5 =	simm.s32 $_size__tile_overlayer_lowered;
	s6 =	simm.s32 $_tile_overlayer_lowered  }
0x9b: {  	s7 =	simm.s32 $0x1BFF;
	s21 =	sshll.u32 s6, $0x1;
	s4 =	sadd.s32 s4, s20  }
0x9c: {  	s22 =	simm.s32 $0x0;
	s5 =	sshll.u32 s5, $0x1;
	s6 =	sadd.s32 s21, s4  }
0x9d: {  	[timem:s22], [sflag:s7] =	dma.local [hbm:s6], s5  }
0x9e: {  	_ =	swait.ge [sflag:s7], s5  }
0x9f: {  	s5 =	ssub.s32 $0x0, s5;
	[sflag:s7] =	ssyncset.done $0x0  }
0xa0: {  	[sflag:s7] =	ssyncadd.s32 s5;
	_ =	sdelay $0x1  }
0xa1: {  	s23 =	simm.s32 $0x1B8B  }
0xa2: {  	_ =	swait.ge [sflag:s23], $0x1  }
0xa3: {  	[sflag:s23] =	ssyncset.done $0x0  }
0xa4: {  	[sflag:s23] =	ssyncadd.s32 $0xFFFFFFFF  }
0xa5: {  	s5 =	sld [smem:$0x0]  }
0xa6: {  	s6 =	sand.u32 $0xFFFFFFFE, s1  }
0xa7: {  	p0 =	sne.s32 s1, s6  }
0xa8: {  	s6 =	sshll.u32 @p0 s6, $0xE  }
0xa9: {  	s6 =	sadd.s32 @p0 $0x11B8D, s6;
	s7 =	sshll.u32 @p0 s5, $0x11  }
0xaa: {  	s6 =	sor.u32 @p0 s7, s6  }
0xab: {  	[sflag:s6] =	ssyncadd.remote.s32 @p0 $0x1;
	_ =	sdelay $0x1  }
0xac: {  	s6 =	simm.s32 @p0 $0x1B8D  }
0xad: {  	_ =	swait.eq @p0 [sflag:s6], $0x1  }
0xae: {  	[sflag:s6] =	ssyncadd.s32 @p0 $0xFFFFFFFF  }
0xaf: {  	s7 =	sshll.u32 @!p0 s1, $0xE  }
0xb0: {  	s7 =	sor.u32 @!p0 $0x4000, s7;
	s6 =	simm.s32 @!p0 $0x1B8D  }
0xb1: {  	s5 =	sshll.u32 @!p0 s5, $0x11;
	s7 =	sadd.s32 @!p0 $0x11B8D, s7;
	_ =	swait.eq @!p0 [sflag:s6], $0x1  }
0xb2: {  	s5 =	sor.u32 @!p0 s5, s7;
	[sflag:s6] =	ssyncadd.s32 @!p0 $0xFFFFFFFF  }
0xb3: {  	s25 =	simm.s32 $0x1B8E;
	s24 =	sld [smem:$0x3FFE];
	[sflag:s5] =	ssyncadd.remote.s32 @!p0 $0x1  }
0xb4: {  	s26 =	simm.s32 $execute0_lowered;
	[smem:$0x3FD2] =	sst s25  }
0xb5: {  	s6 =	sshll.u32 s26, $0x1;
	_ =	strace $0x8000005D;
	[dreg:$0x1] =	wrdreg $0xFFFFFFFF  }
0xb6: {  	s28 =	simm.s32 $_size_execute0_lowered;
	s4 =	sadd.s32 s4, s6;
	[dreg:$0x0] =	wrdreg $0x0  }
0xb7: {  	s6 =	sshll.u32 s28, $0x1;
	[dreg:$0x2] =	wrdreg s4  }
0xb8: {  	[dreg:$0x3] =	wrdreg s6  }
0xb9: {  	[dreg:$0x4] =	wrdreg $0xC0  }
0xba: {  	_ =	task [dreg:s22], $0x5FFFF  }
0xbb: {  	[dreg:$0x1] =	wrdreg $0xFFFFFFFF  }
0xbc: {  	[dreg:$0x0] =	wrdreg $0x60  }
0xbd: {  	[dreg:$0x2] =	wrdreg s18  }
0xbe: {  	[dreg:$0x3] =	wrdreg s24  }
0xbf: {  	[dreg:$0x4] =	wrdreg $0x9  }
0xc0: {  	_ =	task.clear_ibuf [dreg:s22], $0x5FFFF;
	_ =	strace $0x9000005D  }
0xc1: {  	s29 =	simm.s32 $0x9;
	_ =	strace $0x80000066  }
0xc2: {  	_ =	swait.ge [sflag:s29], $0x1  }
0xc3: {  	[sflag:s29] =	ssyncadd.s32 $0xFFFFFFFF  }
0xc4: {  	_ =	strace $0x90000066  }
0xc5: {  	_ =	sfence  }
0xc6: {  	s30 =	sld [smem:$0x0];
	_ =	sdelay $0x2  }
0xc7: {  	s31 =	sshll.u32 s1, $0xD;
	s1 =	sshrl.u32 s1, $0x2  }
0xc8: {  	s4 =	sand.u32 $0x4000, s31;
	s1 =	sadd.s32 s1, s30  }
0xc9: {  	s0 =	sor.u32 s4, s0;
	s1 =	sshll.u32 s1, $0x11  }
0xca: {  	s0 =	sor.u32 s1, s0  }
0xcb: {  	s0 =	sadd.s32 $0x8F2B, s0  }
0xcc: {  	[sflag:s0] =	ssyncadd.remote.s32 $0x1  }
0xcd: {  	_ =	sfence.sel $0xFFFF  }
0xce: {  	[dreg:$0x0] =	wrdreg $0xFFFFFFFF;
	(pc) =	sbr.abs _section_cstart, $3  }
0xcf: {  	[dreg:$0x1] =	wrdreg $0xFFFFFFFF  }
0xd0: {  	_ =	task.clear_ibuf [dreg:s22], $0x2FFFF;
	_ =	strace $0x9FFFFFFF  }
0xd1: {  	(tm) =	ssettm $0x7FFFFFFF  }
tec
execute0_lowered:
.L_overlay_start_1:
0x0: {  	(tag) =	ssettag $0x1  }
0x1: {  	s1 =	rddreg [dreg:$0x0]  }
0x2: {  	s5 =	rddreg [dreg:$0x1];
	s2 =	simm.s32 $0x0  }
0x3: {  	s3 =	srdreg.scid;
	s0 =	stileid.u32;
	s31 =	simm.s32 $0x3F0  }
0x4: {  	s10 =	simm.s32 $0x2;
	s11 =	simm.s32 $0x5;
	s12 =	simm.s32 $0x0  }
0x5: {  	[smem:$0x7FF] =	sst s2;
	s6 =	sand.u32 $0x1, s3;
	s4 =	sadd.s32 $0xF800, s5  }
0x6: {  	s5 =	sadd.s32 $0x216800, s5;
	s7 =	sshll.u32 s6, $0x4;
	s6 =	ssub.s32 $0x2, s6  }
0x7: {  	_ =	strace $0x8000005E;
	s7 =	sor.u32 s0, s7;
	s8 =	sshrl.u32 s6, $0x1  }
0x8: {  	[dreg:$0x4] =	wrdreg s5;
	s9 =	smul.u32 $0xA56, s7;
	s8 =	ssub.s32 s6, s8  }
0x9: {  	[dreg:$0x3] =	wrdreg s31;
	s5 =	smul.u32 $0x15, s7;
	s7 =	smax.u32 s8, $0x1  }
0xa: {  	s8 =	simm.s32 $0x1;
	s6 =	sadd.s32 s1, s9;
	s9 =	simm.s32 $0x1F8  }
.LBB2_1:
0xb: {  	_ =	strace $0x8000005F;
	s13 =	simm.s32 $0x1;
	p0 =	por $0x0, $0x0  }
0xc: {  	[tilespmem:s2], [sflag:$0x3] =	stream.linear.gather [hbm4b:s6+s2], $0x3F0, $0x200038;
	[tilespmem:$0x85E0] =	vst v63  }
0xd: {  	s13 =	simm.s32 @p0 $0x0  }
0xe: {  	p1 =	por $0x1, $0x1;
	p0 =	sne.s32 s13, $0x0  }
0xf: {  	p1 =	por !p1, !p0  }
0x10: {  	s21 =	sand.u32 $0x1, s2;
	p1 =	por !p1, !p1  }
0x11: {  	s25 =	smul.u32 $0xFC00, s21;
	s14 =	sadd.s32 @p1 s5, s13  }
0x12: {  	s15 =	sand.u32 @p1 $0x1, s8;
	s14 =	smul.u32 @p1 $0x3F0, s14  }
0x13: {  	p3 =	por $0x1, $0x1;
	_ =	strace $0x9000005F;
	s16 =	smul.u32 @p1 $0xFC0, s15  }
0x14: {  	s17 =	simm.s32 @p1 $0x0;
	_ =	strace @p1 $0x80000060;
	s14 =	sshrl.u32 @p1 s14, $0x3  }
0x15: {  	s15 =	sadd.s32 @p1 $0x3, s15;
	s16 =	sshrl.u32 @p1 s16, $0x2;
	s14 =	sadd.s32 @p1 s1, s14  }
0x16: {  	[tilespmem:s16], [sflag:s15] =	stream.linear.gather @p1 [hbm4b:s14+s17], $0x3F0, $0x200038;
	[tilespmem:$0x85E0] =	vst v63  }
0x17: {  	p2 =	por $0x0, $0x0;
	p4 =	por $0x0, $0x0;
	_ =	strace @p1 $0x90000060  }
0x18: {  	s24 =	sadd.s32 $0x3, s21;
	s19 =	sshrl.u32 s25, $0x2;
	_ =	strace $0x80000061  }
0x19: {  	s29 =	simm.s32 $0x1;
	s22 =	sadd.s32 $0x7E0, s19;
	_ =	swait.ge [sflag:s24], $0x3F0  }
0x1a: {  	s26 =	sadd.s32 $0x2760, s19;
	s19 =	sadd.s32 $0x1, s13;
	[sflag:s24] =	ssyncset.done $0x0  }
0x1b: {  	p6 =	por p0, p0;
	p5 =	seq.s32 s19, $0x15;
	[sflag:s24] =	ssyncadd.s32 $0xFFFFFC10  }
0x1c: {  	p0 =	seq.s32 s21, $0x1;
	s19 =	simm.s32 @p5 $0x0;
	_ =	strace $0x90000061  }
0x1d: {  	s15 =	simm.s32 $0x1;
	s14 =	simm.s32 $0x14;
	_ =	strace $0x80000062  }
0x1e: {  	s17 =	simm.s32 $0x13;
	s15 =	simm.s32 @!p1 $0x0;
	s18 =	rddreg [dreg:$0x3]  }
0x1f: {  	p1 =	por p3, p3;
	s16 =	sadd.s32 $0x1, s15;
	s18 =	simm.s32 @!p0 $0x0  }
0x20: {  	[tilespmem:s22], [sflag:$0x1] =	stream.indirect.gather [hbm4b:s4+s9], $0x10, s18, s9, $0x2000b8;
	[tilespmem:$0x85E0] =	vst v63  }
0x21: {  	s15 =	sand.u32 @!p3 $0x1, s2;
	p3 =	por $0x0, $0x0;
	s18 =	sadd.s32 $0x1F8, s18  }
0x22: {  	[tilespmem:s26], [sflag:$0x2] =	stream.indirect.gather [hbm4b:s4+s9], $0x10, s18, s9, $0x2000b8;
	[tilespmem:$0x85E0] =	vst v63  }
0x23: {  	s23 =	sadd.s32 @!p1 $0x5, s15;
	s15 =	simm.s32 $0x1;
	_ =	swait.ge [sflag:s8], $0x1F80  }
0x24: {  	p6 =	por p3, p6;
	s15 =	simm.s32 @!p4 $0x0;
	[sflag:s8] =	ssyncset.done $0x0  }
0x25: {  	p4 =	sne.s32 s13, s19;
	p0 =	por $0x1, $0x1;
	[sflag:s8] =	ssyncadd.s32 $0xFFFFE080  }
0x26: {  	s28 =	simm.s32 @p6 $0x0;
	p5 =	por !p0, !p4;
	_ =	swait.ge [sflag:s10], $0x1F80  }
0x27: {  	s15 =	sadd.s32 $0x0, s15;
	p3 =	por !p5, !p5;
	[sflag:s10] =	ssyncset.done $0x0  }
0x28: {  	s18 =	sadd.s32 $0x0, s5;
	s20 =	sadd.s32 @p3 s5, s19;
	[sflag:s10] =	ssyncadd.s32 $0xFFFFE080  }
0x29: {  	s29 =	simm.s32 @!p3 $0x0;
	s24 =	smul.u32 @p6 $0x7E00, s18;
	_ =	strace $0x90000062  }
0x2a: {  	s26 =	sand.u32 @p3 $0x1, s16;
	s30 =	smul.u32 @p3 $0x3F0, s20;
	_ =	strace @p6 $0x80000063  }
0x2b: {  	s18 =	simm.s32 $0x0;
	s20 =	simm.s32 $0x0;
	s31 =	rddreg [dreg:$0x4]  }
.LBB2_2:
0x2c: {  	p0 =	por p4, p4  }
0x2d: {  	s25 =	smov.u32 s13;
	s13 =	simm.s32 @!p0 $0x0  }
0x2e: {  	s3 =	sshrl.u32 @p6 s24, $0x4;
	s13 =	simm.s32 @p0 $0x1  }
0x2f: {  	s21 =	sadd.s32 @p6 $0x5, s21;
	s3 =	sadd.s32 @p6 s31, s3;
	[smem:$0x7FD] =	sst s13  }
0x30: {  	[hbm4b:s3+s28] =	stream.linear.scatter @p6 [tilespmem:s22], [sflag:s21], $0x3F00, $0x200038;
	[tilespmem:$0x85E0] =	vst v63  }
0x31: {  	_ =	strace @p6 $0x90000063  }
0x32: {  	s0 =	smul.u32 @p3 $0xFC0, s26;
	_ =	strace @!p1 $0x80000064  }
0x33: {  	s16 =	sadd.s32 s29, s16;
	s29 =	simm.s32 $0x1;
	_ =	swait.ge @!p1 [sflag:s23], $0x3F00  }
0x34: {  	s29 =	simm.s32 @!p6 $0x0;
	[sflag:s23] =	ssyncset.done @!p1 $0x0  }
0x35: {  	s0 =	sshrl.u32 @p3 s0, $0x2;
	s20 =	sadd.s32 s29, s20;
	[sflag:s23] =	ssyncadd.s32 @!p1 $0xFFFFC100  }
0x36: {  	s13 =	sshrl.u32 @p3 s30, $0x3;
	s21 =	sadd.s32 @p3 $0x3, s26;
	_ =	strace @!p1 $0x90000064  }
0x37: {  	s22 =	simm.s32 @p3 $0x0;
	s30 =	sadd.s32 @p3 s1, s13;
	_ =	strace @p3 $0x80000060  }
0x38: {  	[tilespmem:s0], [sflag:s21] =	stream.linear.gather @p3 [hbm4b:s30+s22], $0x3F0, $0x200038;
	[tilespmem:$0x85E0] =	vst v63  }
0x39: {  	s3 =	sand.u32 $0x1, s20;
	_ =	strace @p3 $0x90000060  }
0x3a: {  	s21 =	sadd.s32 $0x3, s3;
	_ =	strace $0x80000061  }
0x3b: {  	_ =	swait.ge [sflag:s21], $0x3F0  }
0x3c: {  	s18 =	sadd.s32 s29, s18;
	[sflag:s21] =	ssyncset.done $0x0  }
0x3d: {  	[sflag:s21] =	ssyncadd.s32 $0xFFFFFC10;
	s21 =	sand.u32 $0x1, s18  }
0x3e: {  	_ =	strace $0x90000061;
	s22 =	smul.u32 $0xFC00, s21  }
0x3f: {  	_ =	strace $0x80000062  }
0x40: {  	p0 =	seq.s32 s3, $0x1;
	s23 =	rddreg [dreg:$0x3];
	s0 =	sshrl.u32 s22, $0x2  }
0x41: {  	s22 =	sadd.s32 $0x7E0, s0;
	s23 =	simm.s32 @!p0 $0x0  }
0x42: {  	[tilespmem:s22], [sflag:$0x1] =	stream.indirect.gather [hbm4b:s4+s9], $0x10, s23, s9, $0x2000b8;
	[tilespmem:$0x85E0] =	vst v63  }
0x43: {  	s0 =	sadd.s32 $0x2760, s0;
	s23 =	sadd.s32 $0x1F8, s23  }
0x44: {  	[tilespmem:s0], [sflag:$0x2] =	stream.indirect.gather [hbm4b:s4+s9], $0x10, s23, s9, $0x2000b8;
	[tilespmem:$0x85E0] =	vst v63  }
0x45: {  	_ =	swait.ge [sflag:s8], $0x1F80  }
0x46: {  	s24 =	smov.u32 s14;
	[sflag:s8] =	ssyncset.done $0x0  }
0x47: {  	s14 =	smov.u32 s17;
	s17 =	sadd.s32 $0xFFFFFFFF, s17;
	[sflag:s8] =	ssyncadd.s32 $0xFFFFE080  }
0x48: {  	p5 =	sne.s32 s17, $0x0;
	p4 =	sne.s32 s24, $0x15;
	_ =	swait.ge [sflag:s10], $0x1F80  }
0x49: {  	s13 =	smov.u32 s19;
	s19 =	sadd.s32 $0x1, s19;
	[sflag:s10] =	ssyncset.done $0x0  }
0x4a: {  	s29 =	simm.s32 $0x1;
	p6 =	seq.s32 s19, $0x15;
	[sflag:s10] =	ssyncadd.s32 $0xFFFFE080  }
0x4b: {  	s28 =	sand.u32 @!p2 $0x1, s15;
	s19 =	simm.s32 @p6 $0x0;
	_ =	strace $0x90000062  }
0x4c: {  	p1 =	por p2, p2;
	s3 =	simm.s32 $0x1;
	s26 =	sld [smem:$0x7FD]  }
0x4d: {  	p2 =	seq.s32 s14, $0x15;
	p3 =	seq.s32 s24, $0x1;
	s3 =	simm.s32 @!p4 $0x0  }
0x4e: {  	p4 =	sne.s32 s13, s19;
	s15 =	sadd.s32 s3, s15;
	p0 =	sne.s32 s14, $0x1  }
.Ltmp0:
0x4f: {  	p0 =	por !p0, !p4;
	p6 =	seq.s32 s26, $0x1;
	(pc) =	sbr.rel @p5 .LBB2_2-.Ltmp0, $4  }
0x50: {  	s0 =	sadd.s32 s5, s25;
	s23 =	sadd.s32 @!p1 $0x5, s28;
	p6 =	por p3, p6  }
0x51: {  	p3 =	por !p0, !p0;
	_ =	strace @p6 $0x80000063;
	s28 =	simm.s32 @p6 $0x0  }
0x52: {  	s3 =	sadd.s32 @p3 s5, s19;
	s29 =	simm.s32 @!p3 $0x0;
	s24 =	smul.u32 @p6 $0x7E00, s0  }
0x53: {  	s26 =	sand.u32 @p3 $0x1, s16;
	s30 =	smul.u32 @p3 $0x3F0, s3;
	s31 =	rddreg [dreg:$0x4]  }
0x54: {  	s0 =	sshrl.u32 @p6 s24, $0x4  }
0x55: {  	s3 =	sadd.s32 @p6 $0x5, s21;
	s0 =	sadd.s32 @p6 s31, s0  }
0x56: {  	[hbm4b:s0+s28] =	stream.linear.scatter @p6 [tilespmem:s22], [sflag:s3], $0x3F00, $0x200038;
	[tilespmem:$0x85E0] =	vst v63  }
0x57: {  	_ =	strace @p6 $0x90000063  }
0x58: {  	_ =	strace @!p1 $0x80000064  }
0x59: {  	s16 =	simm.s32 $0x1;
	_ =	swait.ge @!p1 [sflag:s23], $0x3F00  }
0x5a: {  	s19 =	sadd.s32 @p3 $0x3, s26;
	s16 =	simm.s32 @!p6 $0x0;
	[sflag:s23] =	ssyncset.done @!p1 $0x0  }
0x5b: {  	s0 =	smul.u32 @p3 $0xFC0, s26;
	s3 =	sshrl.u32 @p3 s30, $0x3;
	[sflag:s23] =	ssyncadd.s32 @!p1 $0xFFFFC100  }
0x5c: {  	s17 =	sadd.s32 s16, s20;
	s20 =	simm.s32 @p3 $0x0;
	_ =	strace @!p1 $0x90000064  }
0x5d: {  	s3 =	sadd.s32 @p3 s1, s3;
	s0 =	sshrl.u32 @p3 s0, $0x2;
	_ =	strace @p3 $0x80000060  }
0x5e: {  	[tilespmem:s0], [sflag:s19] =	stream.linear.gather @p3 [hbm4b:s3+s20], $0x3F0, $0x200038;
	[tilespmem:$0x85E0] =	vst v63  }
0x5f: {  	s28 =	sand.u32 $0x1, s17;
	_ =	strace @p3 $0x90000060  }
0x60: {  	s29 =	sadd.s32 $0x3, s28;
	_ =	strace $0x80000061  }
0x61: {  	_ =	swait.ge [sflag:s29], $0x3F0  }
0x62: {  	s30 =	sadd.s32 s16, s18;
	[sflag:s29] =	ssyncset.done $0x0  }
0x63: {  	s3 =	sand.u32 $0x1, s30;
	[sflag:s29] =	ssyncadd.s32 $0xFFFFFC10  }
0x64: {  	s31 =	smul.u32 $0xFC00, s3;
	_ =	strace $0x90000061  }
0x65: {  	_ =	strace $0x80000062  }
0x66: {  	p0 =	seq.s32 s28, $0x1;
	s16 =	sshrl.u32 s31, $0x2;
	s17 =	rddreg [dreg:$0x3]  }
0x67: {  	s0 =	sadd.s32 $0x7E0, s16;
	s17 =	simm.s32 @!p0 $0x0  }
0x68: {  	[tilespmem:s0], [sflag:$0x1] =	stream.indirect.gather [hbm4b:s4+s9], $0x10, s17, s9, $0x2000b8;
	[tilespmem:$0x85E0] =	vst v63  }
0x69: {  	s16 =	sadd.s32 $0x2760, s16;
	s17 =	sadd.s32 $0x1F8, s17  }
0x6a: {  	[tilespmem:s16], [sflag:$0x2] =	stream.indirect.gather [hbm4b:s4+s9], $0x10, s17, s9, $0x2000b8;
	[tilespmem:$0x85E0] =	vst v63  }
0x6b: {  	_ =	swait.ge [sflag:s8], $0x1F80  }
0x6c: {  	[sflag:s8] =	ssyncset.done $0x0  }
0x6d: {  	[sflag:s8] =	ssyncadd.s32 $0xFFFFE080  }
0x6e: {  	_ =	swait.ge [sflag:s10], $0x1F80  }
0x6f: {  	p5 =	por p4, p4;
	p6 =	seq.s32 s14, $0x1;
	[sflag:s10] =	ssyncset.done $0x0  }
0x70: {  	s13 =	sadd.s32 s5, s13;
	p0 =	por p6, p5;
	[sflag:s10] =	ssyncadd.s32 $0xFFFFE080  }
0x71: {  	s13 =	smul.u32 @p0 $0x7E00, s13;
	_ =	strace $0x90000062  }
0x72: {  	_ =	strace @p0 $0x80000063  }
0x73: {  	s13 =	sshrl.u32 @p0 s13, $0x4;
	s14 =	rddreg [dreg:$0x4]  }
0x74: {  	s3 =	sadd.s32 @p0 $0x5, s3;
	s16 =	simm.s32 @p0 $0x0;
	s13 =	sadd.s32 @p0 s14, s13  }
0x75: {  	[hbm4b:s13+s16] =	stream.linear.scatter @p0 [tilespmem:s0], [sflag:s3], $0x3F00, $0x200038;
	[tilespmem:$0x85E0] =	vst v63  }
0x76: {  	p1 =	por p2, p2;
	s0 =	sand.u32 @!p2 $0x1, s15;
	_ =	strace @p0 $0x90000063  }
0x77: {  	s0 =	sadd.s32 @!p1 $0x5, s0;
	_ =	strace @!p1 $0x80000064  }
0x78: {  	_ =	swait.ge @!p1 [sflag:s0], $0x3F00  }
0x79: {  	[sflag:s0] =	ssyncset.done @!p1 $0x0  }
0x7a: {  	s12 =	sadd.s32 $0x1, s12;
	[sflag:s0] =	ssyncadd.s32 @!p1 $0xFFFFC100  }
0x7b: {  	p0 =	sne.s32 s12, s7;
	_ =	strace @!p1 $0x90000064  }
.Ltmp1:
0x7c: {  	_ =	strace $0x80000065;
	(pc) =	sbr.rel @p0 .LBB2_1-.Ltmp1, $4  }
0x7d: {  	_ =	swait.ge [sflag:s11], $0x3F00  }
0x7e: {  	[sflag:s11] =	ssyncset.done $0x0  }
0x7f: {  	[sflag:s11] =	ssyncadd.s32 $0xFFFFC100  }
0x80: {  	_ =	strace $0x90000065  }
0x81: {  	_ =	sfence.sel $0x180000  }
0x82: {  	[bflag:$0x0] =	sbarrier.arrive $0xFFFF  }
0x83: {  	_ =	strace $0x9000005E  }
0x84: {  	s0 =	stileid.u32;
	[bflag:$0x2] =	sbarrier.arrive $0xFFFF  }
0x85: {  	p0 =	sne.s32 s0, $0x0;
	s0 =	rddreg [dreg:$0x2]  }
0x86: {  	s0 =	sadd.s32 @!p0 $0x100000, s0  }
0x87: {  	[sflag:s0] =	ssyncadd.tile.s32 @!p0 $0x1;
	_ =	shalt  }
.Lfunc_end2:
_tile_overlayer_lowered:
.L_overlay_start_2:
0x88: {  	(tag) =	ssettag $0x2  }
0x89: {  	s0 =	rddreg [dreg:$0x0];
	s2 =	stileid.u32  }
0x8a: {  	s1 =	rddreg [dreg:$0x1];
	p0 =	sne.s32 s2, $0x0  }
0x8b: {  	s3 =	rddreg [dreg:$0x2];
	[bflag:$0x3] =	sbarrier.arrive $0xFFFF;
	s2 =	simm.s32 @!p0 $0x1C03  }
0x8c: {  	[timem:s3], [sflag:s2] =	dma.local @!p0 [hbm:s0], s1  }
0x8d: {  	s0 =	simm.s32 @!p0 $0x3  }
0x8e: {  	_ =	swait.ge @!p0 [sflag:s0], s1  }
0x8f: {  	s1 =	ssub.s32 @!p0 $0x0, s1;
	[sflag:s0] =	ssyncset.done @!p0 $0x0  }
0x90: {  	[sflag:s0] =	ssyncadd.s32 @!p0 s1  }
0x91: {  	[bflag:$0x3] =	sbarrier.arrive $0xFFFF  }
0x92: {  	_ =	shalt  }

// kernel: kernel.14.cloned.1.call-start
scs
__scs_entry_jumppad:
0x0: {  	(pc) =	sbr.rel $0x88, $3  }
0x1: {  	(tag) =	ssettag $0x0;
	lr =	simm.s32 $0x1  }
0x2: {  	[smem:$0x3F9E] =	sst lr;
	_ =	strace $0xD0000000  }
0x3: {  	_ = 	snop  }
0x4: {  	_ = 	snop  }
0x5: {  	_ = 	snop  }
0x6: {  	_ = 	snop  }
0x7: {  	_ = 	snop  }
__scs_overlays_trampoline_lowered:
0x8: {  	[smem:$0x3FAD] =	sst s0  }
0x9: {  	[smem:$0x3FAE] =	sst s1  }
0xa: {  	[smem:$0x3FAF] =	sst s2  }
0xb: {  	[smem:$0x3FB0] =	sst s3  }
0xc: {  	[smem:$0x3FB1] =	sst s4  }
0xd: {  	[smem:$0x3FB2] =	sst s5  }
0xe: {  	[smem:$0x3FB3] =	sst s6  }
0xf: {  	[smem:$0x3FB4] =	sst s7  }
0x10: {  	[smem:$0x3FB5] =	sst s8  }
0x11: {  	[smem:$0x3FB6] =	sst s9;
	s0 =	simm.s32 @!p0 $0x0  }
0x12: {  	s1 =	sld [smem:$0x3F9C];
	s0 =	simm.s32 @p0 $0x1  }
0x13: {  	[smem:$0x3FB7] =	sst s0;
	s0 =	simm.s32 @!p1 $0x0  }
0x14: {  	s2 =	sld [smem:$0x3F9B];
	s0 =	simm.s32 @p1 $0x1  }
0x15: {  	[smem:$0x3FB8] =	sst s0;
	s0 =	simm.s32 @!p2 $0x0  }
0x16: {  	s3 =	sld [smem:$0x3FDB];
	s0 =	simm.s32 @p2 $0x1  }
0x17: {  	s4 =	simm.s32 $0x1BF5;
	[smem:$0x3FBA] =	sst s0  }
0x18: {  	s0 =	sld [smem:$0x3F9D];
	_ =	swait.ge [sflag:s4], $0x0  }
0x19: {  	s7 =	sld [smem:$0x3F9E]  }
0x1a: {  	s8 =	sadd.s32 $0xFFFFE003, lr  }
0x1b: {  	s9 =	sadd.s32 $0xFFFFFEF7, lr;
	s5 =	simm.s32 $0xFFFFFFFF;
	p2 =	slt.u32 s8, $0xFFFFF086  }
0x1c: {  	p1 =	slt.u32 s9, $0xF7A;
	s5 =	simm.s32 @!p2 $0x0  }
0x1d: {  	s5 =	simm.s32 @p1 $0x1;
	p0 =	seq.s32 s7, s2  }
0x1e: {  	s7 =	smul.u32 @!p0 $0xF7A, s2;
	p2 =	seq.s32 @!p0 s5, $0x0  }
0x1f: {  	s9 =	smul.u32 $0xF7A, s1;
	s8 =	simm.s32 @!p0 $0x1BF5;
	p2 =	por !p2, p0  }
0x20: {  	[sflag:s8] =	ssyncset.s32 @!p0 $0xFFFFF086;
	s6 =	sadd.s32 @!p0 s3, s7;
	s7 =	simm.s32 @!p0 $0x108  }
0x21: {  	s3 =	sadd.s32 s3, s9;
	s6 =	sadd.s32 @!p0 $0x88, s6;
	s7 =	simm.s32 @p2 $0x1082  }
0x22: {  	[simem:s7], [sflag:s8] =	dma.local @!p0 [hbm:s6], $0xF7A  }
0x23: {  	s9 =	sor.u32 $0xD0000000, s2;
	s6 =	simm.s32 $0x108;
	_ =	swait.ge @!p0 [sflag:s8], $0x0  }
0x24: {  	s3 =	sadd.s32 $0x88, s3;
	s6 =	simm.s32 @!p1 $0x1082;
	[sflag:s4] =	ssyncset.s32 $0xFFFFF086  }
0x25: {  	[simem:s6], [sflag:s4] =	dma.local [hbm:s3], $0xF7A  }
0x26: {  	[smem:$0x3F9E] =	sst s1;
	(tag) =	ssettag s2;
	_ =	strace s9  }
0x27: {  	s1 =	sld [smem:$0x3FAE]  }
0x28: {  	s2 =	sld [smem:$0x3FAF]  }
0x29: {  	s4 =	sld [smem:$0x3FB1]  }
0x2a: {  	p0 =	seq.s32 s5, $0x0;
	s5 =	sld [smem:$0x3FB2]  }
0x2b: {  	s6 =	sld [smem:$0x3FB3]  }
0x2c: {  	s7 =	sld [smem:$0x3FB4]  }
0x2d: {  	s3 =	simm.s32 $0x108;
	s8 =	sld [smem:$0x3FB5]  }
0x2e: {  	s3 =	simm.s32 @!p0 $0x1082;
	s9 =	sld [smem:$0x3FB6]  }
0x2f: {  	lr =	sadd.s32 s0, s3;
	s0 =	sld [smem:$0x3FAD]  }
0x30: {  	s3 =	sld [smem:$0x3FB0]  }
0x31: {  	[smem:$0x3FB9] =	sst s10  }
0x32: {  	s10 =	sld [smem:$0x3FB7];
	_ =	sdelay $0x3  }
0x33: {  	p0 =	seq.s32 s10, $0x1;
	s10 =	sld [smem:$0x3FB9];
	_ =	sdelay $0x3  }
0x34: {  	[smem:$0x3FB9] =	sst s10  }
0x35: {  	s10 =	sld [smem:$0x3FB8];
	_ =	sdelay $0x3  }
0x36: {  	p1 =	seq.s32 s10, $0x1;
	s10 =	sld [smem:$0x3FB9];
	_ =	sdelay $0x3  }
0x37: {  	[smem:$0x3FB9] =	sst s10  }
0x38: {  	s10 =	sld [smem:$0x3FBA]  }
0x39: {  	_ = 	snop;
	(pc) =	sbr.ind lr, $3  }
0x3a: {  	_ = 	snop  }
0x3b: {  	_ = 	snop  }
0x3c: {  	p2 =	seq.s32 s10, $0x1;
	s10 =	sld [smem:$0x3FB9]  }
0x3d: {  	_ =	shalt  }
0x3e: {  	_ =	shalt  }
0x3f: {  	_ =	shalt  }
0x40: {  	_ =	shalt  }
0x41: {  	_ =	shalt  }
0x42: {  	_ =	shalt  }
0x43: {  	_ =	shalt  }
0x44: {  	_ =	shalt  }
0x45: {  	_ =	shalt  }
0x46: {  	_ =	shalt  }
0x47: {  	_ =	shalt  }
0x48: {  	_ =	shalt  }
0x49: {  	_ =	shalt  }
0x4a: {  	_ =	shalt  }
0x4b: {  	_ =	shalt  }
0x4c: {  	_ =	shalt  }
0x4d: {  	_ =	shalt  }
0x4e: {  	_ =	shalt  }
0x4f: {  	_ =	shalt  }
0x50: {  	_ =	shalt  }
0x51: {  	_ =	shalt  }
0x52: {  	_ =	shalt  }
0x53: {  	_ =	shalt  }
0x54: {  	_ =	shalt  }
0x55: {  	_ =	shalt  }
0x56: {  	_ =	shalt  }
0x57: {  	_ =	shalt  }
0x58: {  	_ =	shalt  }
0x59: {  	_ =	shalt  }
0x5a: {  	_ =	shalt  }
0x5b: {  	_ =	shalt  }
0x5c: {  	_ =	shalt  }
0x5d: {  	_ =	shalt  }
0x5e: {  	_ =	shalt  }
0x5f: {  	_ =	shalt  }
0x60: {  	_ =	shalt  }
0x61: {  	_ =	shalt  }
0x62: {  	_ =	shalt  }
0x63: {  	_ =	shalt  }
0x64: {  	_ =	shalt  }
0x65: {  	_ =	shalt  }
0x66: {  	_ =	shalt  }
0x67: {  	_ =	shalt  }
0x68: {  	_ =	shalt  }
0x69: {  	_ =	shalt  }
0x6a: {  	_ =	shalt  }
0x6b: {  	_ =	shalt  }
0x6c: {  	_ =	shalt  }
0x6d: {  	_ =	shalt  }
0x6e: {  	_ =	shalt  }
0x6f: {  	_ =	shalt  }
0x70: {  	_ =	shalt  }
0x71: {  	_ =	shalt  }
0x72: {  	_ =	shalt  }
0x73: {  	_ =	shalt  }
0x74: {  	_ =	shalt  }
0x75: {  	_ =	shalt  }
0x76: {  	_ =	shalt  }
0x77: {  	_ =	shalt  }
0x78: {  	_ =	shalt  }
0x79: {  	_ =	shalt  }
0x7a: {  	_ =	shalt  }
0x7b: {  	_ =	shalt  }
0x7c: {  	_ =	shalt  }
0x7d: {  	_ =	shalt  }
0x7e: {  	_ =	shalt  }
0x7f: {  	_ =	shalt  }
0x80: {  	_ =	shalt  }
0x81: {  	_ =	shalt  }
0x82: {  	_ =	shalt  }
0x83: {  	_ =	shalt  }
0x84: {  	_ =	shalt  }
0x85: {  	_ =	shalt  }
0x86: {  	_ =	shalt  }
0x87: {  	_ =	shalt  }
.Lfunc_end0:
.L_simem_size_0:
called_computation.3_lowered:
.L_overlay_start_0:
0x88: {  	s2 =	sld [smem:$0x3FD9]  }
0x89: {  	s3 =	sld [smem:$0x3FFE];
	_ =	sdelay $0x1  }
0x8a: {  	s1 =	srdreg.scid  }
0x8b: {  	s0 =	sand.u32 $0x1, s1  }
0x8c: {  	s16 =	sshll.u32 s0, $0xA;
	s2 =	sadd.s32 s3, s2  }
0x8d: {  	s2 =	sadd.s32 s2, s16  }
0x8e: {  	[smem:$0x3FC5] =	sst s2  }
0x8f: {  	_ = 	snop  }
0x90: {  	(tm) =	ssettm $0x1  }
0x91: {  	s17 =	sld [smem:$0x3FFB];
	_ =	sdelay $0x3  }
0x92: {  	_ =	strace s17  }
0x93: {  	s2 =	sld [smem:$0x3FFC];
	_ =	sdelay $0x3  }
0x94: {  	_ =	strace s2  }
0x95: {  	s2 =	sld [smem:$0x3FFD];
	_ =	sdelay $0x3  }
0x96: {  	_ =	strace s2  }
0x97: {  	_ =	strace $0x8FFFFFFF  }
0x98: {  	s18 =	sld [smem:$0x3FDB];
	_ =	sdelay $0x1  }
0x99: {  	s19 =	simm.s32 $_scs_section_size  }
0x9a: {  	s4 =	simm.s32 $_size__tile_overlayer_lowered;
	s5 =	simm.s32 $_tile_overlayer_lowered  }
0x9b: {  	s22 =	simm.s32 $0x1BFF;
	s21 =	sshll.u32 s5, $0x1;
	s2 =	sadd.s32 s19, s18  }
0x9c: {  	s6 =	simm.s32 $0x0;
	s20 =	sshll.u32 s4, $0x1;
	s4 =	sadd.s32 s21, s2  }
0x9d: {  	[timem:s6], [sflag:s22] =	dma.local [hbm:s4], s20  }
0x9e: {  	_ =	swait.ge [sflag:s22], s20  }
0x9f: {  	s3 =	ssub.s32 $0x0, s20;
	[sflag:s22] =	ssyncset.done $0x0  }
0xa0: {  	[sflag:s22] =	ssyncadd.s32 s3;
	_ =	sdelay $0x1  }
0xa1: {  	s23 =	simm.s32 $0x1B8B  }
0xa2: {  	_ =	swait.ge [sflag:s23], $0x1  }
0xa3: {  	[sflag:s23] =	ssyncset.done $0x0  }
0xa4: {  	s25 =	simm.s32 $0x1B8E;
	s24 =	sld [smem:$0x3FFE];
	[sflag:s23] =	ssyncadd.s32 $0xFFFFFFFF  }
0xa5: {  	s26 =	simm.s32 $execute0_lowered;
	[smem:$0x3FD2] =	sst s25  }
0xa6: {  	s4 =	sshll.u32 s26, $0x1;
	_ =	strace $0x80000053;
	[dreg:$0x1] =	wrdreg $0xFFFFFFFF  }
0xa7: {  	s28 =	simm.s32 $_size_execute0_lowered;
	s2 =	sadd.s32 s2, s4;
	[dreg:$0x0] =	wrdreg $0x0  }
0xa8: {  	s4 =	sshll.u32 s28, $0x1;
	[dreg:$0x2] =	wrdreg s2  }
0xa9: {  	[dreg:$0x3] =	wrdreg s4  }
0xaa: {  	[dreg:$0x4] =	wrdreg $0xC0  }
0xab: {  	_ =	task [dreg:s6], $0x5FFFF  }
0xac: {  	[dreg:$0x1] =	wrdreg $0xFFFFFFFF  }
0xad: {  	[dreg:$0x0] =	wrdreg $0x60  }
0xae: {  	[dreg:$0x2] =	wrdreg s24  }
0xaf: {  	[dreg:$0x3] =	wrdreg $0xA  }
0xb0: {  	_ =	task.clear_ibuf [dreg:s6], $0x4FFFF;
	_ =	strace $0x90000053  }
0xb1: {  	s29 =	simm.s32 $0xA;
	_ =	strace $0x8000005C  }
0xb2: {  	_ =	swait.ge [sflag:s29], $0x1  }
0xb3: {  	[sflag:s29] =	ssyncadd.s32 $0xFFFFFFFF  }
0xb4: {  	_ =	strace $0x9000005C  }
0xb5: {  	_ =	sfence  }
0xb6: {  	s30 =	sld [smem:$0x0];
	_ =	sdelay $0x2  }
0xb7: {  	s31 =	sshll.u32 s1, $0xD;
	s1 =	sshrl.u32 s1, $0x2  }
0xb8: {  	s3 =	sand.u32 $0x4000, s31;
	s1 =	sadd.s32 s1, s30  }
0xb9: {  	s0 =	sor.u32 s3, s0;
	s1 =	sshll.u32 s1, $0x11  }
0xba: {  	s0 =	sor.u32 s1, s0  }
0xbb: {  	s0 =	sadd.s32 $0x8F2B, s0  }
0xbc: {  	[sflag:s0] =	ssyncadd.remote.s32 $0x1  }
0xbd: {  	_ =	sfence.sel $0xFFFF  }
0xbe: {  	[dreg:$0x0] =	wrdreg $0xFFFFFFFF;
	(pc) =	sbr.abs _section_cstart, $3  }
0xbf: {  	[dreg:$0x1] =	wrdreg $0xFFFFFFFF  }
0xc0: {  	_ =	task.clear_ibuf [dreg:s6], $0x2FFFF;
	_ =	strace $0x9FFFFFFF  }
0xc1: {  	(tm) =	ssettm $0x7FFFFFFF  }
tec
execute0_lowered:
.L_overlay_start_1:
0x0: {  	(tag) =	ssettag $0x1  }
0x1: {  	s5 =	rddreg [dreg:$0x0];
	s1 =	simm.s32 $0x0;
	s2 =	srdreg.scid  }
0x2: {  	s0 =	stileid.u32;
	s31 =	simm.s32 $0x3F0;
	s10 =	simm.s32 $0x2  }
0x3: {  	s11 =	simm.s32 $0x5;
	s12 =	simm.s32 $0x0;
	[smem:$0x7FF] =	sst s1  }
0x4: {  	s6 =	sand.u32 $0x1, s2;
	s3 =	sadd.s32 $0xB7000, s5;
	s4 =	sadd.s32 $0xF800, s5  }
0x5: {  	s5 =	sadd.s32 $0xCBC00, s5;
	s7 =	sshll.u32 s6, $0x4;
	s6 =	ssub.s32 $0x2, s6  }
0x6: {  	_ =	strace $0x80000054;
	s7 =	sor.u32 s0, s7;
	s8 =	sshrl.u32 s6, $0x1  }
0x7: {  	[dreg:$0x3] =	wrdreg s5;
	s9 =	smul.u32 $0xA56, s7;
	s8 =	ssub.s32 s6, s8  }
0x8: {  	[dreg:$0x2] =	wrdreg s31;
	s5 =	smul.u32 $0x15, s7;
	s7 =	smax.u32 s8, $0x1  }
0x9: {  	s8 =	simm.s32 $0x1;
	s6 =	sadd.s32 s3, s9;
	s9 =	simm.s32 $0x1F8  }
.LBB2_1:
0xa: {  	_ =	strace $0x80000055;
	s13 =	simm.s32 $0x1;
	p0 =	por $0x0, $0x0  }
0xb: {  	[tilespmem:s1], [sflag:$0x3] =	stream.linear.gather [hbm4b:s6+s1], $0x3F0, $0x200038;
	[tilespmem:$0x85E0] =	vst v63  }
0xc: {  	s13 =	simm.s32 @p0 $0x0  }
0xd: {  	p1 =	por $0x1, $0x1;
	p0 =	sne.s32 s13, $0x0  }
0xe: {  	p1 =	por !p1, !p0  }
0xf: {  	s21 =	sand.u32 $0x1, s1;
	p1 =	por !p1, !p1  }
0x10: {  	s25 =	smul.u32 $0xFC00, s21;
	s14 =	sadd.s32 @p1 s5, s13  }
0x11: {  	s15 =	sand.u32 @p1 $0x1, s8;
	s14 =	smul.u32 @p1 $0x3F0, s14  }
0x12: {  	p3 =	por $0x1, $0x1;
	_ =	strace $0x90000055;
	s16 =	smul.u32 @p1 $0xFC0, s15  }
0x13: {  	s17 =	simm.s32 @p1 $0x0;
	_ =	strace @p1 $0x80000056;
	s14 =	sshrl.u32 @p1 s14, $0x3  }
0x14: {  	s15 =	sadd.s32 @p1 $0x3, s15;
	s16 =	sshrl.u32 @p1 s16, $0x2;
	s14 =	sadd.s32 @p1 s3, s14  }
0x15: {  	[tilespmem:s16], [sflag:s15] =	stream.linear.gather @p1 [hbm4b:s14+s17], $0x3F0, $0x200038;
	[tilespmem:$0x85E0] =	vst v63  }
0x16: {  	p2 =	por $0x0, $0x0;
	p4 =	por $0x0, $0x0;
	_ =	strace @p1 $0x90000056  }
0x17: {  	s24 =	sadd.s32 $0x3, s21;
	s19 =	sshrl.u32 s25, $0x2;
	_ =	strace $0x80000057  }
0x18: {  	s29 =	simm.s32 $0x1;
	s22 =	sadd.s32 $0x7E0, s19;
	_ =	swait.ge [sflag:s24], $0x3F0  }
0x19: {  	s26 =	sadd.s32 $0x2760, s19;
	s19 =	sadd.s32 $0x1, s13;
	[sflag:s24] =	ssyncset.done $0x0  }
0x1a: {  	p6 =	por p0, p0;
	p5 =	seq.s32 s19, $0x15;
	[sflag:s24] =	ssyncadd.s32 $0xFFFFFC10  }
0x1b: {  	p0 =	seq.s32 s21, $0x1;
	s19 =	simm.s32 @p5 $0x0;
	_ =	strace $0x90000057  }
0x1c: {  	s15 =	simm.s32 $0x1;
	s14 =	simm.s32 $0x14;
	_ =	strace $0x80000058  }
0x1d: {  	s17 =	simm.s32 $0x13;
	s15 =	simm.s32 @!p1 $0x0;
	s18 =	rddreg [dreg:$0x2]  }
0x1e: {  	p1 =	por p3, p3;
	s16 =	sadd.s32 $0x1, s15;
	s18 =	simm.s32 @!p0 $0x0  }
0x1f: {  	[tilespmem:s22], [sflag:$0x1] =	stream.indirect.gather [hbm4b:s4+s9], $0x10, s18, s9, $0x2000b8;
	[tilespmem:$0x85E0] =	vst v63  }
0x20: {  	s15 =	sand.u32 @!p3 $0x1, s1;
	p3 =	por $0x0, $0x0;
	s18 =	sadd.s32 $0x1F8, s18  }
0x21: {  	[tilespmem:s26], [sflag:$0x2] =	stream.indirect.gather [hbm4b:s4+s9], $0x10, s18, s9, $0x2000b8;
	[tilespmem:$0x85E0] =	vst v63  }
0x22: {  	s23 =	sadd.s32 @!p1 $0x5, s15;
	s15 =	simm.s32 $0x1;
	_ =	swait.ge [sflag:s8], $0x1F80  }
0x23: {  	p6 =	por p3, p6;
	s15 =	simm.s32 @!p4 $0x0;
	[sflag:s8] =	ssyncset.done $0x0  }
0x24: {  	p4 =	sne.s32 s13, s19;
	p0 =	por $0x1, $0x1;
	[sflag:s8] =	ssyncadd.s32 $0xFFFFE080  }
0x25: {  	s28 =	simm.s32 @p6 $0x0;
	p5 =	por !p0, !p4;
	_ =	swait.ge [sflag:s10], $0x1F80  }
0x26: {  	s15 =	sadd.s32 $0x0, s15;
	p3 =	por !p5, !p5;
	[sflag:s10] =	ssyncset.done $0x0  }
0x27: {  	s18 =	sadd.s32 $0x0, s5;
	s20 =	sadd.s32 @p3 s5, s19;
	[sflag:s10] =	ssyncadd.s32 $0xFFFFE080  }
0x28: {  	s29 =	simm.s32 @!p3 $0x0;
	s24 =	smul.u32 @p6 $0x7E00, s18;
	_ =	strace $0x90000058  }
0x29: {  	s26 =	sand.u32 @p3 $0x1, s16;
	s30 =	smul.u32 @p3 $0x3F0, s20;
	_ =	strace @p6 $0x80000059  }
0x2a: {  	s18 =	simm.s32 $0x0;
	s20 =	simm.s32 $0x0;
	s31 =	rddreg [dreg:$0x3]  }
.LBB2_2:
0x2b: {  	p0 =	por p4, p4  }
0x2c: {  	s25 =	smov.u32 s13;
	s13 =	simm.s32 @!p0 $0x0  }
0x2d: {  	s2 =	sshrl.u32 @p6 s24, $0x4;
	s13 =	simm.s32 @p0 $0x1  }
0x2e: {  	s21 =	sadd.s32 @p6 $0x5, s21;
	s2 =	sadd.s32 @p6 s31, s2;
	[smem:$0x7FD] =	sst s13  }
0x2f: {  	[hbm4b:s2+s28] =	stream.linear.scatter @p6 [tilespmem:s22], [sflag:s21], $0x3F00, $0x200038;
	[tilespmem:$0x85E0] =	vst v63  }
0x30: {  	_ =	strace @p6 $0x90000059  }
0x31: {  	s0 =	smul.u32 @p3 $0xFC0, s26;
	_ =	strace @!p1 $0x8000005A  }
0x32: {  	s16 =	sadd.s32 s29, s16;
	s29 =	simm.s32 $0x1;
	_ =	swait.ge @!p1 [sflag:s23], $0x3F00  }
0x33: {  	s29 =	simm.s32 @!p6 $0x0;
	[sflag:s23] =	ssyncset.done @!p1 $0x0  }
0x34: {  	s0 =	sshrl.u32 @p3 s0, $0x2;
	s20 =	sadd.s32 s29, s20;
	[sflag:s23] =	ssyncadd.s32 @!p1 $0xFFFFC100  }
0x35: {  	s13 =	sshrl.u32 @p3 s30, $0x3;
	s21 =	sadd.s32 @p3 $0x3, s26;
	_ =	strace @!p1 $0x9000005A  }
0x36: {  	s22 =	simm.s32 @p3 $0x0;
	s30 =	sadd.s32 @p3 s3, s13;
	_ =	strace @p3 $0x80000056  }
0x37: {  	[tilespmem:s0], [sflag:s21] =	stream.linear.gather @p3 [hbm4b:s30+s22], $0x3F0, $0x200038;
	[tilespmem:$0x85E0] =	vst v63  }
0x38: {  	s2 =	sand.u32 $0x1, s20;
	_ =	strace @p3 $0x90000056  }
0x39: {  	s21 =	sadd.s32 $0x3, s2;
	_ =	strace $0x80000057  }
0x3a: {  	_ =	swait.ge [sflag:s21], $0x3F0  }
0x3b: {  	s18 =	sadd.s32 s29, s18;
	[sflag:s21] =	ssyncset.done $0x0  }
0x3c: {  	[sflag:s21] =	ssyncadd.s32 $0xFFFFFC10;
	s21 =	sand.u32 $0x1, s18  }
0x3d: {  	_ =	strace $0x90000057;
	s22 =	smul.u32 $0xFC00, s21  }
0x3e: {  	_ =	strace $0x80000058  }
0x3f: {  	p0 =	seq.s32 s2, $0x1;
	s23 =	rddreg [dreg:$0x2];
	s0 =	sshrl.u32 s22, $0x2  }
0x40: {  	s22 =	sadd.s32 $0x7E0, s0;
	s23 =	simm.s32 @!p0 $0x0  }
0x41: {  	[tilespmem:s22], [sflag:$0x1] =	stream.indirect.gather [hbm4b:s4+s9], $0x10, s23, s9, $0x2000b8;
	[tilespmem:$0x85E0] =	vst v63  }
0x42: {  	s0 =	sadd.s32 $0x2760, s0;
	s23 =	sadd.s32 $0x1F8, s23  }
0x43: {  	[tilespmem:s0], [sflag:$0x2] =	stream.indirect.gather [hbm4b:s4+s9], $0x10, s23, s9, $0x2000b8;
	[tilespmem:$0x85E0] =	vst v63  }
0x44: {  	_ =	swait.ge [sflag:s8], $0x1F80  }
0x45: {  	s24 =	smov.u32 s14;
	[sflag:s8] =	ssyncset.done $0x0  }
0x46: {  	s14 =	smov.u32 s17;
	s17 =	sadd.s32 $0xFFFFFFFF, s17;
	[sflag:s8] =	ssyncadd.s32 $0xFFFFE080  }
0x47: {  	p5 =	sne.s32 s17, $0x0;
	p4 =	sne.s32 s24, $0x15;
	_ =	swait.ge [sflag:s10], $0x1F80  }
0x48: {  	s13 =	smov.u32 s19;
	s19 =	sadd.s32 $0x1, s19;
	[sflag:s10] =	ssyncset.done $0x0  }
0x49: {  	s29 =	simm.s32 $0x1;
	p6 =	seq.s32 s19, $0x15;
	[sflag:s10] =	ssyncadd.s32 $0xFFFFE080  }
0x4a: {  	s28 =	sand.u32 @!p2 $0x1, s15;
	s19 =	simm.s32 @p6 $0x0;
	_ =	strace $0x90000058  }
0x4b: {  	p1 =	por p2, p2;
	s2 =	simm.s32 $0x1;
	s26 =	sld [smem:$0x7FD]  }
0x4c: {  	p2 =	seq.s32 s14, $0x15;
	p3 =	seq.s32 s24, $0x1;
	s2 =	simm.s32 @!p4 $0x0  }
0x4d: {  	p4 =	sne.s32 s13, s19;
	s15 =	sadd.s32 s2, s15;
	p0 =	sne.s32 s14, $0x1  }
.Ltmp0:
0x4e: {  	p0 =	por !p0, !p4;
	p6 =	seq.s32 s26, $0x1;
	(pc) =	sbr.rel @p5 .LBB2_2-.Ltmp0, $4  }
0x4f: {  	s0 =	sadd.s32 s5, s25;
	s23 =	sadd.s32 @!p1 $0x5, s28;
	p6 =	por p3, p6  }
0x50: {  	p3 =	por !p0, !p0;
	_ =	strace @p6 $0x80000059;
	s28 =	simm.s32 @p6 $0x0  }
0x51: {  	s2 =	sadd.s32 @p3 s5, s19;
	s29 =	simm.s32 @!p3 $0x0;
	s24 =	smul.u32 @p6 $0x7E00, s0  }
0x52: {  	s26 =	sand.u32 @p3 $0x1, s16;
	s30 =	smul.u32 @p3 $0x3F0, s2;
	s31 =	rddreg [dreg:$0x3]  }
0x53: {  	s0 =	sshrl.u32 @p6 s24, $0x4  }
0x54: {  	s2 =	sadd.s32 @p6 $0x5, s21;
	s0 =	sadd.s32 @p6 s31, s0  }
0x55: {  	[hbm4b:s0+s28] =	stream.linear.scatter @p6 [tilespmem:s22], [sflag:s2], $0x3F00, $0x200038;
	[tilespmem:$0x85E0] =	vst v63  }
0x56: {  	_ =	strace @p6 $0x90000059  }
0x57: {  	_ =	strace @!p1 $0x8000005A  }
0x58: {  	s16 =	simm.s32 $0x1;
	_ =	swait.ge @!p1 [sflag:s23], $0x3F00  }
0x59: {  	s19 =	sadd.s32 @p3 $0x3, s26;
	s16 =	simm.s32 @!p6 $0x0;
	[sflag:s23] =	ssyncset.done @!p1 $0x0  }
0x5a: {  	s0 =	smul.u32 @p3 $0xFC0, s26;
	s2 =	sshrl.u32 @p3 s30, $0x3;
	[sflag:s23] =	ssyncadd.s32 @!p1 $0xFFFFC100  }
0x5b: {  	s17 =	sadd.s32 s16, s20;
	s20 =	simm.s32 @p3 $0x0;
	_ =	strace @!p1 $0x9000005A  }
0x5c: {  	s2 =	sadd.s32 @p3 s3, s2;
	s0 =	sshrl.u32 @p3 s0, $0x2;
	_ =	strace @p3 $0x80000056  }
0x5d: {  	[tilespmem:s0], [sflag:s19] =	stream.linear.gather @p3 [hbm4b:s2+s20], $0x3F0, $0x200038;
	[tilespmem:$0x85E0] =	vst v63  }
0x5e: {  	s28 =	sand.u32 $0x1, s17;
	_ =	strace @p3 $0x90000056  }
0x5f: {  	s29 =	sadd.s32 $0x3, s28;
	_ =	strace $0x80000057  }
0x60: {  	_ =	swait.ge [sflag:s29], $0x3F0  }
0x61: {  	s30 =	sadd.s32 s16, s18;
	[sflag:s29] =	ssyncset.done $0x0  }
0x62: {  	s2 =	sand.u32 $0x1, s30;
	[sflag:s29] =	ssyncadd.s32 $0xFFFFFC10  }
0x63: {  	s31 =	smul.u32 $0xFC00, s2;
	_ =	strace $0x90000057  }
0x64: {  	_ =	strace $0x80000058  }
0x65: {  	p0 =	seq.s32 s28, $0x1;
	s16 =	sshrl.u32 s31, $0x2;
	s17 =	rddreg [dreg:$0x2]  }
0x66: {  	s0 =	sadd.s32 $0x7E0, s16;
	s17 =	simm.s32 @!p0 $0x0  }
0x67: {  	[tilespmem:s0], [sflag:$0x1] =	stream.indirect.gather [hbm4b:s4+s9], $0x10, s17, s9, $0x2000b8;
	[tilespmem:$0x85E0] =	vst v63  }
0x68: {  	s16 =	sadd.s32 $0x2760, s16;
	s17 =	sadd.s32 $0x1F8, s17  }
0x69: {  	[tilespmem:s16], [sflag:$0x2] =	stream.indirect.gather [hbm4b:s4+s9], $0x10, s17, s9, $0x2000b8;
	[tilespmem:$0x85E0] =	vst v63  }
0x6a: {  	_ =	swait.ge [sflag:s8], $0x1F80  }
0x6b: {  	[sflag:s8] =	ssyncset.done $0x0  }
0x6c: {  	[sflag:s8] =	ssyncadd.s32 $0xFFFFE080  }
0x6d: {  	_ =	swait.ge [sflag:s10], $0x1F80  }
0x6e: {  	p5 =	por p4, p4;
	p6 =	seq.s32 s14, $0x1;
	[sflag:s10] =	ssyncset.done $0x0  }
0x6f: {  	s13 =	sadd.s32 s5, s13;
	p0 =	por p6, p5;
	[sflag:s10] =	ssyncadd.s32 $0xFFFFE080  }
0x70: {  	s13 =	smul.u32 @p0 $0x7E00, s13;
	_ =	strace $0x90000058  }
0x71: {  	_ =	strace @p0 $0x80000059  }
0x72: {  	s13 =	sshrl.u32 @p0 s13, $0x4;
	s14 =	rddreg [dreg:$0x3]  }
0x73: {  	s2 =	sadd.s32 @p0 $0x5, s2;
	s16 =	simm.s32 @p0 $0x0;
	s13 =	sadd.s32 @p0 s14, s13  }
0x74: {  	[hbm4b:s13+s16] =	stream.linear.scatter @p0 [tilespmem:s0], [sflag:s2], $0x3F00, $0x200038;
	[tilespmem:$0x85E0] =	vst v63  }
0x75: {  	p1 =	por p2, p2;
	s0 =	sand.u32 @!p2 $0x1, s15;
	_ =	strace @p0 $0x90000059  }
0x76: {  	s0 =	sadd.s32 @!p1 $0x5, s0;
	_ =	strace @!p1 $0x8000005A  }
0x77: {  	_ =	swait.ge @!p1 [sflag:s0], $0x3F00  }
0x78: {  	[sflag:s0] =	ssyncset.done @!p1 $0x0  }
0x79: {  	s12 =	sadd.s32 $0x1, s12;
	[sflag:s0] =	ssyncadd.s32 @!p1 $0xFFFFC100  }
0x7a: {  	p0 =	sne.s32 s12, s7;
	_ =	strace @!p1 $0x9000005A  }
.Ltmp1:
0x7b: {  	_ =	strace $0x8000005B;
	(pc) =	sbr.rel @p0 .LBB2_1-.Ltmp1, $4  }
0x7c: {  	_ =	swait.ge [sflag:s11], $0x3F00  }
0x7d: {  	[sflag:s11] =	ssyncset.done $0x0  }
0x7e: {  	[sflag:s11] =	ssyncadd.s32 $0xFFFFC100  }
0x7f: {  	_ =	strace $0x9000005B  }
0x80: {  	_ =	sfence.sel $0x180000  }
0x81: {  	[bflag:$0x0] =	sbarrier.arrive $0xFFFF  }
0x82: {  	_ =	strace $0x90000054  }
0x83: {  	s0 =	stileid.u32;
	[bflag:$0x2] =	sbarrier.arrive $0xFFFF  }
0x84: {  	p0 =	sne.s32 s0, $0x0;
	s0 =	rddreg [dreg:$0x1]  }
0x85: {  	s0 =	sadd.s32 @!p0 $0x100000, s0  }
0x86: {  	[sflag:s0] =	ssyncadd.tile.s32 @!p0 $0x1;
	_ =	shalt  }
.Lfunc_end2:
_tile_overlayer_lowered:
.L_overlay_start_2:
0x87: {  	(tag) =	ssettag $0x2  }
0x88: {  	s0 =	rddreg [dreg:$0x0];
	s2 =	stileid.u32  }
0x89: {  	s1 =	rddreg [dreg:$0x1];
	p0 =	sne.s32 s2, $0x0  }
0x8a: {  	s3 =	rddreg [dreg:$0x2];
	[bflag:$0x3] =	sbarrier.arrive $0xFFFF;
	s2 =	simm.s32 @!p0 $0x1C03  }
0x8b: {  	[timem:s3], [sflag:s2] =	dma.local @!p0 [hbm:s0], s1  }
0x8c: {  	s0 =	simm.s32 @!p0 $0x3  }
0x8d: {  	_ =	swait.ge @!p0 [sflag:s0], s1  }
0x8e: {  	s1 =	ssub.s32 @!p0 $0x0, s1;
	[sflag:s0] =	ssyncset.done @!p0 $0x0  }
0x8f: {  	[sflag:s0] =	ssyncadd.s32 @!p0 s1  }
0x90: {  	[bflag:$0x3] =	sbarrier.arrive $0xFFFF  }
0x91: {  	_ =	shalt  }

// kernel: kernel.8.cloned.1.call-start
scs
__scs_entry_jumppad:
0x0: {  	(pc) =	sbr.rel $0x88, $3  }
0x1: {  	(tag) =	ssettag $0x0;
	lr =	simm.s32 $0x1  }
0x2: {  	[smem:$0x3F9E] =	sst lr;
	_ =	strace $0xD0000000  }
0x3: {  	_ = 	snop  }
0x4: {  	_ = 	snop  }
0x5: {  	_ = 	snop  }
0x6: {  	_ = 	snop  }
0x7: {  	_ = 	snop  }
__scs_overlays_trampoline_lowered:
0x8: {  	[smem:$0x3FAD] =	sst s0  }
0x9: {  	[smem:$0x3FAE] =	sst s1  }
0xa: {  	[smem:$0x3FAF] =	sst s2  }
0xb: {  	[smem:$0x3FB0] =	sst s3  }
0xc: {  	[smem:$0x3FB1] =	sst s4  }
0xd: {  	[smem:$0x3FB2] =	sst s5  }
0xe: {  	[smem:$0x3FB3] =	sst s6  }
0xf: {  	[smem:$0x3FB4] =	sst s7  }
0x10: {  	[smem:$0x3FB5] =	sst s8  }
0x11: {  	[smem:$0x3FB6] =	sst s9;
	s0 =	simm.s32 @!p0 $0x0  }
0x12: {  	s1 =	sld [smem:$0x3F9C];
	s0 =	simm.s32 @p0 $0x1  }
0x13: {  	[smem:$0x3FB7] =	sst s0;
	s0 =	simm.s32 @!p1 $0x0  }
0x14: {  	s2 =	sld [smem:$0x3F9B];
	s0 =	simm.s32 @p1 $0x1  }
0x15: {  	[smem:$0x3FB8] =	sst s0;
	s0 =	simm.s32 @!p2 $0x0  }
0x16: {  	s3 =	sld [smem:$0x3FDB];
	s0 =	simm.s32 @p2 $0x1  }
0x17: {  	s4 =	simm.s32 $0x1BF5;
	[smem:$0x3FBA] =	sst s0  }
0x18: {  	s0 =	sld [smem:$0x3F9D];
	_ =	swait.ge [sflag:s4], $0x0  }
0x19: {  	s7 =	sld [smem:$0x3F9E]  }
0x1a: {  	s8 =	sadd.s32 $0xFFFFE003, lr  }
0x1b: {  	s9 =	sadd.s32 $0xFFFFFEF7, lr;
	s5 =	simm.s32 $0xFFFFFFFF;
	p2 =	slt.u32 s8, $0xFFFFF086  }
0x1c: {  	p1 =	slt.u32 s9, $0xF7A;
	s5 =	simm.s32 @!p2 $0x0  }
0x1d: {  	s5 =	simm.s32 @p1 $0x1;
	p0 =	seq.s32 s7, s2  }
0x1e: {  	s7 =	smul.u32 @!p0 $0xF7A, s2;
	p2 =	seq.s32 @!p0 s5, $0x0  }
0x1f: {  	s9 =	smul.u32 $0xF7A, s1;
	s8 =	simm.s32 @!p0 $0x1BF5;
	p2 =	por !p2, p0  }
0x20: {  	[sflag:s8] =	ssyncset.s32 @!p0 $0xFFFFF086;
	s6 =	sadd.s32 @!p0 s3, s7;
	s7 =	simm.s32 @!p0 $0x108  }
0x21: {  	s3 =	sadd.s32 s3, s9;
	s6 =	sadd.s32 @!p0 $0x88, s6;
	s7 =	simm.s32 @p2 $0x1082  }
0x22: {  	[simem:s7], [sflag:s8] =	dma.local @!p0 [hbm:s6], $0xF7A  }
0x23: {  	s9 =	sor.u32 $0xD0000000, s2;
	s6 =	simm.s32 $0x108;
	_ =	swait.ge @!p0 [sflag:s8], $0x0  }
0x24: {  	s3 =	sadd.s32 $0x88, s3;
	s6 =	simm.s32 @!p1 $0x1082;
	[sflag:s4] =	ssyncset.s32 $0xFFFFF086  }
0x25: {  	[simem:s6], [sflag:s4] =	dma.local [hbm:s3], $0xF7A  }
0x26: {  	[smem:$0x3F9E] =	sst s1;
	(tag) =	ssettag s2;
	_ =	strace s9  }
0x27: {  	s1 =	sld [smem:$0x3FAE]  }
0x28: {  	s2 =	sld [smem:$0x3FAF]  }
0x29: {  	s4 =	sld [smem:$0x3FB1]  }
0x2a: {  	p0 =	seq.s32 s5, $0x0;
	s5 =	sld [smem:$0x3FB2]  }
0x2b: {  	s6 =	sld [smem:$0x3FB3]  }
0x2c: {  	s7 =	sld [smem:$0x3FB4]  }
0x2d: {  	s3 =	simm.s32 $0x108;
	s8 =	sld [smem:$0x3FB5]  }
0x2e: {  	s3 =	simm.s32 @!p0 $0x1082;
	s9 =	sld [smem:$0x3FB6]  }
0x2f: {  	lr =	sadd.s32 s0, s3;
	s0 =	sld [smem:$0x3FAD]  }
0x30: {  	s3 =	sld [smem:$0x3FB0]  }
0x31: {  	[smem:$0x3FB9] =	sst s10  }
0x32: {  	s10 =	sld [smem:$0x3FB7];
	_ =	sdelay $0x3  }
0x33: {  	p0 =	seq.s32 s10, $0x1;
	s10 =	sld [smem:$0x3FB9];
	_ =	sdelay $0x3  }
0x34: {  	[smem:$0x3FB9] =	sst s10  }
0x35: {  	s10 =	sld [smem:$0x3FB8];
	_ =	sdelay $0x3  }
0x36: {  	p1 =	seq.s32 s10, $0x1;
	s10 =	sld [smem:$0x3FB9];
	_ =	sdelay $0x3  }
0x37: {  	[smem:$0x3FB9] =	sst s10  }
0x38: {  	s10 =	sld [smem:$0x3FBA]  }
0x39: {  	_ = 	snop;
	(pc) =	sbr.ind lr, $3  }
0x3a: {  	_ = 	snop  }
0x3b: {  	_ = 	snop  }
0x3c: {  	p2 =	seq.s32 s10, $0x1;
	s10 =	sld [smem:$0x3FB9]  }
0x3d: {  	_ =	shalt  }
0x3e: {  	_ =	shalt  }
0x3f: {  	_ =	shalt  }
0x40: {  	_ =	shalt  }
0x41: {  	_ =	shalt  }
0x42: {  	_ =	shalt  }
0x43: {  	_ =	shalt  }
0x44: {  	_ =	shalt  }
0x45: {  	_ =	shalt  }
0x46: {  	_ =	shalt  }
0x47: {  	_ =	shalt  }
0x48: {  	_ =	shalt  }
0x49: {  	_ =	shalt  }
0x4a: {  	_ =	shalt  }
0x4b: {  	_ =	shalt  }
0x4c: {  	_ =	shalt  }
0x4d: {  	_ =	shalt  }
0x4e: {  	_ =	shalt  }
0x4f: {  	_ =	shalt  }
0x50: {  	_ =	shalt  }
0x51: {  	_ =	shalt  }
0x52: {  	_ =	shalt  }
0x53: {  	_ =	shalt  }
0x54: {  	_ =	shalt  }
0x55: {  	_ =	shalt  }
0x56: {  	_ =	shalt  }
0x57: {  	_ =	shalt  }
0x58: {  	_ =	shalt  }
0x59: {  	_ =	shalt  }
0x5a: {  	_ =	shalt  }
0x5b: {  	_ =	shalt  }
0x5c: {  	_ =	shalt  }
0x5d: {  	_ =	shalt  }
0x5e: {  	_ =	shalt  }
0x5f: {  	_ =	shalt  }
0x60: {  	_ =	shalt  }
0x61: {  	_ =	shalt  }
0x62: {  	_ =	shalt  }
0x63: {  	_ =	shalt  }
0x64: {  	_ =	shalt  }
0x65: {  	_ =	shalt  }
0x66: {  	_ =	shalt  }
0x67: {  	_ =	shalt  }
0x68: {  	_ =	shalt  }
0x69: {  	_ =	shalt  }
0x6a: {  	_ =	shalt  }
0x6b: {  	_ =	shalt  }
0x6c: {  	_ =	shalt  }
0x6d: {  	_ =	shalt  }
0x6e: {  	_ =	shalt  }
0x6f: {  	_ =	shalt  }
0x70: {  	_ =	shalt  }
0x71: {  	_ =	shalt  }
0x72: {  	_ =	shalt  }
0x73: {  	_ =	shalt  }
0x74: {  	_ =	shalt  }
0x75: {  	_ =	shalt  }
0x76: {  	_ =	shalt  }
0x77: {  	_ =	shalt  }
0x78: {  	_ =	shalt  }
0x79: {  	_ =	shalt  }
0x7a: {  	_ =	shalt  }
0x7b: {  	_ =	shalt  }
0x7c: {  	_ =	shalt  }
0x7d: {  	_ =	shalt  }
0x7e: {  	_ =	shalt  }
0x7f: {  	_ =	shalt  }
0x80: {  	_ =	shalt  }
0x81: {  	_ =	shalt  }
0x82: {  	_ =	shalt  }
0x83: {  	_ =	shalt  }
0x84: {  	_ =	shalt  }
0x85: {  	_ =	shalt  }
0x86: {  	_ =	shalt  }
0x87: {  	_ =	shalt  }
.Lfunc_end0:
.L_simem_size_0:
called_computation.1_lowered:
.L_overlay_start_0:
0x88: {  	s2 =	sld [smem:$0x3FD9]  }
0x89: {  	s3 =	sld [smem:$0x3FFE];
	_ =	sdelay $0x1  }
0x8a: {  	s1 =	srdreg.scid  }
0x8b: {  	s0 =	sand.u32 $0x1, s1  }
0x8c: {  	s17 =	sshll.u32 s0, $0xA;
	s2 =	sadd.s32 s3, s2  }
0x8d: {  	s2 =	sadd.s32 s2, s17  }
0x8e: {  	[smem:$0x3FC5] =	sst s2  }
0x8f: {  	_ = 	snop  }
0x90: {  	s2 =	sld [smem:$0x3FD0];
	(tm) =	ssettm $0x1  }
0x91: {  	s18 =	sld [smem:$0x3FFB];
	_ =	sdelay $0x3  }
0x92: {  	_ =	strace s18  }
0x93: {  	s3 =	sld [smem:$0x3FFC];
	_ =	sdelay $0x3  }
0x94: {  	_ =	strace s3  }
0x95: {  	s3 =	sld [smem:$0x3FFD];
	_ =	sdelay $0x3  }
0x96: {  	_ =	strace s3  }
0x97: {  	_ =	strace $0x8FFFFFFF  }
0x98: {  	s19 =	sld [smem:$0x3FDB];
	_ =	sdelay $0x1  }
0x99: {  	s4 =	simm.s32 $_scs_section_size  }
0x9a: {  	s5 =	simm.s32 $_size__tile_overlayer_lowered;
	s6 =	simm.s32 $_tile_overlayer_lowered  }
0x9b: {  	s22 =	simm.s32 $0x1BFF;
	s21 =	sshll.u32 s6, $0x1;
	s3 =	sadd.s32 s4, s19  }
0x9c: {  	s7 =	simm.s32 $0x0;
	s20 =	sshll.u32 s5, $0x1;
	s5 =	sadd.s32 s21, s3  }
0x9d: {  	[timem:s7], [sflag:s22] =	dma.local [hbm:s5], s20  }
0x9e: {  	_ =	swait.ge [sflag:s22], s20  }
0x9f: {  	s4 =	ssub.s32 $0x0, s20;
	[sflag:s22] =	ssyncset.done $0x0  }
0xa0: {  	[sflag:s22] =	ssyncadd.s32 s4;
	_ =	sdelay $0x1  }
0xa1: {  	s23 =	simm.s32 $0x1B8B  }
0xa2: {  	_ =	swait.ge [sflag:s23], $0x1  }
0xa3: {  	[sflag:s23] =	ssyncset.done $0x0  }
0xa4: {  	s25 =	simm.s32 $0x1B8E;
	s24 =	sld [smem:$0x3FFE];
	[sflag:s23] =	ssyncadd.s32 $0xFFFFFFFF  }
0xa5: {  	s26 =	simm.s32 $execute0_lowered;
	[smem:$0x3FD2] =	sst s25  }
0xa6: {  	s5 =	sshll.u32 s26, $0x1;
	_ =	strace $0x80000049;
	[dreg:$0x1] =	wrdreg $0xFFFFFFFF  }
0xa7: {  	s28 =	simm.s32 $_size_execute0_lowered;
	s3 =	sadd.s32 s3, s5;
	[dreg:$0x0] =	wrdreg $0x0  }
0xa8: {  	s5 =	sshll.u32 s28, $0x1;
	[dreg:$0x2] =	wrdreg s3  }
0xa9: {  	[dreg:$0x3] =	wrdreg s5  }
0xaa: {  	[dreg:$0x4] =	wrdreg $0xC0  }
0xab: {  	_ =	task [dreg:s7], $0x5FFFF  }
0xac: {  	[dreg:$0x1] =	wrdreg $0xFFFFFFFF  }
0xad: {  	[dreg:$0x0] =	wrdreg $0x60  }
0xae: {  	[dreg:$0x2] =	wrdreg s24  }
0xaf: {  	[dreg:$0x3] =	wrdreg s2  }
0xb0: {  	[dreg:$0x4] =	wrdreg $0x9  }
0xb1: {  	_ =	task.clear_ibuf [dreg:s7], $0x5FFFF;
	_ =	strace $0x90000049  }
0xb2: {  	s29 =	simm.s32 $0x9;
	_ =	strace $0x80000052  }
0xb3: {  	_ =	swait.ge [sflag:s29], $0x1  }
0xb4: {  	[sflag:s29] =	ssyncadd.s32 $0xFFFFFFFF  }
0xb5: {  	_ =	strace $0x90000052  }
0xb6: {  	_ =	sfence  }
0xb7: {  	s30 =	sld [smem:$0x0];
	_ =	sdelay $0x2  }
0xb8: {  	s31 =	sshll.u32 s1, $0xD;
	s1 =	sshrl.u32 s1, $0x2  }
0xb9: {  	s3 =	sand.u32 $0x4000, s31;
	s1 =	sadd.s32 s1, s30  }
0xba: {  	s0 =	sor.u32 s3, s0;
	s1 =	sshll.u32 s1, $0x11  }
0xbb: {  	s0 =	sor.u32 s1, s0  }
0xbc: {  	s0 =	sadd.s32 $0x8F2B, s0  }
0xbd: {  	[sflag:s0] =	ssyncadd.remote.s32 $0x1  }
0xbe: {  	_ =	sfence.sel $0xFFFF  }
0xbf: {  	[dreg:$0x0] =	wrdreg $0xFFFFFFFF;
	(pc) =	sbr.abs _section_cstart, $3  }
0xc0: {  	[dreg:$0x1] =	wrdreg $0xFFFFFFFF  }
0xc1: {  	_ =	task.clear_ibuf [dreg:s7], $0x2FFFF;
	_ =	strace $0x9FFFFFFF  }
0xc2: {  	(tm) =	ssettm $0x7FFFFFFF  }
0xc3: {  	_ =	shalt  }
tec
execute0_lowered:
.L_overlay_start_1:
0x0: {  	(tag) =	ssettag $0x1  }
0x1: {  	s5 =	rddreg [dreg:$0x0]  }
0x2: {  	s1 =	rddreg [dreg:$0x1];
	s2 =	simm.s32 $0x0  }
0x3: {  	s3 =	srdreg.scid;
	s0 =	stileid.u32;
	s31 =	simm.s32 $0x430  }
0x4: {  	s10 =	simm.s32 $0x2;
	s11 =	simm.s32 $0x6;
	s12 =	simm.s32 $0x0  }
0x5: {  	[smem:$0x7FF] =	sst s2;
	s6 =	sand.u32 $0x1, s3;
	s4 =	sadd.s32 $0x5000, s5  }
0x6: {  	s5 =	sadd.s32 $0xF800, s5;
	s7 =	sshll.u32 s6, $0x4;
	s6 =	ssub.s32 $0x2, s6  }
0x7: {  	_ =	strace $0x8000004A;
	s7 =	sor.u32 s0, s7;
	s8 =	sshrl.u32 s6, $0x1  }
0x8: {  	[dreg:$0x4] =	wrdreg s5;
	s9 =	smul.u32 $0x53C, s7;
	s8 =	ssub.s32 s6, s8  }
0x9: {  	[dreg:$0x3] =	wrdreg s31;
	s5 =	smul.u32 $0xA, s7;
	s7 =	smax.u32 s8, $0x1  }
0xa: {  	s8 =	simm.s32 $0x1;
	s6 =	sadd.s32 s4, s9;
	s9 =	simm.s32 $0x218  }
.LBB2_1:
0xb: {  	_ =	strace $0x8000004B;
	s13 =	simm.s32 $0x1;
	p0 =	por $0x0, $0x0  }
0xc: {  	[tilespmem:s2], [sflag:$0x3] =	stream.linear.gather [hbm4b:s6+s2], $0x430, $0x200038;
	[tilespmem:$0x8E60] =	vst v63  }
0xd: {  	s13 =	simm.s32 @p0 $0x0  }
0xe: {  	p1 =	por $0x1, $0x1;
	p0 =	sne.s32 s13, $0x0  }
0xf: {  	p1 =	por !p1, !p0  }
0x10: {  	s21 =	sand.u32 $0x1, s2;
	p1 =	por !p1, !p1  }
0x11: {  	s25 =	smul.u32 $0x10C00, s21;
	s14 =	sadd.s32 @p1 s5, s13  }
0x12: {  	s15 =	sand.u32 @p1 $0x1, s8;
	s14 =	smul.u32 @p1 $0x430, s14  }
0x13: {  	p3 =	por $0x1, $0x1;
	_ =	strace $0x9000004B;
	s16 =	smul.u32 @p1 $0x10C0, s15  }
0x14: {  	s17 =	simm.s32 @p1 $0x0;
	_ =	strace @p1 $0x8000004C;
	s14 =	sshrl.u32 @p1 s14, $0x3  }
0x15: {  	s15 =	sadd.s32 @p1 $0x3, s15;
	s16 =	sshrl.u32 @p1 s16, $0x2;
	s14 =	sadd.s32 @p1 s4, s14  }
0x16: {  	[tilespmem:s16], [sflag:s15] =	stream.linear.gather @p1 [hbm4b:s14+s17], $0x430, $0x200038;
	[tilespmem:$0x8E60] =	vst v63  }
0x17: {  	p2 =	por $0x0, $0x0;
	p4 =	por $0x0, $0x0;
	_ =	strace @p1 $0x9000004C  }
0x18: {  	s24 =	sadd.s32 $0x3, s21;
	s19 =	sshrl.u32 s25, $0x2;
	_ =	strace $0x8000004D  }
0x19: {  	s29 =	simm.s32 $0x1;
	s22 =	sadd.s32 $0x860, s19;
	_ =	swait.ge [sflag:s24], $0x430  }
0x1a: {  	s26 =	sadd.s32 $0x29E0, s19;
	s19 =	sadd.s32 $0x1, s13;
	[sflag:s24] =	ssyncset.done $0x0  }
0x1b: {  	p6 =	por p0, p0;
	p5 =	seq.s32 s19, $0xA;
	[sflag:s24] =	ssyncadd.s32 $0xFFFFFBD0  }
0x1c: {  	p0 =	seq.s32 s21, $0x1;
	s19 =	simm.s32 @p5 $0x0;
	_ =	strace $0x9000004D  }
0x1d: {  	s15 =	simm.s32 $0x1;
	s14 =	simm.s32 $0x9;
	_ =	strace $0x8000004E  }
0x1e: {  	s17 =	simm.s32 $0x8;
	s15 =	simm.s32 @!p1 $0x0;
	s18 =	rddreg [dreg:$0x3]  }
0x1f: {  	p1 =	por p3, p3;
	s16 =	sadd.s32 $0x1, s15;
	s18 =	simm.s32 @!p0 $0x0  }
0x20: {  	[tilespmem:s22], [sflag:$0x1] =	stream.indirect.gather [hbm4b:s1+s9], $0x10, s18, s9, $0x2000b8;
	[tilespmem:$0x8E60] =	vst v63  }
0x21: {  	s15 =	sand.u32 @!p3 $0x1, s2;
	p3 =	por $0x0, $0x0;
	s18 =	sadd.s32 $0x218, s18  }
0x22: {  	[tilespmem:s26], [sflag:$0x2] =	stream.indirect.gather [hbm4b:s1+s9], $0x10, s18, s9, $0x2000b8;
	[tilespmem:$0x8E60] =	vst v63  }
0x23: {  	s23 =	sadd.s32 @!p1 $0x5, s15;
	s15 =	simm.s32 $0x1;
	_ =	swait.ge [sflag:s8], $0x2180  }
0x24: {  	p6 =	por p3, p6;
	s15 =	simm.s32 @!p4 $0x0;
	[sflag:s8] =	ssyncset.done $0x0  }
0x25: {  	p4 =	sne.s32 s13, s19;
	p0 =	por $0x1, $0x1;
	[sflag:s8] =	ssyncadd.s32 $0xFFFFDE80  }
0x26: {  	s28 =	simm.s32 @p6 $0x0;
	p5 =	por !p0, !p4;
	_ =	swait.ge [sflag:s10], $0x2180  }
0x27: {  	s15 =	sadd.s32 $0x0, s15;
	p3 =	por !p5, !p5;
	[sflag:s10] =	ssyncset.done $0x0  }
0x28: {  	s18 =	sadd.s32 $0x0, s5;
	s20 =	sadd.s32 @p3 s5, s19;
	[sflag:s10] =	ssyncadd.s32 $0xFFFFDE80  }
0x29: {  	s29 =	simm.s32 @!p3 $0x0;
	s24 =	smul.u32 @p6 $0x8600, s18;
	_ =	strace $0x9000004E  }
0x2a: {  	s26 =	sand.u32 @p3 $0x1, s16;
	s30 =	smul.u32 @p3 $0x430, s20;
	_ =	strace @p6 $0x8000004F  }
0x2b: {  	s18 =	simm.s32 $0x0;
	s20 =	simm.s32 $0x0;
	s31 =	rddreg [dreg:$0x4]  }
.LBB2_2:
0x2c: {  	p0 =	por p4, p4  }
0x2d: {  	s25 =	smov.u32 s13;
	s13 =	simm.s32 @!p0 $0x0  }
0x2e: {  	s3 =	sshrl.u32 @p6 s24, $0x4;
	s13 =	simm.s32 @p0 $0x1  }
0x2f: {  	s21 =	sadd.s32 @p6 $0x5, s21;
	s3 =	sadd.s32 @p6 s31, s3;
	[smem:$0x7FD] =	sst s13  }
0x30: {  	[hbm4b:s3+s28] =	stream.linear.scatter @p6 [tilespmem:s22], [sflag:s21], $0x4300, $0x200038;
	[tilespmem:$0x8E60] =	vst v63  }
0x31: {  	_ =	strace @p6 $0x9000004F  }
0x32: {  	s0 =	smul.u32 @p3 $0x10C0, s26;
	_ =	strace @!p1 $0x80000050  }
0x33: {  	s16 =	sadd.s32 s29, s16;
	s29 =	simm.s32 $0x1;
	_ =	swait.ge @!p1 [sflag:s23], $0x4300  }
0x34: {  	s29 =	simm.s32 @!p6 $0x0;
	[sflag:s23] =	ssyncset.done @!p1 $0x0  }
0x35: {  	s0 =	sshrl.u32 @p3 s0, $0x2;
	s20 =	sadd.s32 s29, s20;
	[sflag:s23] =	ssyncadd.s32 @!p1 $0xFFFFBD00  }
0x36: {  	s13 =	sshrl.u32 @p3 s30, $0x3;
	s21 =	sadd.s32 @p3 $0x3, s26;
	_ =	strace @!p1 $0x90000050  }
0x37: {  	s22 =	simm.s32 @p3 $0x0;
	s30 =	sadd.s32 @p3 s4, s13;
	_ =	strace @p3 $0x8000004C  }
0x38: {  	[tilespmem:s0], [sflag:s21] =	stream.linear.gather @p3 [hbm4b:s30+s22], $0x430, $0x200038;
	[tilespmem:$0x8E60] =	vst v63  }
0x39: {  	s3 =	sand.u32 $0x1, s20;
	_ =	strace @p3 $0x9000004C  }
0x3a: {  	s21 =	sadd.s32 $0x3, s3;
	_ =	strace $0x8000004D  }
0x3b: {  	_ =	swait.ge [sflag:s21], $0x430  }
0x3c: {  	s18 =	sadd.s32 s29, s18;
	[sflag:s21] =	ssyncset.done $0x0  }
0x3d: {  	[sflag:s21] =	ssyncadd.s32 $0xFFFFFBD0;
	s21 =	sand.u32 $0x1, s18  }
0x3e: {  	_ =	strace $0x9000004D;
	s22 =	smul.u32 $0x10C00, s21  }
0x3f: {  	_ =	strace $0x8000004E  }
0x40: {  	p0 =	seq.s32 s3, $0x1;
	s23 =	rddreg [dreg:$0x3];
	s0 =	sshrl.u32 s22, $0x2  }
0x41: {  	s22 =	sadd.s32 $0x860, s0;
	s23 =	simm.s32 @!p0 $0x0  }
0x42: {  	[tilespmem:s22], [sflag:$0x1] =	stream.indirect.gather [hbm4b:s1+s9], $0x10, s23, s9, $0x2000b8;
	[tilespmem:$0x8E60] =	vst v63  }
0x43: {  	s0 =	sadd.s32 $0x29E0, s0;
	s23 =	sadd.s32 $0x218, s23  }
0x44: {  	[tilespmem:s0], [sflag:$0x2] =	stream.indirect.gather [hbm4b:s1+s9], $0x10, s23, s9, $0x2000b8;
	[tilespmem:$0x8E60] =	vst v63  }
0x45: {  	_ =	swait.ge [sflag:s8], $0x2180  }
0x46: {  	s24 =	smov.u32 s14;
	[sflag:s8] =	ssyncset.done $0x0  }
0x47: {  	s14 =	smov.u32 s17;
	s17 =	sadd.s32 $0xFFFFFFFF, s17;
	[sflag:s8] =	ssyncadd.s32 $0xFFFFDE80  }
0x48: {  	p5 =	sne.s32 s17, $0x0;
	p4 =	sne.s32 s24, $0xA;
	_ =	swait.ge [sflag:s10], $0x2180  }
0x49: {  	s13 =	smov.u32 s19;
	s19 =	sadd.s32 $0x1, s19;
	[sflag:s10] =	ssyncset.done $0x0  }
0x4a: {  	s29 =	simm.s32 $0x1;
	p6 =	seq.s32 s19, $0xA;
	[sflag:s10] =	ssyncadd.s32 $0xFFFFDE80  }
0x4b: {  	s28 =	sand.u32 @!p2 $0x1, s15;
	s19 =	simm.s32 @p6 $0x0;
	_ =	strace $0x9000004E  }
0x4c: {  	p1 =	por p2, p2;
	s3 =	simm.s32 $0x1;
	s26 =	sld [smem:$0x7FD]  }
0x4d: {  	p2 =	seq.s32 s14, $0xA;
	p3 =	seq.s32 s24, $0x1;
	s3 =	simm.s32 @!p4 $0x0  }
0x4e: {  	p4 =	sne.s32 s13, s19;
	s15 =	sadd.s32 s3, s15;
	p0 =	sne.s32 s14, $0x1  }
.Ltmp0:
0x4f: {  	p0 =	por !p0, !p4;
	p6 =	seq.s32 s26, $0x1;
	(pc) =	sbr.rel @p5 .LBB2_2-.Ltmp0, $4  }
0x50: {  	s0 =	sadd.s32 s5, s25;
	s23 =	sadd.s32 @!p1 $0x5, s28;
	p6 =	por p3, p6  }
0x51: {  	p3 =	por !p0, !p0;
	_ =	strace @p6 $0x8000004F;
	s28 =	simm.s32 @p6 $0x0  }
0x52: {  	s3 =	sadd.s32 @p3 s5, s19;
	s29 =	simm.s32 @!p3 $0x0;
	s24 =	smul.u32 @p6 $0x8600, s0  }
0x53: {  	s26 =	sand.u32 @p3 $0x1, s16;
	s30 =	smul.u32 @p3 $0x430, s3;
	s31 =	rddreg [dreg:$0x4]  }
0x54: {  	s0 =	sshrl.u32 @p6 s24, $0x4  }
0x55: {  	s3 =	sadd.s32 @p6 $0x5, s21;
	s0 =	sadd.s32 @p6 s31, s0  }
0x56: {  	[hbm4b:s0+s28] =	stream.linear.scatter @p6 [tilespmem:s22], [sflag:s3], $0x4300, $0x200038;
	[tilespmem:$0x8E60] =	vst v63  }
0x57: {  	_ =	strace @p6 $0x9000004F  }
0x58: {  	_ =	strace @!p1 $0x80000050  }
0x59: {  	s16 =	simm.s32 $0x1;
	_ =	swait.ge @!p1 [sflag:s23], $0x4300  }
0x5a: {  	s19 =	sadd.s32 @p3 $0x3, s26;
	s16 =	simm.s32 @!p6 $0x0;
	[sflag:s23] =	ssyncset.done @!p1 $0x0  }
0x5b: {  	s0 =	smul.u32 @p3 $0x10C0, s26;
	s3 =	sshrl.u32 @p3 s30, $0x3;
	[sflag:s23] =	ssyncadd.s32 @!p1 $0xFFFFBD00  }
0x5c: {  	s17 =	sadd.s32 s16, s20;
	s20 =	simm.s32 @p3 $0x0;
	_ =	strace @!p1 $0x90000050  }
0x5d: {  	s3 =	sadd.s32 @p3 s4, s3;
	s0 =	sshrl.u32 @p3 s0, $0x2;
	_ =	strace @p3 $0x8000004C  }
0x5e: {  	[tilespmem:s0], [sflag:s19] =	stream.linear.gather @p3 [hbm4b:s3+s20], $0x430, $0x200038;
	[tilespmem:$0x8E60] =	vst v63  }
0x5f: {  	s28 =	sand.u32 $0x1, s17;
	_ =	strace @p3 $0x9000004C  }
0x60: {  	s29 =	sadd.s32 $0x3, s28;
	_ =	strace $0x8000004D  }
0x61: {  	_ =	swait.ge [sflag:s29], $0x430  }
0x62: {  	s30 =	sadd.s32 s16, s18;
	[sflag:s29] =	ssyncset.done $0x0  }
0x63: {  	s3 =	sand.u32 $0x1, s30;
	[sflag:s29] =	ssyncadd.s32 $0xFFFFFBD0  }
0x64: {  	s31 =	smul.u32 $0x10C00, s3;
	_ =	strace $0x9000004D  }
0x65: {  	_ =	strace $0x8000004E  }
0x66: {  	p0 =	seq.s32 s28, $0x1;
	s16 =	sshrl.u32 s31, $0x2;
	s17 =	rddreg [dreg:$0x3]  }
0x67: {  	s0 =	sadd.s32 $0x860, s16;
	s17 =	simm.s32 @!p0 $0x0  }
0x68: {  	[tilespmem:s0], [sflag:$0x1] =	stream.indirect.gather [hbm4b:s1+s9], $0x10, s17, s9, $0x2000b8;
	[tilespmem:$0x8E60] =	vst v63  }
0x69: {  	s16 =	sadd.s32 $0x29E0, s16;
	s17 =	sadd.s32 $0x218, s17  }
0x6a: {  	[tilespmem:s16], [sflag:$0x2] =	stream.indirect.gather [hbm4b:s1+s9], $0x10, s17, s9, $0x2000b8;
	[tilespmem:$0x8E60] =	vst v63  }
0x6b: {  	_ =	swait.ge [sflag:s8], $0x2180  }
0x6c: {  	[sflag:s8] =	ssyncset.done $0x0  }
0x6d: {  	[sflag:s8] =	ssyncadd.s32 $0xFFFFDE80  }
0x6e: {  	_ =	swait.ge [sflag:s10], $0x2180  }
0x6f: {  	p5 =	por p4, p4;
	p6 =	seq.s32 s14, $0x1;
	[sflag:s10] =	ssyncset.done $0x0  }
0x70: {  	s13 =	sadd.s32 s5, s13;
	p0 =	por p6, p5;
	[sflag:s10] =	ssyncadd.s32 $0xFFFFDE80  }
0x71: {  	s13 =	smul.u32 @p0 $0x8600, s13;
	_ =	strace $0x9000004E  }
0x72: {  	_ =	strace @p0 $0x8000004F  }
0x73: {  	s13 =	sshrl.u32 @p0 s13, $0x4;
	s14 =	rddreg [dreg:$0x4]  }
0x74: {  	s3 =	sadd.s32 @p0 $0x5, s3;
	s16 =	simm.s32 @p0 $0x0;
	s13 =	sadd.s32 @p0 s14, s13  }
0x75: {  	[hbm4b:s13+s16] =	stream.linear.scatter @p0 [tilespmem:s0], [sflag:s3], $0x4300, $0x200038;
	[tilespmem:$0x8E60] =	vst v63  }
0x76: {  	p1 =	por p2, p2;
	s0 =	sand.u32 @!p2 $0x1, s15;
	_ =	strace @p0 $0x9000004F  }
0x77: {  	s0 =	sadd.s32 @!p1 $0x5, s0;
	_ =	strace @!p1 $0x80000050  }
0x78: {  	_ =	swait.ge @!p1 [sflag:s0], $0x4300  }
0x79: {  	[sflag:s0] =	ssyncset.done @!p1 $0x0  }
0x7a: {  	s12 =	sadd.s32 $0x1, s12;
	[sflag:s0] =	ssyncadd.s32 @!p1 $0xFFFFBD00  }
0x7b: {  	p0 =	sne.s32 s12, s7;
	_ =	strace @!p1 $0x90000050  }
.Ltmp1:
0x7c: {  	_ =	strace $0x80000051;
	(pc) =	sbr.rel @p0 .LBB2_1-.Ltmp1, $4  }
0x7d: {  	_ =	swait.ge [sflag:s11], $0x4300  }
0x7e: {  	[sflag:s11] =	ssyncset.done $0x0  }
0x7f: {  	[sflag:s11] =	ssyncadd.s32 $0xFFFFBD00  }
0x80: {  	_ =	strace $0x90000051  }
0x81: {  	_ =	sfence.sel $0x180000  }
0x82: {  	[bflag:$0x0] =	sbarrier.arrive $0xFFFF  }
0x83: {  	_ =	strace $0x9000004A  }
0x84: {  	s0 =	stileid.u32;
	[bflag:$0x2] =	sbarrier.arrive $0xFFFF  }
0x85: {  	p0 =	sne.s32 s0, $0x0;
	s0 =	rddreg [dreg:$0x2]  }
0x86: {  	s0 =	sadd.s32 @!p0 $0x100000, s0  }
0x87: {  	[sflag:s0] =	ssyncadd.tile.s32 @!p0 $0x1;
	_ =	shalt  }
.Lfunc_end2:
_tile_overlayer_lowered:
.L_overlay_start_2:
0x88: {  	(tag) =	ssettag $0x2  }
0x89: {  	s0 =	rddreg [dreg:$0x0];
	s2 =	stileid.u32  }
0x8a: {  	s1 =	rddreg [dreg:$0x1];
	p0 =	sne.s32 s2, $0x0  }
0x8b: {  	s3 =	rddreg [dreg:$0x2];
	[bflag:$0x3] =	sbarrier.arrive $0xFFFF;
	s2 =	simm.s32 @!p0 $0x1C03  }
0x8c: {  	[timem:s3], [sflag:s2] =	dma.local @!p0 [hbm:s0], s1  }
0x8d: {  	s0 =	simm.s32 @!p0 $0x3  }
0x8e: {  	_ =	swait.ge @!p0 [sflag:s0], s1  }
0x8f: {  	s1 =	ssub.s32 @!p0 $0x0, s1;
	[sflag:s0] =	ssyncset.done @!p0 $0x0  }
0x90: {  	[sflag:s0] =	ssyncadd.s32 @!p0 s1  }
0x91: {  	[bflag:$0x3] =	sbarrier.arrive $0xFFFF  }
0x92: {  	_ =	shalt  }

// kernel: scatter_offload_async_start
scs
__scs_entry_jumppad:
0x0: {  	(pc) =	sbr.rel $0x88, $3  }
0x1: {  	(tag) =	ssettag $0x0;
	lr =	simm.s32 $0x1  }
0x2: {  	[smem:$0x3F9E] =	sst lr;
	_ =	strace $0xD0000000  }
0x3: {  	_ = 	snop  }
0x4: {  	_ = 	snop  }
0x5: {  	_ = 	snop  }
0x6: {  	_ = 	snop  }
0x7: {  	_ = 	snop  }
__scs_overlays_trampoline_lowered:
0x8: {  	[smem:$0x3FAD] =	sst s0  }
0x9: {  	[smem:$0x3FAE] =	sst s1  }
0xa: {  	[smem:$0x3FAF] =	sst s2  }
0xb: {  	[smem:$0x3FB0] =	sst s3  }
0xc: {  	[smem:$0x3FB1] =	sst s4  }
0xd: {  	[smem:$0x3FB2] =	sst s5  }
0xe: {  	[smem:$0x3FB3] =	sst s6  }
0xf: {  	[smem:$0x3FB4] =	sst s7  }
0x10: {  	[smem:$0x3FB5] =	sst s8  }
0x11: {  	[smem:$0x3FB6] =	sst s9;
	s0 =	simm.s32 @!p0 $0x0  }
0x12: {  	s1 =	sld [smem:$0x3F9C];
	s0 =	simm.s32 @p0 $0x1  }
0x13: {  	[smem:$0x3FB7] =	sst s0;
	s0 =	simm.s32 @!p1 $0x0  }
0x14: {  	s2 =	sld [smem:$0x3F9B];
	s0 =	simm.s32 @p1 $0x1  }
0x15: {  	[smem:$0x3FB8] =	sst s0;
	s0 =	simm.s32 @!p2 $0x0  }
0x16: {  	s3 =	sld [smem:$0x3FDB];
	s0 =	simm.s32 @p2 $0x1  }
0x17: {  	s4 =	simm.s32 $0x1BF5;
	[smem:$0x3FBA] =	sst s0  }
0x18: {  	s0 =	sld [smem:$0x3F9D];
	_ =	swait.ge [sflag:s4], $0x0  }
0x19: {  	s7 =	sld [smem:$0x3F9E]  }
0x1a: {  	s8 =	sadd.s32 $0xFFFFE003, lr  }
0x1b: {  	s9 =	sadd.s32 $0xFFFFFEF7, lr;
	s5 =	simm.s32 $0xFFFFFFFF;
	p2 =	slt.u32 s8, $0xFFFFF086  }
0x1c: {  	p1 =	slt.u32 s9, $0xF7A;
	s5 =	simm.s32 @!p2 $0x0  }
0x1d: {  	s5 =	simm.s32 @p1 $0x1;
	p0 =	seq.s32 s7, s2  }
0x1e: {  	s7 =	smul.u32 @!p0 $0xF7A, s2;
	p2 =	seq.s32 @!p0 s5, $0x0  }
0x1f: {  	s9 =	smul.u32 $0xF7A, s1;
	s8 =	simm.s32 @!p0 $0x1BF5;
	p2 =	por !p2, p0  }
0x20: {  	[sflag:s8] =	ssyncset.s32 @!p0 $0xFFFFF086;
	s6 =	sadd.s32 @!p0 s3, s7;
	s7 =	simm.s32 @!p0 $0x108  }
0x21: {  	s3 =	sadd.s32 s3, s9;
	s6 =	sadd.s32 @!p0 $0x88, s6;
	s7 =	simm.s32 @p2 $0x1082  }
0x22: {  	[simem:s7], [sflag:s8] =	dma.local @!p0 [hbm:s6], $0xF7A  }
0x23: {  	s9 =	sor.u32 $0xD0000000, s2;
	s6 =	simm.s32 $0x108;
	_ =	swait.ge @!p0 [sflag:s8], $0x0  }
0x24: {  	s3 =	sadd.s32 $0x88, s3;
	s6 =	simm.s32 @!p1 $0x1082;
	[sflag:s4] =	ssyncset.s32 $0xFFFFF086  }
0x25: {  	[simem:s6], [sflag:s4] =	dma.local [hbm:s3], $0xF7A  }
0x26: {  	[smem:$0x3F9E] =	sst s1;
	(tag) =	ssettag s2;
	_ =	strace s9  }
0x27: {  	s1 =	sld [smem:$0x3FAE]  }
0x28: {  	s2 =	sld [smem:$0x3FAF]  }
0x29: {  	s4 =	sld [smem:$0x3FB1]  }
0x2a: {  	p0 =	seq.s32 s5, $0x0;
	s5 =	sld [smem:$0x3FB2]  }
0x2b: {  	s6 =	sld [smem:$0x3FB3]  }
0x2c: {  	s7 =	sld [smem:$0x3FB4]  }
0x2d: {  	s3 =	simm.s32 $0x108;
	s8 =	sld [smem:$0x3FB5]  }
0x2e: {  	s3 =	simm.s32 @!p0 $0x1082;
	s9 =	sld [smem:$0x3FB6]  }
0x2f: {  	lr =	sadd.s32 s0, s3;
	s0 =	sld [smem:$0x3FAD]  }
0x30: {  	s3 =	sld [smem:$0x3FB0]  }
0x31: {  	[smem:$0x3FB9] =	sst s10  }
0x32: {  	s10 =	sld [smem:$0x3FB7];
	_ =	sdelay $0x3  }
0x33: {  	p0 =	seq.s32 s10, $0x1;
	s10 =	sld [smem:$0x3FB9];
	_ =	sdelay $0x3  }
0x34: {  	[smem:$0x3FB9] =	sst s10  }
0x35: {  	s10 =	sld [smem:$0x3FB8];
	_ =	sdelay $0x3  }
0x36: {  	p1 =	seq.s32 s10, $0x1;
	s10 =	sld [smem:$0x3FB9];
	_ =	sdelay $0x3  }
0x37: {  	[smem:$0x3FB9] =	sst s10  }
0x38: {  	s10 =	sld [smem:$0x3FBA]  }
0x39: {  	_ = 	snop;
	(pc) =	sbr.ind lr, $3  }
0x3a: {  	_ = 	snop  }
0x3b: {  	_ = 	snop  }
0x3c: {  	p2 =	seq.s32 s10, $0x1;
	s10 =	sld [smem:$0x3FB9]  }
0x3d: {  	_ =	shalt  }
0x3e: {  	_ =	shalt  }
0x3f: {  	_ =	shalt  }
0x40: {  	_ =	shalt  }
0x41: {  	_ =	shalt  }
0x42: {  	_ =	shalt  }
0x43: {  	_ =	shalt  }
0x44: {  	_ =	shalt  }
0x45: {  	_ =	shalt  }
0x46: {  	_ =	shalt  }
0x47: {  	_ =	shalt  }
0x48: {  	_ =	shalt  }
0x49: {  	_ =	shalt  }
0x4a: {  	_ =	shalt  }
0x4b: {  	_ =	shalt  }
0x4c: {  	_ =	shalt  }
0x4d: {  	_ =	shalt  }
0x4e: {  	_ =	shalt  }
0x4f: {  	_ =	shalt  }
0x50: {  	_ =	shalt  }
0x51: {  	_ =	shalt  }
0x52: {  	_ =	shalt  }
0x53: {  	_ =	shalt  }
0x54: {  	_ =	shalt  }
0x55: {  	_ =	shalt  }
0x56: {  	_ =	shalt  }
0x57: {  	_ =	shalt  }
0x58: {  	_ =	shalt  }
0x59: {  	_ =	shalt  }
0x5a: {  	_ =	shalt  }
0x5b: {  	_ =	shalt  }
0x5c: {  	_ =	shalt  }
0x5d: {  	_ =	shalt  }
0x5e: {  	_ =	shalt  }
0x5f: {  	_ =	shalt  }
0x60: {  	_ =	shalt  }
0x61: {  	_ =	shalt  }
0x62: {  	_ =	shalt  }
0x63: {  	_ =	shalt  }
0x64: {  	_ =	shalt  }
0x65: {  	_ =	shalt  }
0x66: {  	_ =	shalt  }
0x67: {  	_ =	shalt  }
0x68: {  	_ =	shalt  }
0x69: {  	_ =	shalt  }
0x6a: {  	_ =	shalt  }
0x6b: {  	_ =	shalt  }
0x6c: {  	_ =	shalt  }
0x6d: {  	_ =	shalt  }
0x6e: {  	_ =	shalt  }
0x6f: {  	_ =	shalt  }
0x70: {  	_ =	shalt  }
0x71: {  	_ =	shalt  }
0x72: {  	_ =	shalt  }
0x73: {  	_ =	shalt  }
0x74: {  	_ =	shalt  }
0x75: {  	_ =	shalt  }
0x76: {  	_ =	shalt  }
0x77: {  	_ =	shalt  }
0x78: {  	_ =	shalt  }
0x79: {  	_ =	shalt  }
0x7a: {  	_ =	shalt  }
0x7b: {  	_ =	shalt  }
0x7c: {  	_ =	shalt  }
0x7d: {  	_ =	shalt  }
0x7e: {  	_ =	shalt  }
0x7f: {  	_ =	shalt  }
0x80: {  	_ =	shalt  }
0x81: {  	_ =	shalt  }
0x82: {  	_ =	shalt  }
0x83: {  	_ =	shalt  }
0x84: {  	_ =	shalt  }
0x85: {  	_ =	shalt  }
0x86: {  	_ =	shalt  }
0x87: {  	_ =	shalt  }
.Lfunc_end0:
.L_simem_size_0:
called_computation_lowered:
.L_overlay_start_0:
0x88: {  	s0 =	sld [smem:$0x3FD9]  }
0x89: {  	s1 =	sld [smem:$0x3FFE];
	_ =	sdelay $0x3  }
0x8a: {  	s0 =	sadd.s32 s1, s0  }
0x8b: {  	[smem:$0x3FC5] =	sst s0  }
0x8c: {  	_ = 	snop  }
0x8d: {  	(tm) =	ssettm $0x1  }
0x8e: {  	s15 =	sld [smem:$0x3FFB];
	_ =	sdelay $0x3  }
0x8f: {  	_ =	strace s15  }
0x90: {  	s0 =	sld [smem:$0x3FFC];
	_ =	sdelay $0x3  }
0x91: {  	_ =	strace s0  }
0x92: {  	s0 =	sld [smem:$0x3FFD];
	_ =	sdelay $0x3  }
0x93: {  	_ =	strace s0  }
0x94: {  	_ =	strace $0x8FFFFFFF  }
0x95: {  	s16 =	sld [smem:$0x3FDB];
	_ =	sdelay $0x1  }
0x96: {  	s17 =	simm.s32 $_scs_section_size  }
0x97: {  	s2 =	simm.s32 $_size__tile_overlayer_lowered;
	s3 =	simm.s32 $_tile_overlayer_lowered  }
0x98: {  	s20 =	simm.s32 $0x1BFF;
	s19 =	sshll.u32 s3, $0x1;
	s0 =	sadd.s32 s17, s16  }
0x99: {  	s4 =	simm.s32 $0x0;
	s18 =	sshll.u32 s2, $0x1;
	s2 =	sadd.s32 s19, s0  }
0x9a: {  	[timem:s4], [sflag:s20] =	dma.local [hbm:s2], s18  }
0x9b: {  	_ =	swait.ge [sflag:s20], s18  }
0x9c: {  	s1 =	ssub.s32 $0x0, s18;
	[sflag:s20] =	ssyncset.done $0x0  }
0x9d: {  	[sflag:s20] =	ssyncadd.s32 s1;
	_ =	sdelay $0x1  }
0x9e: {  	s21 =	simm.s32 $0x1B8B  }
0x9f: {  	_ =	swait.ge [sflag:s21], $0x1  }
0xa0: {  	[sflag:s21] =	ssyncset.done $0x0  }
0xa1: {  	s23 =	simm.s32 $0x1B8E;
	s22 =	sld [smem:$0x3FFE];
	[sflag:s21] =	ssyncadd.s32 $0xFFFFFFFF  }
0xa2: {  	s24 =	simm.s32 $execute0_lowered;
	[smem:$0x3FD2] =	sst s23  }
0xa3: {  	s2 =	sshll.u32 s24, $0x1;
	_ =	strace $0x80000046;
	[dreg:$0x1] =	wrdreg $0xFFFFFFFF  }
0xa4: {  	s25 =	simm.s32 $_size_execute0_lowered;
	s0 =	sadd.s32 s0, s2;
	[dreg:$0x0] =	wrdreg $0x0  }
0xa5: {  	s2 =	sshll.u32 s25, $0x1;
	[dreg:$0x2] =	wrdreg s0  }
0xa6: {  	[dreg:$0x3] =	wrdreg s2  }
0xa7: {  	[dreg:$0x4] =	wrdreg $0xC0  }
0xa8: {  	_ =	task [dreg:s4], $0x5FFFF  }
0xa9: {  	[dreg:$0x1] =	wrdreg $0xFFFFFFFF  }
0xaa: {  	[dreg:$0x0] =	wrdreg $0x60  }
0xab: {  	[dreg:$0x2] =	wrdreg s22  }
0xac: {  	[dreg:$0x3] =	wrdreg $0x9  }
0xad: {  	_ =	task.clear_ibuf [dreg:s4], $0x4FFFF;
	_ =	strace $0x90000046  }
0xae: {  	s26 =	simm.s32 $0x9;
	_ =	strace $0x80000048  }
0xaf: {  	_ =	swait.ge [sflag:s26], $0x1  }
0xb0: {  	[sflag:s26] =	ssyncadd.s32 $0xFFFFFFFF  }
0xb1: {  	_ =	strace $0x90000048  }
0xb2: {  	_ =	sfence  }
0xb3: {  	s28 =	sld [smem:$0x0];
	_ =	sdelay $0x1  }
0xb4: {  	s29 =	srdreg.scid  }
0xb5: {  	s30 =	sshll.u32 s29, $0xD;
	s31 =	sshrl.u32 s29, $0x2  }
0xb6: {  	s1 =	sand.u32 $0x1, s29;
	s2 =	sand.u32 $0x4000, s30;
	s0 =	sadd.s32 s31, s28  }
0xb7: {  	s1 =	sor.u32 s2, s1;
	s0 =	sshll.u32 s0, $0x11  }
0xb8: {  	s0 =	sor.u32 s0, s1  }
0xb9: {  	s0 =	sadd.s32 $0x8F2B, s0  }
0xba: {  	[sflag:s0] =	ssyncadd.remote.s32 $0x1  }
0xbb: {  	_ =	sfence.sel $0xFFFF  }
0xbc: {  	[dreg:$0x0] =	wrdreg $0xFFFFFFFF;
	(pc) =	sbr.abs _section_cstart, $3  }
0xbd: {  	[dreg:$0x1] =	wrdreg $0xFFFFFFFF  }
0xbe: {  	_ =	task.clear_ibuf [dreg:s4], $0x2FFFF;
	_ =	strace $0x9FFFFFFF  }
0xbf: {  	(tm) =	ssettm $0x7FFFFFFF  }
tec
execute0_lowered:
.L_overlay_start_1:
0x0: {  	(tag) =	ssettag $0x1  }
0x1: {  	s0 =	rddreg [dreg:$0x0];
	s11 =	stileid.u32  }
0x2: {  	_ =	strace $0x80000047;
	s2 =	simm.s32 $0x1;
	s1 =	smin.u32 s11, $0x9  }
0x3: {  	v1 =	vimm.s32 $0xFFFFFFFF;
	[sflag:s2] =	ssyncpa.u1 $0x0;
	s1 =	sadd.s32 s11, s1  }
0x4: {  	p0 =	slt.u32 s11, $0x9;
	[tilespmem:$0x10] =	vst v1;
	s3 =	smul.u32 $0x7D0, s1;
	s1 =	simm.s32 $0xFA0  }
0x5: {  	v0 =	vimm.s32 $0x7FFFFFFF;
	[tilespmem:$0x20] =	vst v1;
	s1 =	simm.s32 @!p0 $0x7D0  }
0x6: {  	[tilespmem:$0x30] =	vst v0;
	s1 =	sadd.s32 s1, s3  }
0x7: {  	[tilespmem:$0x40] =	vst v0;
	s4 =	smin.u32 s1, $0xC350  }
0x8: {  	[tilespmem:$0x50] =	vst v0;
	s6 =	ssub.s32 s4, s3  }
0x9: {  	s7 =	simm.s32 $0x2;
	[tilespmem:$0x60] =	vst v1;
	p0 =	sgt.s32 s6, $0x0  }
0xa: {  	s8 =	simm.s32 $0x8;
	s29 =	simm.s32 $0x9;
	[tilespmem:$0x70] =	vst v1;
	s6 =	simm.s32 @!p0 $0x0  }
0xb: {  	s16 =	simm.s32 $0x0;
	s17 =	simm.s32 $0xF0;
	[tilespmem:$0x80] =	vst v1;
	s28 =	sand.u32 $0xFFF0, s6  }
0xc: {  	s18 =	simm.s32 $0xFFFFFFFF;
	s19 =	simm.s32 $0xFFFFF160;
	v1 =	vimm.s32 $0x0;
	[tilespmem:$0xB0] =	vst v0;
	s1 =	sshrl.u32 s28, $0x4  }
0xd: {  	s20 =	simm.s32 $0xFFFFFFFE;
	s21 =	simm.s32 $0xF;
	[tilespmem:$0x90] =	vst v1;
	s5 =	smul.u32 $0x1063, s1  }
0xe: {  	s25 =	simm.s32 $0x0;
	[tilespmem:$0xA0] =	vst v1;
	[sflag:s7] =	ssyncpa.u1 $0x0;
	s7 =	simm.s32 $0x7  }
0xf: {  	s24 =	simm.s32 $0x0;
	[sflag:s7] =	ssyncpa.u1 $0x0;
	s9 =	sshrl.u32 s5, $0x13  }
0x10: {  	s14 =	sshllo.u32 s11, $0x1;
	[sflag:s8] =	ssyncpa.u1 $0x0;
	s10 =	smul.u32 $0x7D0, s9  }
0x11: {  	s23 =	smov.u32 s3;
	[sflag:s29] =	ssyncpa.u1 $0x0;
	s1 =	sadd.s32 $0x5000, s0  }
.Ltmp0:
0x12: {  	s5 =	sadd.s32 $0x1C00, s0;
	p0 =	sne.s32 s6, s10;
	(pc) =	sbr.rel .LBB2_1-.Ltmp0, $4  }
0x13: {  	s0 =	sadd.s32 $0x3600, s0;
	s10 =	sshll.u32 s11, $0x1;
	s2 =	simm.s32 @!p0 $0x0  }
0x14: {  	[dreg:$0x2] =	wrdreg s0;
	s31 =	sor.u32 $0x81, s10;
	s9 =	sadd.s32 s9, s2  }
0x15: {  	vm0 =	vmmov $0xffff;
	v2 =	vlaneseq.u32;
	s15 =	sor.u32 $0x80, s10;
	[dreg:$0x4] =	wrdreg s31;
	s30 =	sadd.s32 $0x1, s9  }
0x16: {  	vm1 =	vmxor vm1, vm1;
	vm2 =	vmmov $0x1;
	vm3 =	vcmask $0x3F3C;
	p0 =	por $0x0, $0x0;
	s12 =	sadd.s32 $0x2, s9;
	[dreg:$0x3] =	wrdreg s30  }
.LBB2_9:
0x17: {  	p1 =	slt.u32 s24, $0x3  }
0x18: {  	s0 =	simm.s32 @!p1 $0x2  }
0x19: {  	_ =	swait.ge @!p1 [sflag:s0], $0x7D0  }
0x1a: {  	[sflag:s0] =	ssyncset.done @!p1 $0x0  }
0x1b: {  	[sflag:s0] =	ssyncadd.s32 @!p1 $0xFFFFF830;
	s0 =	simm.s32 @!p1 $0x9  }
0x1c: {  	_ =	swait.ge @!p1 [sflag:s0], $0x10  }
0x1d: {  	[sflag:s0] =	ssyncset.done @!p1 $0x0  }
0x1e: {  	[sflag:s0] =	ssyncadd.s32 @!p1 $0xFFFFFFF0;
	p1 =	sne.s32 s24, s12  }
.Ltmp1:
0x1f: {  	s2 =	sadd.s32 $0x7D0, s23;
	(pc) =	sbr.rel @!p1 .LBB2_10-.Ltmp1, $4  }
0x20: {  	s6 =	smov.u32 s3;
	s31 =	sadd.s32 $0x1, s24;
	s17 =	sadd.s32 $0x7D0, s17  }
0x21: {  	s18 =	sadd.s32 $0x1, s18;
	s25 =	smov.u32 s23;
	p2 =	slt.s32 s2, s4  }
0x22: {  	p0 =	por !p0, !p0;
	s19 =	sadd.s32 $0x7D0, s19;
	s6 =	smov.u32 @p2 s2  }
0x23: {  	s20 =	sadd.s32 $0x1, s20;
	s23 =	smov.u32 s6;
	s24 =	smov.u32 s31  }
.LBB2_1:
0x24: {  	p1 =	sge.u32 s24, s9  }
0x25: {  	s0 =	smulhi.u32 @!p1 $0xAAAAAAAB, s24;
	_ =	sdelay $0x1  }
0x26: {  	s0 =	sshrl.u32 @!p1 s0, $0x1  }
0x27: {  	s0 =	smul.u32 @!p1 $0x3, s0;
	_ =	sdelay $0x1  }
0x28: {  	s0 =	ssub.s32 @!p1 s24, s0  }
0x29: {  	s0 =	smul.u32 @!p1 $0x1F40, s0;
	_ =	sdelay $0x1  }
0x2a: {  	s2 =	sshrl.u32 @!p1 s23, $0x3;
	s0 =	sshrl.u32 @!p1 s0, $0x2  }
0x2b: {  	s6 =	sand.u32 @!p1 $0x7, s23;
	s2 =	sadd.s32 @!p1 s5, s2;
	s0 =	sadd.s32 @!p1 $0x100, s0  }
0x2c: {  	[tilespmem:s0], [sflag:$0x7] =	stream.linear.gather @!p1 [hbm4b:s2+s6], $0x7D0, $0x38;
	[tilespmem:$0x4770] =	vst v63  }
0x2d: {  	s0 =	sadd.s32 $0xFFFFFFFF, s24  }
0x2e: {  	p1 =	sge.u32 s0, s9  }
.Ltmp2:
0x2f: {  	_ = 	snop;
	(pc) =	sbr.rel @p1 .LBB2_5-.Ltmp2, $1  }
0x30: {  	_ =	sdelay $0x3  }
0x31: {  	s2 =	smulhi.u32 $0xAAAAAAAB, s0;
	_ =	sdelay $0x1  }
0x32: {  	s2 =	sshrl.u32 s2, $0x1  }
0x33: {  	s2 =	smul.u32 $0x3, s2;
	_ =	sdelay $0x1  }
0x34: {  	s2 =	ssub.s32 s0, s2  }
0x35: {  	s2 =	smul.u32 $0x1F40, s2  }
0x36: {  	_ =	swait.ge [sflag:s7], $0x7D0  }
0x37: {  	[sflag:s7] =	ssyncset.done $0x0;
	s2 =	sshrl.u32 s2, $0x2  }
0x38: {  	[sflag:s7] =	ssyncadd.s32 $0xFFFFF830;
	(ifvalue) =	ssetifvalue $0xFFFFFFFF;
	v3 =	vld.msk [tilespmem:s2+$0x100 ss:$0x1], $0xffff;
	_ =	sdelay $0x2  }
0x39: {  	s30 =	smulhi.u32 $0xAAAAAAAB, s18;
	p1 =	sne.s32 s24, $0x1  }
0x3a: {  	v4 =	vimm.s32 @!p1 $0x0  }
0x3b: {  	s2 =	sshrl.u32 s30, $0x1;
	v4 =	vperm.xlane @!p1 v3, v4  }
0x3c: {  	s6 =	sshll.u32 s24, $0x4;
	s2 =	smul.u32 $0xFFFFA240, s2;
	vm4 =	vlt.u32 v3, $0x53C00  }
0x3d: {  	s6 =	sand.u32 $0x10, s6;
	v3 =	vnsel vm4, $0xFFFFFFFE, v3;
	vm4 =	vlt.u32 @!p1 v4, $0x53C00  }
0x3e: {  	s2 =	sshra.s32 s2, $0x2;
	[tilespmem:s6+$0x60] =	vst v3;
	v3 =	vnsel @!p1 vm4, $0xFFFFFFFE, v4  }
0x3f: {  	s26 =	sadd.s32 s2, s17;
	[tilespmem:$0x80] =	vst @!p1 v3  }
0x40: {  	v3 =	vld.msk [tilespmem:s26+$0x0 ss:$0x1], $0xffff;
	_ =	sdelay $0x4  }
0x41: {  	(xrf1) =	vunique.msk.u32 $0xffff, v3;
	_ =	sdelay $0xd  }
0x42: {  	v4 =	vimm.s32 $0xFFFFFFFF;
	v5, _, _ =	vpop (xrf1)  }
0x43: {  	vm5 =	vne.s32 v3, v4;
	vm4 =	veq.s32 v5, v2  }
0x44: {  	vm6 =	vlt.u32 v3, $0x53C00;
	vm4 =	vmand vm5, vm4  }
0x45: {  	vm4 =	vmand vm6, vm4  }
0x46: {  	v4 =	vnsel vm4, $0xFFFFFFFF, v3  }
0x47: {  	s31 =	sand.u32 $0x1, s0  }
0x48: {  	s0 =	simm.s32 $0x7D0;
	p1 =	seq.s32 s31, $0x1  }
0x49: {  	s0 =	simm.s32 @!p1 $0x0  }
0x4a: {  	s2 =	sadd.s32 $0x2030, s0;
	(ifvalue) =	ssetifvalue $0xFFFFFFFF  }
0x4b: {  	v3 =	vperm.xlane v3, v1;
	[tilespmem:s2], [sflag:$0x8] =	stream.indirect_vreg.gather [hbm4b:s1+s16], $0x1, v4, vm0, $0x4038;
	v4 =	vnsel vm6, $0xFFFFFFFE, v4;
	[tilespmem:$0x4770] =	vst v63  }
0x4c: {  	s22 =	sadd.s32 $0xFFFFFFF0, s26;
	s6 =	simm.s32 $0x0;
	[tilespmem:s26+$0x0] =	vst v4  }
.LBB2_3:
0x4d: {  	v4 =	vld.msk [tilespmem:s22+$0x0 ss:$0x1], $0xffff;
	s6 =	sadd.s32 $0x10, s6;
	v5 =	vmov v3;
	s26 =	smov.u32 s22  }
0x4e: {  	p1 =	slt.u32 s6, $0x7C0;
	_ =	sdelay $0x4  }
0x4f: {  	v3 =	vperm.xlane v4, v1;
	(xrf1) =	vunique.msk.u32 $0xffff, v4;
	_ =	sdelay $0xd  }
0x50: {  	v6, _, _ =	vpop (xrf1)  }
0x51: {  	vm5 =	vne.s32 v4, v5;
	vm4 =	veq.s32 v6, v2  }
0x52: {  	vm6 =	vlt.u32 v4, $0x53C00;
	vm4 =	vmand vm5, vm4  }
0x53: {  	vm4 =	vmand vm6, vm4  }
0x54: {  	v4 =	vnsel vm4, $0xFFFFFFFF, v4  }
.Ltmp3:
0x55: {  	v5 =	vnsel vm6, $0xFFFFFFFE, v4;
	(pc) =	sbr.rel @p1 .LBB2_3-.Ltmp3, $3  }
0x56: {  	_ =	sdelay $0x1  }
0x57: {  	s22 =	sadd.s32 $0xFFFFFFF0, s22;
	s2 =	sadd.s32 $0xFFFFFFF0, s2;
	(ifvalue) =	ssetifvalue $0xFFFFFFFF  }
0x58: {  	[tilespmem:s2], [sflag:$0x8] =	stream.indirect_vreg.gather [hbm4b:s1+s16], $0x1, v4, vm0, $0x4038;
	[tilespmem:s26+$0x0] =	vst v5  }
0x59: {  	s2 =	sshrl.u32 s25, $0x3;
	s6 =	rddreg [dreg:$0x2]  }
0x5a: {  	s0 =	sadd.s32 $0x2810, s0;
	s2 =	sadd.s32 s6, s2  }
0x5b: {  	[tilespmem:s0], [sflag:$0x8] =	stream.linear.gather [hbm:s2], $0x7D0, $0x38;
	[tilespmem:$0x4770] =	vst v63  }
.LBB2_5:
0x5c: {  	p1 =	slt.u32 s24, $0x2  }
0x5d: {  	p2 =	sge.u32 @!p1 s24, s12  }
0x5e: {  	p1 =	por p1, p2  }
.Ltmp4:
0x5f: {  	_ = 	snop;
	(pc) =	sbr.rel @p1 .LBB2_9-.Ltmp4, $1  }
0x60: {  	_ =	sdelay $0x3  }
0x61: {  	s0 =	sadd.s32 $0xFFFFFFFE, s24  }
0x62: {  	s2 =	smulhi.u32 $0xAAAAAAAB, s0;
	_ =	sdelay $0x1  }
0x63: {  	s2 =	sshrl.u32 s2, $0x1  }
0x64: {  	s2 =	smul.u32 $0x3, s2;
	_ =	sdelay $0x1  }
0x65: {  	_ =	swait.ge [sflag:s8], $0xFA0;
	s0 =	ssub.s32 s0, s2  }
0x66: {  	s6 =	rddreg [dreg:$0x3];
	s0 =	smul.u32 $0x7D0, s0  }
0x67: {  	[sflag:s8] =	ssyncset.done $0x0;
	p1 =	sne.s32 s24, s6  }
0x68: {  	[sflag:s8] =	ssyncadd.s32 $0xFFFFF060;
	s6 =	rddreg [dreg:$0x4];
	s2 =	sadd.s32 @!p1 $0x8CF, s0  }
0x69: {  	[spmem:s6] =	stream.linear.scatter @!p1 [tilespmem:s2], [sflag:$0x1], $0x1, $0x38;
	[tilespmem:$0x4770] =	vst v63  }
0x6a: {  	s2 =	simm.s32 @!p1 $0x1  }
0x6b: {  	_ =	swait.ge @!p1 [sflag:s2], $0x1  }
0x6c: {  	s11 =	sshll.u32 s24, $0x4;
	[sflag:s2] =	ssyncset.done @!p1 $0x0  }
0x6d: {  	s25 =	sand.u32 $0x10, s11;
	[sflag:s2] =	ssyncadd.s32 @!p1 $0xFFFFFFFF  }
0x6e: {  	s2 =	sxor.u32 $0x10, s25;
	v4 =	vld [tilespmem:s25+$0x10]  }
0x6f: {  	v5 =	vld [tilespmem:s2+$0x60]  }
0x70: {  	v3 =	vld [tilespmem:$0x80];
	_ =	sdelay $0x2  }
0x71: {  	(v2sf) =	vpush v4, $0x0  }
0x72: {  	(v2sf) =	vpush v5, $0x0  }
0x73: {  	(v2sf) =	vpush v3, $0x0;
	_ =	sdelay $0xc  }
0x74: {  	s13 =	spop (v2sf)  }
0x75: {  	s22 =	spop (v2sf)  }
0x76: {  	s26 =	spop (v2sf)  }
0x77: {  	p2 =	seq.s32 s13, s22;
	p3 =	seq.s32 s26, s13  }
0x78: {  	p3 =	por p2, p3  }
0x79: {  	s22 =	sand.u32 $0x1, s24;
	v4 =	vpsel p3, $0xFFFFFFFF, v4  }
0x7a: {  	s28 =	smul.u32 $0x7D0, s22;
	[tilespmem:s25+$0x10] =	vst.msk $0x1, v4  }
0x7b: {  	v4 =	vld [tilespmem:$0x30]  }
0x7c: {  	v5 =	vld [tilespmem:s28+$0x2810]  }
0x7d: {  	v6 =	vld [tilespmem:s25+$0x40];
	_ =	sdelay $0x3  }
0x7e: {  	vm4 =	vmmov vm1;
	vm6 =	vmmov vm2;
	vm5 =	vlt.s32 v4, v5  }
0x7f: {  	vm4 =	vmmov @p2 vm2;
	v5 =	vsel vm5, v4, v5;
	vm5 =	vlt.s32 v4, v6  }
0x80: {  	s6 =	sshll.u32 s22, $0x4;
	vm6 =	vmmov @p3 vm1;
	v4 =	vsel vm5, v4, v6;
	[tilespmem:s28+$0x2810] =	vst.msk vm4, v5  }
0x81: {  	[tilespmem:s6+$0x4750] =	vst.msk vm6, v4  }
0x82: {  	v4 =	vld [tilespmem:s28+$0x2030];
	_ =	sdelay $0x4  }
0x83: {  	v4 =	vshift.insert v4, v1, s21  }
0x84: {  	s11 =	sor.u32 $0x40, s2  }
0x85: {  	v5 =	vimm.s32 $0x7FFFFFFF;
	[tilespmem:s11+$0x0] =	vst.msk $0x1, v4  }
0x86: {  	[tilespmem:s28+$0x203F] =	vst.msk $0x1, v5  }
0x87: {  	v4 =	vld [tilespmem:s0+$0x8C0];
	_ =	sdelay $0x1  }
0x88: {  	s0 =	simm.s32 $0x1  }
0x89: {  	s13 =	smulhi.u32 $0xAAAAAAAB, s20;
	s0 =	simm.s32 @!p0 $0x0  }
0x8a: {  	s0 =	smul.u32 $0x1F40, s0  }
0x8b: {  	s22 =	sshrl.u32 s13, $0x1;
	v4 =	vshift.insert v4, v1, s21  }
0x8c: {  	s22 =	smul.u32 $0xFFFFA240, s22;
	s0 =	sshrl.u32 s0, $0x2  }
0x8d: {  	s11 =	sadd.s32 $0x2810, s0;
	[tilespmem:s2+$0x10] =	vst.msk $0x1, v4  }
0x8e: {  	s22 =	sshra.s32 s22, $0x2;
	v6 =	vld [tilespmem:s11+$0x0]  }
0x8f: {  	s2 =	sadd.s32 s22, s19  }
0x90: {  	v7 =	vld [tilespmem:s2+$0x0];
	_ =	sdelay $0x2  }
0x91: {  	vm4 =	vlt.s32 v6, v5  }
0x92: {  	v5 =	vsel vm4, v6, v5  }
0x93: {  	vm4 =	vne.s32 v7, $0xFFFFFFFF;
	v5 =	vxor.u32 $0x80000000, v5  }
0x94: {  	(xrf0) =	vmin.seg.scan.u32 vm4, v5  }
0x95: {  	s13 =	sadd.s32 $0x1870, s0  }
0x96: {  	v8 =	vld [tilespmem:s13+$0x0]  }
0x97: {  	v6 =	vld [tilespmem:$0xA0];
	_ =	sdelay $0x2  }
0x98: {  	v5 =	vperm.xlane v4, v1;
	v9, _, _ =	vpop (xrf0)  }
0x99: {  	vm6 =	veq.s32 v7, v3;
	v9 =	vxor.u32 $0x80000000, v9  }
0x9a: {  	vm8 =	veq.s32 v7, v5;
	vm5 =	veq.s32 v6, $0x1;
	vm7 =	vlt.s32 v9, v8  }
0x9b: {  	vm8 =	vmor vm8, vm6;
	v6 =	vsel vm7, v9, v8;
	vm7 =	vgt.u32 v7, $0xFFFFFFFD  }
0x9c: {  	v10 =	vld [tilespmem:$0x90];
	vm9 =	vmand vm4, vm3;
	vm4 =	vmor vm5, vm6;
	vm5 =	vmor vm8, vm7  }
0x9d: {  	v8 =	vsel vm5, $0xFFFFFFFF, v7;
	_ =	sdelay $0x1  }
0x9e: {  	s31 =	simm.s32 $0x0;
	s29 =	sadd.s32 $0x4750, s6  }
0x9f: {  	s30 =	sadd.s32 $0x37B0, s0;
	s0 =	sadd.s32 $0x10, s11;
	s6 =	sadd.s32 $0x10, s13;
	v11 =	vsel vm9, $0x7FFFFFFF, v9;
	v6 =	vsel vm6, v9, v6  }
0xa0: {  	s22 =	sadd.s32 $0x10, s30;
	s2 =	sadd.s32 $0x10, s2;
	[tilespmem:s30+$0x0] =	vst v6;
	v6 =	vsel vm6, v9, v10;
	v7 =	vshift.insert v11, v0, s21;
	(ifvalue) =	ssetifvalue $0xFFFFFFFF  }
.LBB2_7:
0xa1: {  	[hbm4b:s1+s16] =	stream.indirect_vreg.scatter [tilespmem:s30], [sflag:$0x2], $0x1, v8, vm0, $0x4038;
	[tilespmem:$0x4770] =	vst v63  }
0xa2: {  	s31 =	sadd.s32 $0x10, s31;
	s30 =	smov.u32 s22;
	v8 =	vld [tilespmem:s0+$0x0]  }
0xa3: {  	p2 =	slt.u32 s31, $0x7C0  }
0xa4: {  	v9 =	vld [tilespmem:s2+$0x0];
	_ =	sdelay $0x2  }
0xa5: {  	vm5 =	vlt.s32 v8, v7  }
0xa6: {  	v7 =	vsel vm5, v8, v7  }
0xa7: {  	vm5 =	vne.s32 v9, $0xFFFFFFFF;
	v7 =	vxor.u32 $0x80000000, v7  }
0xa8: {  	(xrf0) =	vmin.seg.scan.u32 vm5, v7;
	_ =	sdelay $0x2  }
0xa9: {  	v7 =	vld [tilespmem:s6+$0x0];
	_ =	sdelay $0x1  }
0xaa: {  	vm6 =	veq.s32 v9, v3;
	vm7 =	veq.s32 v9, v5  }
0xab: {  	vm8 =	vgt.u32 v9, $0xFFFFFFFD;
	vm4 =	vmor vm4, vm6;
	vm7 =	vmor vm7, vm6;
	v8, _, _ =	vpop (xrf0)  }
0xac: {  	vm5 =	vmand vm5, vm3;
	vm7 =	vmor vm7, vm8;
	v10 =	vxor.u32 $0x80000000, v8  }
.Ltmp5:
0xad: {  	v8 =	vsel vm7, $0xFFFFFFFF, v9;
	vm7 =	vlt.s32 v10, v7;
	v9 =	vsel vm5, $0x7FFFFFFF, v10;
	(pc) =	sbr.rel @p2 .LBB2_7-.Ltmp5, $4  }
0xae: {  	v6 =	vsel vm6, v10, v6;
	v11 =	vsel vm7, v10, v7;
	v7 =	vshift.insert v9, v0, s21  }
0xaf: {  	v9 =	vsel vm6, v10, v11  }
0xb0: {  	s0 =	sadd.s32 $0x10, s0;
	s2 =	sadd.s32 $0x10, s2;
	[tilespmem:s22+$0x0] =	vst v9  }
0xb1: {  	s6 =	sadd.s32 $0x10, s6;
	s22 =	sadd.s32 $0x10, s22;
	(ifvalue) =	ssetifvalue $0xFFFFFFFF  }
0xb2: {  	_ =	sdelay $0x3  }
0xb3: {  	[hbm4b:s1+s16] =	stream.indirect_vreg.scatter [tilespmem:s30], [sflag:$0x2], $0x1, v8, vm0, $0x4038;
	[tilespmem:$0x4770] =	vst v63  }
0xb4: {  	v3 =	vld [tilespmem:s28+$0x3F70];
	_ =	sdelay $0x4  }
0xb5: {  	v3 =	vshift.insert v3, v1, s21  }
0xb6: {  	s0 =	simm.s32 $0x30  }
0xb7: {  	[tilespmem:s0+$0x0] =	vst.msk $0x1, v3  }
0xb8: {  	v3 =	vsel vm4, $0x1, v1;
	[tilespmem:$0x90] =	vst v6  }
0xb9: {  	s0 =	sadd.s32 @!p1 $0x3F7F, s28;
	[tilespmem:$0xA0] =	vst v3  }
0xba: {  	[spmem:s14] =	stream.linear.scatter @!p1 [tilespmem:s0], [sflag:$0x1], $0x1, $0x38;
	[tilespmem:$0x4770] =	vst v63  }
0xbb: {  	s0 =	simm.s32 @!p1 $0x1  }
0xbc: {  	v3 =	vmctz.xlane @!p1 vm4;
	_ =	swait.ge @!p1 [sflag:s0], $0x1  }
0xbd: {  	(v2sf) =	vpush @!p1 v4, $0x0  }
0xbe: {  	(v2sf) =	vpush @!p1 v3, $0x0;
	_ =	sdelay $0xd  }
0xbf: {  	s2 =	spop @!p1 (v2sf)  }
0xc0: {  	s6 =	spop @!p1 (v2sf)  }
0xc1: {  	p2 =	sne.s32 @!p1 s26, s2;
	p3 =	slt.s32 @!p1 s6, $0xF  }
0xc2: {  	[sflag:s0] =	ssyncset.done @!p1 $0x0;
	p2 =	por p2, p1;
	p3 =	por !p3, p1  }
0xc3: {  	[sflag:s0] =	ssyncadd.s32 @!p1 $0xFFFFFFFF;
	v3 =	vimm.s32 @!p2 $0xFFFFFFFF;
	s6 =	simm.s32 @p3 $0xF  }
0xc4: {  	[tilespmem:$0x80] =	vst @!p2 v3;
	s2 =	sadd.s32 @!p1 $0x90, s6  }
0xc5: {  	[spmem:s10] =	stream.linear.scatter @!p1 [tilespmem:s2], [sflag:$0x1], $0x1, $0x38;
	[tilespmem:$0x4770] =	vst v63  }
0xc6: {  	_ =	swait.ge @!p1 [sflag:s0], $0x1  }
0xc7: {  	[sflag:s0] =	ssyncset.done @!p1 $0x0  }
0xc8: {  	s2 =	simm.s32 @!p1 $0x80;
	[sflag:s0] =	ssyncadd.s32 @!p1 $0xFFFFFFFF  }
0xc9: {  	[spmem:s15] =	stream.linear.scatter @!p1 [tilespmem:s2], [sflag:$0x1], $0x1, $0x38;
	[tilespmem:$0x4770] =	vst v63  }
0xca: {  	_ =	swait.ge @!p1 [sflag:s0], $0x1  }
0xcb: {  	[sflag:s0] =	ssyncset.done @!p1 $0x0  }
0xcc: {  	[sflag:s0] =	ssyncadd.s32 @!p1 $0xFFFFFFFF;
	(ifvalue) =	ssetifvalue $0xFFFFFFFF;
	v3 =	vld [tilespmem:s25+$0x10];
	_ =	sdelay $0x3  }
.Ltmp6:
0xcd: {  	_ = 	snop;
	(pc) =	sbr.rel .LBB2_9-.Ltmp6, $3  }
0xce: {  	_ =	sdelay $0x1  }
0xcf: {  	(ifvalue) =	ssetifvalue $0xFFFFFFFF  }
0xd0: {  	[hbm4b:s1+s16] =	stream.indirect_vreg.scatter [tilespmem:s29], [sflag:$0x9], $0x1, v3, vm0, $0x4038;
	[tilespmem:$0x4770] =	vst v63  }
.LBB2_10:
0xd1: {  	_ =	sfence.sel $0x180000  }
0xd2: {  	s0 =	simm.s32 $0x7;
	[bflag:$0x0] =	sbarrier.arrive $0xFFFF  }
0xd3: {  	s26 =	simm.s32 $0x8;
	[sflag:s0] =	ssyncpa.u1 $0x1  }
0xd4: {  	s28 =	simm.s32 $0x9;
	[sflag:s26] =	ssyncpa.u1 $0x1  }
0xd5: {  	[sflag:s28] =	ssyncpa.u1 $0x1  }
0xd6: {  	_ =	sfence.stream.spmem  }
0xd7: {  	s29 =	simm.s32 $0x3;
	[bflag:$0x0] =	sbarrier.arrive $0xFFFF  }
0xd8: {  	s30 =	simm.s32 $0x4;
	[sflag:s29] =	ssyncpa.u1 $0x1  }
0xd9: {  	s31 =	simm.s32 $0x3C;
	s2 =	stileid.u32;
	[sflag:s30] =	ssyncpa.u1 $0x1  }
0xda: {  	p0 =	sne.s32 s2, $0x0;
	[sflag:s31] =	ssyncpa.u1 $0x1  }
0xdb: {  	s0 =	simm.s32 @p0 $0x1;
	_ =	sfence @p0  }
0xdc: {  	[sflag:s0] =	ssyncpa.u1 @p0 $0x1;
	s0 =	simm.s32 @p0 $0x2  }
0xdd: {  	[sflag:s0] =	ssyncpa.u1 @p0 $0x1  }
0xde: {  	_ =	strace @p0 $0x90000047  }
0xdf: {  	[bflag:$0x2] =	sbarrier.arrive @p0 $0xFFFF  }
0xe0: {  	_ =	shalt @p0  }
.LBB2_11:
0xe1: {  	_ =	sfence.stream.spmem;
	s0 =	simm.s32 $0x5  }
0xe2: {  	s2 =	simm.s32 $0x80;
	s3 =	simm.s32 $0xC0;
	[sflag:s0] =	ssyncpa.u1 $0x0  }
0xe3: {  	[tilespmem:s3], [sflag:$0x5] =	stream.linear.gather [spmem:s2], $0x20, $0x38;
	[tilespmem:$0x4770] =	vst v63  }
0xe4: {  	s30 =	simm.s32 $0xE0;
	s2 =	simm.s32 $0x0  }
0xe5: {  	[tilespmem:s30], [sflag:$0x5] =	stream.linear.gather [spmem:s2], $0x20, $0x38;
	[tilespmem:$0x4770] =	vst v63  }
.Ltmp7:
0xe6: {  	_ = 	snop;
	(pc) =	sbr.rel .LBB2_12-.Ltmp7, $4  }
0xe7: {  	_ =	swait.ge [sflag:s0], $0x40  }
0xe8: {  	[sflag:s0] =	ssyncset.done $0x0  }
0xe9: {  	s31 =	simm.s32 $0x6;
	[sflag:s0] =	ssyncadd.s32 $0xFFFFFFC0  }
0xea: {  	s3 =	simm.s32 $0x0;
	[sflag:s31] =	ssyncpa.u1 $0x0  }
.LBB2_17:
0xeb: {  	p0 =	sgt.u32 s4, $0x53BFF  }
0xec: {  	s0 =	sshrl.u32 @!p0 s4, $0x3  }
0xed: {  	s4 =	sand.u32 @!p0 $0x7, s4;
	s5 =	simm.s32 @!p0 $0xB0;
	s0 =	sadd.s32 @!p0 s1, s0  }
0xee: {  	[tilespmem:s5], [sflag:$0x6] =	stream.linear.gather @!p0 [hbm4b:s0+s4], $0x1, $0x38;
	[tilespmem:$0x4770] =	vst v63  }
0xef: {  	s0 =	simm.s32 @!p0 $0x6  }
0xf0: {  	_ =	swait.ge @!p0 [sflag:s0], $0x1  }
0xf1: {  	[sflag:s0] =	ssyncset.done @!p0 $0x0  }
0xf2: {  	[sflag:s0] =	ssyncadd.s32 @!p0 $0xFFFFFFFF  }
0xf3: {  	v1 =	vld.msk @!p0 [tilespmem:$0xB0], $0x1  }
0xf4: {  	v2 =	vld.msk @!p0 [tilespmem:s3+$0xE0], $0x1;
	_ =	sdelay $0x4  }
0xf5: {  	vm0 =	vlt.s32 @!p0 v2, v1  }
0xf6: {  	v1 =	vsel @!p0 vm0, v2, v1  }
0xf7: {  	[tilespmem:s3+$0xE0] =	vst.msk @!p0 $0x1, v1  }
0xf8: {  	[tilespmem:s2+$0xC0] =	vst.msk $0x1, v0  }
0xf9: {  	v0 =	vld.msk [tilespmem:s3+$0xE0], $0x1;
	_ =	sdelay $0x4  }
0xfa: {  	[tilespmem:s2+$0xE0] =	vst.msk $0x1, v0;
	s2 =	sadd.s32 $0x1, s2  }
.LBB2_19:
0xfb: {  	s3 =	sadd.s32 $0x1, s3  }
0xfc: {  	p0 =	sne.s32 s3, $0x20  }
.Ltmp8:
0xfd: {  	_ = 	snop;
	(pc) =	sbr.rel @!p0 .LBB2_20-.Ltmp8, $1  }
0xfe: {  	_ =	sdelay $0x3  }
.LBB2_12:
0xff: {  	v0 =	vld.msk [tilespmem:s3+$0xC0], $0x1;
	_ =	sdelay $0x4  }
0x100: {  	(v2sf) =	vpush v0, $0x0;
	_ =	sdelay $0xe  }
0x101: {  	s4 =	spop (v2sf)  }
0x102: {  	p0 =	seq.s32 s4, $0xFFFFFFFF  }
.Ltmp9:
0x103: {  	_ = 	snop;
	(pc) =	sbr.rel @p0 .LBB2_19-.Ltmp9, $1  }
0x104: {  	_ =	sdelay $0x3  }
0x105: {  	p0 =	slt.s32 s2, $0x1  }
.Ltmp10:
0x106: {  	_ = 	snop;
	(pc) =	sbr.rel @p0 .LBB2_17-.Ltmp10, $1  }
0x107: {  	_ =	sdelay $0x3  }
0x108: {  	s0 =	simm.s32 $0xC0;
	p0 =	por $0x0, $0x0  }
0x109: {  	v1 =	vld.msk @!p0 [tilespmem:s0+$0x0], $0x1;
	_ =	sdelay $0x4  }
0x10a: {  	(v2sf) =	vpush @!p0 v1, $0x0;
	_ =	sdelay $0xd  }
0x10b: {  	p2 =	sne.s32 s2, $0x1  }
.Ltmp11:
0x10c: {  	s5 =	spop @!p0 (v2sf);
	(pc) =	sbr.rel @!p2 .LBB2_16-.Ltmp11, $4  }
0x10d: {  	p1 =	seq.s32 @!p0 s4, s5  }
0x10e: {  	s5 =	simm.s32 $0x0;
	p1 =	por !p1, p0  }
0x10f: {  	s7 =	simm.s32 $0xFFFFFFFF;
	s5 =	simm.s32 @p1 $0xFFFFFFFF  }
0x110: {  	s6 =	simm.s32 $0x1;
	s5 =	smov.u32 @p0 s7  }
.LBB2_15:
0x111: {  	s7 =	smov.u32 s5;
	p0 =	sne.s32 s5, $0xFFFFFFFF  }
0x112: {  	s0 =	sadd.s32 $0x1, s0;
	s5 =	smov.u32 s6;
	s6 =	sadd.s32 $0x1, s6  }
0x113: {  	p1 =	sne.s32 s2, s6;
	v1 =	vld.msk @!p0 [tilespmem:s0+$0x0], $0x1;
	_ =	sdelay $0x4  }
0x114: {  	(v2sf) =	vpush @!p0 v1, $0x0;
	_ =	sdelay $0xe  }
.Ltmp12:
0x115: {  	s8 =	spop @!p0 (v2sf);
	(pc) =	sbr.rel @p1 .LBB2_15-.Ltmp12, $4  }
0x116: {  	p2 =	seq.s32 @!p0 s4, s8  }
0x117: {  	p2 =	por !p2, p0  }
0x118: {  	s5 =	simm.s32 @p2 $0xFFFFFFFF  }
0x119: {  	s5 =	smov.u32 @p0 s7  }
.LBB2_16:
0x11a: {  	p0 =	sne.s32 s5, $0xFFFFFFFF  }
.Ltmp13:
0x11b: {  	_ = 	snop;
	(pc) =	sbr.rel @!p0 .LBB2_17-.Ltmp13, $1  }
0x11c: {  	_ =	sdelay $0x3  }
0x11d: {  	v0 =	vld.msk [tilespmem:s3+$0xE0], $0x1  }
0x11e: {  	v1 =	vld.msk [tilespmem:s5+$0xE0], $0x1;
	_ =	sdelay $0x2  }
.Ltmp14:
0x11f: {  	_ = 	snop;
	(pc) =	sbr.rel .LBB2_19-.Ltmp14, $4  }
0x120: {  	_ = 	snop  }
0x121: {  	vm0 =	vlt.s32 v1, v0  }
0x122: {  	v0 =	vsel vm0, v1, v0  }
0x123: {  	[tilespmem:s5+$0xE0] =	vst.msk $0x1, v0  }
.LBB2_20:
0x124: {  	p0 =	slt.s32 s2, $0x1  }
.Ltmp15:
0x125: {  	_ = 	snop;
	(pc) =	sbr.rel @p0 .LBB2_24-.Ltmp15, $3  }
0x126: {  	_ =	sdelay $0x1  }
0x127: {  	s0 =	simm.s32 $0x6  }
0x128: {  	s3 =	simm.s32 $0x0;
	[sflag:s0] =	ssyncpa.u1 $0x1  }
0x129: {  	s0 =	simm.s32 $0xC0  }
0x12a: {  	v0 =	vld.msk [tilespmem:s0+$0x0], $0x1;
	_ =	sdelay $0x4  }
0x12b: {  	(v2sf) =	vpush v0, $0x0;
	_ =	sdelay $0xe  }
0x12c: {  	s2 =	sadd.s32 $0xFFFFFFFF, s2;
	s4 =	spop (v2sf)  }
0x12d: {  	p1 =	sne.s32 s2, $0x0;
	p0 =	sgt.u32 s4, $0x53BFF  }
.Ltmp16:
0x12e: {  	s5 =	sshrl.u32 @!p0 s4, $0x3;
	(pc) =	sbr.rel @!p1 .LBB2_23-.Ltmp16, $4  }
0x12f: {  	s0 =	simm.s32 $0xE0;
	s4 =	sand.u32 @!p0 $0x7, s4;
	s5 =	sadd.s32 @!p0 s1, s5  }
0x130: {  	[hbm4b:s5+s4] =	stream.linear.scatter @!p0 [tilespmem:s0], [sflag:$0x5], $0x1, $0x38;
	[tilespmem:$0x4770] =	vst v63  }
0x131: {  	s5 =	simm.s32 $0x0  }
0x132: {  	s4 =	simm.s32 $0xC1;
	s5 =	simm.s32 @!p0 $0x4  }
.LBB2_22:
0x133: {  	v0 =	vld.msk [tilespmem:s4+$0x0], $0x1;
	s2 =	sadd.s32 $0xFFFFFFFF, s2;
	s3 =	sadd.s32 s3, s5  }
0x134: {  	p0 =	sne.s32 s2, $0x0;
	_ =	sdelay $0x3  }
0x135: {  	(v2sf) =	vpush v0, $0x0;
	_ =	sdelay $0xe  }
.Ltmp17:
0x136: {  	s6 =	spop (v2sf);
	(pc) =	sbr.rel @p0 .LBB2_22-.Ltmp17, $4  }
0x137: {  	s5 =	simm.s32 $0x0;
	p1 =	sgt.u32 s6, $0x53BFF  }
0x138: {  	s0 =	sadd.s32 $0x1, s0;
	s5 =	simm.s32 @!p1 $0x4;
	s7 =	sshrl.u32 @!p1 s6, $0x3  }
0x139: {  	s4 =	sadd.s32 $0x1, s4;
	s6 =	sand.u32 @!p1 $0x7, s6;
	s7 =	sadd.s32 @!p1 s1, s7  }
0x13a: {  	[hbm4b:s7+s6] =	stream.linear.scatter @!p1 [tilespmem:s0], [sflag:$0x5], $0x1, $0x38;
	[tilespmem:$0x4770] =	vst v63  }
.LBB2_23:
0x13b: {  	s0 =	sadd.s32 s3, s5  }
0x13c: {  	s3 =	sshrl.u32 s0, $0x2  }
.LBB2_24:
0x13d: {  	s0 =	simm.s32 $0x5  }
0x13e: {  	_ =	swait.ge [sflag:s0], s3  }
0x13f: {  	s1 =	ssub.s32 $0x0, s3;
	[sflag:s0] =	ssyncset.done $0x0  }
0x140: {  	[sflag:s0] =	ssyncadd.s32 s1  }
0x141: {  	[sflag:s0] =	ssyncpa.u1 $0x1  }
0x142: {  	s29 =	simm.s32 $0x1;
	_ =	sfence  }
0x143: {  	s30 =	simm.s32 $0x2;
	[sflag:s29] =	ssyncpa.u1 $0x1  }
0x144: {  	[sflag:s30] =	ssyncpa.u1 $0x1  }
0x145: {  	_ =	strace $0x90000047  }
0x146: {  	[bflag:$0x2] =	sbarrier.arrive $0xFFFF  }
0x147: {  	s31 =	rddreg [dreg:$0x1]  }
0x148: {  	s0 =	sadd.s32 $0x100000, s31  }
0x149: {  	[sflag:s0] =	ssyncadd.tile.s32 $0x1;
	_ =	shalt  }
.Lfunc_end2:
_tile_overlayer_lowered:
.L_overlay_start_2:
0x14a: {  	(tag) =	ssettag $0x2  }
0x14b: {  	s0 =	rddreg [dreg:$0x0];
	s2 =	stileid.u32  }
0x14c: {  	s1 =	rddreg [dreg:$0x1];
	p0 =	sne.s32 s2, $0x0  }
0x14d: {  	s3 =	rddreg [dreg:$0x2];
	[bflag:$0x3] =	sbarrier.arrive $0xFFFF;
	s2 =	simm.s32 @!p0 $0x1C01  }
0x14e: {  	[timem:s3], [sflag:s2] =	dma.local @!p0 [hbm:s0], s1  }
0x14f: {  	s0 =	simm.s32 @!p0 $0x1  }
0x150: {  	_ =	swait.ge @!p0 [sflag:s0], s1  }
0x151: {  	s1 =	ssub.s32 @!p0 $0x0, s1;
	[sflag:s0] =	ssyncset.done @!p0 $0x0  }
0x152: {  	[sflag:s0] =	ssyncadd.s32 @!p0 s1  }
0x153: {  	[bflag:$0x3] =	sbarrier.arrive $0xFFFF  }
0x154: {  	_ =	shalt  }

</sc_bundles>
